<compile_context>
chip_gen: v7x
topology: tpu7x:2x2x1
jax: 0.10.2.dev20260603
libtpu: 0.0.44.dev20260713+nightly
codegen_flags: <defaults>
</compile_context>

<pallas_src>
import functools

import jax
import jax.numpy as jnp
from jax import lax
from jax.experimental import pallas as pl
from jax.experimental.pallas import tpu as pltpu
from jax.experimental.pallas import tpu_sc as plsc

N = 10000
E = 320000
D = 128
H = 128
C = 40

NC = 2
NS = 16
NW = NC * NS
EPW = E // NW
CH = 100
NCHUNK = EPW // CH
NP = 10240
ROWS_PT = NP // NS


def _sc_agg_body(eidx_hbm, x_hbm, zf_hbm, part_hbm,
                 acc, ib, rows_v, gsem0, gsem1, isem0, isem1):
    cid = lax.axis_index("c")
    sid = lax.axis_index("s")
    wid = cid * NS + sid

    pltpu.sync_copy(zf_hbm.at[pl.ds(sid * ROWS_PT, ROWS_PT)],
                    acc.at[pl.ds(sid * ROWS_PT, ROWS_PT)])
    plsc.subcore_barrier()

    gsem = (gsem0, gsem1)
    isem = (isem0, isem1)

    pltpu.sync_copy(eidx_hbm.at[wid, 0], ib.at[0])
    pltpu.async_copy(x_hbm.at[ib.at[0, 0]], rows_v.at[0], gsem[0])
    pltpu.async_copy(eidx_hbm.at[wid, 1], ib.at[1], isem[1])

    def step(j, cur, nxt):
        @pl.when(j + 1 < NCHUNK)
        def _():
            pltpu.make_async_copy(eidx_hbm.at[wid, j + 1], ib.at[nxt],
                                  isem[nxt]).wait()
            pltpu.async_copy(x_hbm.at[ib.at[nxt, 0]], rows_v.at[nxt],
                             gsem[nxt])
        pltpu.make_async_copy(x_hbm.at[ib.at[cur, 0]], rows_v.at[cur],
                              gsem[cur]).wait()
        pltpu.sync_copy(rows_v.at[cur], acc.at[ib.at[cur, 1]], add=True)

        @pl.when(j + 2 < NCHUNK)
        def _():
            pltpu.async_copy(eidx_hbm.at[wid, j + 2], ib.at[cur], isem[cur])

    def chunk(j, _):
        @pl.when(j % 2 == 0)
        def _():
            step(j, 0, 1)

        @pl.when(j % 2 == 1)
        def _():
            step(j, 1, 0)
        return 0

    lax.fori_loop(0, NCHUNK, chunk, 0)
    plsc.subcore_barrier()

    pltpu.sync_copy(acc.at[pl.ds(sid * ROWS_PT, ROWS_PT)],
                    part_hbm.at[cid, pl.ds(sid * ROWS_PT, ROWS_PT)])


def _make_sc_agg(w=D):
    mesh = plsc.VectorSubcoreMesh(core_axis_name="c", subcore_axis_name="s")
    return pl.kernel(
        _sc_agg_body,
        out_type=jax.ShapeDtypeStruct((NC, NP, w), jnp.float32),
        mesh=mesh,
        scratch_types=[
            pltpu.VMEM_SHARED((NP, w), jnp.float32),
            pltpu.VMEM((2, 2, CH), jnp.int32),
            pltpu.VMEM((2, CH, w), jnp.float32),
            pltpu.SemaphoreType.DMA,
            pltpu.SemaphoreType.DMA,
            pltpu.SemaphoreType.DMA,
            pltpu.SemaphoreType.DMA,
        ],
    )


def _sc_cnt_body(dst_hbm, zf_hbm, ones_hbm, pcnt_hbm,
                 acc_cnt, dst_v, ones_v, csem0, csem1):
    cid = lax.axis_index("c")
    sid = lax.axis_index("s")
    wid = cid * NS + sid

    pltpu.sync_copy(zf_hbm.at[pl.ds(sid * ROWS_PT, ROWS_PT)],
                    acc_cnt.at[pl.ds(sid * ROWS_PT, ROWS_PT)])
    pltpu.sync_copy(ones_hbm, ones_v)
    pltpu.sync_copy(dst_hbm.at[wid], dst_v)
    plsc.subcore_barrier()

    csem = (csem0, csem1)
    pltpu.async_copy(ones_v, acc_cnt.at[dst_v.at[0]], csem[0], add=True)

    def cstep(j, cur, nxt):
        @pl.when(j + 1 < NCHUNK)
        def _():
            pltpu.async_copy(ones_v, acc_cnt.at[dst_v.at[j + 1]], csem[nxt],
                             add=True)
        pltpu.make_async_copy(ones_v, acc_cnt.at[dst_v.at[j]],
                              csem[cur]).wait()

    def chunk(j, _):
        @pl.when(j % 2 == 0)
        def _():
            cstep(j, 0, 1)

        @pl.when(j % 2 == 1)
        def _():
            cstep(j, 1, 0)
        return 0

    lax.fori_loop(0, NCHUNK, chunk, 0)
    plsc.subcore_barrier()

    pltpu.sync_copy(acc_cnt.at[pl.ds(sid * ROWS_PT, ROWS_PT)],
                    pcnt_hbm.at[cid, pl.ds(sid * ROWS_PT, ROWS_PT)])


def _make_sc_cnt():
    mesh = plsc.VectorSubcoreMesh(core_axis_name="c", subcore_axis_name="s")
    return pl.kernel(
        _sc_cnt_body,
        out_type=jax.ShapeDtypeStruct((NC, NP, D), jnp.float32),
        mesh=mesh,
        scratch_types=[
            pltpu.VMEM_SHARED((NP, D), jnp.float32),
            pltpu.VMEM((NCHUNK, CH), jnp.int32),
            pltpu.VMEM((CH, D), jnp.float32),
            pltpu.SemaphoreType.DMA,
            pltpu.SemaphoreType.DMA,
        ],
    )


def _tc_pre_body(x_ref, wr_ref, b_ref, out_ref):
    out_ref[...] = jnp.dot(x_ref[...], wr_ref[...],
                           precision=lax.Precision.HIGHEST,
                           preferred_element_type=jnp.float32) + b_ref[...]


def _tc_pre(x, wr, b):
    bn = 2000
    fout = wr.shape[1]
    return pl.pallas_call(
        _tc_pre_body,
        grid=(N // bn,),
        in_specs=[
            pl.BlockSpec((bn, D), lambda i: (i, 0)),
            pl.BlockSpec((D, fout), lambda i: (0, 0)),
            pl.BlockSpec((1, fout), lambda i: (0, 0)),
        ],
        out_specs=pl.BlockSpec((bn, fout), lambda i: (i, 0)),
        out_shape=jax.ShapeDtypeStruct((N, fout), jnp.float32),
    )(x, wr, b.reshape(1, fout))


def _tc_post_body(relu, part_ref, pcnt_ref, v_ref, wl_ref, out_ref):
    cnt = pcnt_ref[0, :, 0] + pcnt_ref[1, :, 0]
    inv = 1.0 / jnp.maximum(cnt, 1.0)
    u = jnp.dot(part_ref[0] + part_ref[1], wl_ref[...],
                precision=lax.Precision.HIGHEST,
                preferred_element_type=jnp.float32)
    acc = u * inv[:, None] + v_ref[...]
    out_ref[...] = jnp.maximum(acc, 0.0) if relu else acc


def _tc_post(part, pcnt, v, wl, relu):
    bn = 2000
    fout = wl.shape[1]
    return pl.pallas_call(
        functools.partial(_tc_post_body, relu),
        grid=(N // bn,),
        in_specs=[
            pl.BlockSpec((NC, bn, D), lambda i: (0, i, 0)),
            pl.BlockSpec((NC, bn, 8), lambda i: (0, i, 0)),
            pl.BlockSpec((bn, fout), lambda i: (i, 0)),
            pl.BlockSpec((D, fout), lambda i: (0, 0)),
        ],
        out_specs=pl.BlockSpec((bn, fout), lambda i: (i, 0)),
        out_shape=jax.ShapeDtypeStruct((N, fout), jnp.float32),
    )(part, pcnt, v, wl)


_sc_agg = _make_sc_agg()
_sc_agg48 = _make_sc_agg(48)
_sc_cnt = _make_sc_cnt()


def kernel(x, edge_index, Wl1, Wr1, b1, Wl2, Wr2, b2, Wl3, Wr3, b3):
    src = edge_index[0].reshape(NW, NCHUNK, CH)
    dst = edge_index[1].reshape(NW, NCHUNK, CH)
    eidx = jnp.stack([src, dst], axis=2)
    zf = jnp.zeros((NP, D), jnp.float32)
    ones = jnp.ones((CH, D), jnp.float32)

    pcnt = _sc_cnt(dst, zf, ones)[:, :, :8]
    part1 = _sc_agg(eidx, x, zf)
    v1 = _tc_pre(x, Wr1, b1)
    h1 = _tc_post(part1, pcnt, v1, Wl1, relu=True)
    part2 = _sc_agg(eidx, h1, zf)
    v2 = _tc_pre(h1, Wr2, b2)
    h2 = _tc_post(part2, pcnt, v2, Wl2, relu=True)
    part3 = _sc_agg(eidx, h2, zf)
    v3 = _tc_pre(h2, Wr3, b3)
    out = _tc_post(part3, pcnt, v3, Wl3, relu=False)
    return out

# --- scband reference (transcript-rebuilt; emitter-appended) ---
"""Pipeline reference for scband-graph-sage-89936615178566 (READ-ONLY COPY).

The authoritative reference and input builder live on the scoring server;
editing this copy changes nothing except your own understanding.
"""

import jax, jax.numpy as jnp
import numpy as np

N = 10000
E = 320000
D = 128
H = 128
C = 40


def setup_inputs(seed: int = 0) -> dict:
    key = jax.random.key(seed)
    ks = jax.random.split(key, 12)
    x = jax.random.normal(ks[0], (N, D), dtype=jnp.float32)
    edge_index = jax.random.randint(ks[1], (2, E), 0, N, dtype=jnp.int32)
    def lin(k, fan_in, fan_out):
        return jax.random.normal(k, (fan_in, fan_out), dtype=jnp.float32) * (1.0 / np.sqrt(fan_in))
    return {
        "x": x,
        "edge_index": edge_index,
        "Wl1": lin(ks[2], D, H), "Wr1": lin(ks[3], D, H), "b1": jnp.zeros((H,), jnp.float32),
        "Wl2": lin(ks[4], H, H), "Wr2": lin(ks[5], H, H), "b2": jnp.zeros((H,), jnp.float32),
        "Wl3": lin(ks[6], H, C), "Wr3": lin(ks[7], H, C), "b3": jnp.zeros((C,), jnp.float32),
    }


def _sage_conv(x, src, dst, Wl, Wr, b):
    # PyG SAGEConv(aggr='mean'): out = lin_l(mean_{j in N(i)} x_j) + lin_r(x_i)
    msg = jnp.take(x, src, axis=0)
    agg = jax.ops.segment_sum(msg, dst, num_segments=N)
    cnt = jax.ops.segment_sum(jnp.ones((src.shape[0],), jnp.float32), dst, num_segments=N)
    mean = agg / jnp.clip(cnt, 1.0, None)[:, None]
    return mean @ Wl + b + x @ Wr


def reference(x, edge_index, Wl1, Wr1, b1, Wl2, Wr2, b2, Wl3, Wr3, b3):
    src = edge_index[0]
    dst = edge_index[1]
    # layer 1
    h = _sage_conv(x, src, dst, Wl1, Wr1, b1)
    h = jax.nn.relu(h)  # dropout_p=0.0 / eval mode: dropout is identity
    # layer 2
    h = _sage_conv(h, src, dst, Wl2, Wr2, b2)
    h = jax.nn.relu(h)
    # layer 3 (no activation)
    out = _sage_conv(h, src, dst, Wl3, Wr3, b3)
    return out

if __name__ == "__main__":
    import jax
    _d = setup_inputs()
    print(jax.jit(kernel)(*tuple(_d.values())))

</pallas_src>

<mosaic_0001>
#map = affine_map<(d0, d1) -> (0, 0, 0, 0)>
#map1 = affine_map<(d0, d1) -> (0, 0)>
#map2 = affine_map<(d0, d1) -> (0, 0, 0)>
module attributes {stable_mosaic.version = 14 : i64} {
  func.func @_sc_agg_body(%arg0: i32, %arg1: i32, %arg2: memref<32x100x2x100xi32, #tpu.memory_space<hbm>>, %arg3: memref<10000x128xf32, #tpu.memory_space<hbm>>, %arg4: memref<10240x128xf32, #tpu.memory_space<hbm>>, %arg5: memref<2x10240x128xf32, #tpu.memory_space<hbm>>, %arg6: memref<10240x128xf32, #tpu.memory_space<vmem_shared>>, %arg7: memref<2x2x100xi32, #tpu.memory_space<vmem>>, %arg8: memref<2x100x128xf32, #tpu.memory_space<vmem>>, %arg9: memref<!tpu.dma_semaphore, #tpu.memory_space<semaphore_mem>>, %arg10: memref<!tpu.dma_semaphore, #tpu.memory_space<semaphore_mem>>, %arg11: memref<!tpu.dma_semaphore, #tpu.memory_space<semaphore_mem>>, %arg12: memref<!tpu.dma_semaphore, #tpu.memory_space<semaphore_mem>>) attributes {dimension_semantics = [#tpu.dimension_semantics<core_parallel>, #tpu.dimension_semantics<subcore_parallel>], iteration_bounds = array<i64: 2, 16>, scalar_prefetch = 0 : i64, scratch_operands = 7 : i64, tpu.core_type = #tpu.core_type<sc_vector_subcore>, window_params = [{transform_indices = #map}, {transform_indices = #map1}, {transform_indices = #map1}, {transform_indices = #map2}]} {
    %mul3A = arith.constant 16 : i32
    %mul3A_0 = arith.muli %arg0, %mul3A : i32
    %add3A = arith.addi %mul3A_0, %arg1 : i32
    %mul3A_1 = arith.constant 640 : i32
    %mul3A_2 = arith.muli %arg1, %mul3A_1 : i32
    %mul3A_3 = arith.constant 640 : i32
    %mul3A_4 = arith.muli %arg1, %mul3A_3 : i32
    "tpu.region"() ({
      %run_scoped3A_47 = tpu.sem_alloc : memref<!tpu.dma_semaphore, #tpu.memory_space<semaphore_mem>>
      %dma_start3A_48 = arith.constant 0 : i32
      %dma_start3A_49 = tpu.memref_slice %arg6[%mul3A_4, %dma_start3A_48] : memref<10240x128xf32, #tpu.memory_space<vmem_shared>> -> memref<640x128xf32, #tpu.memory_space<vmem_shared>>
      %dma_start3A_50 = arith.constant 0 : i32
      %dma_start3A_51 = tpu.memref_slice %arg4[%mul3A_2, %dma_start3A_50] : memref<10240x128xf32, #tpu.memory_space<hbm>> -> memref<640x128xf32, #tpu.memory_space<hbm>>
      tpu.enqueue_dma source(%dma_start3A_51 : memref<640x128xf32, #tpu.memory_space<hbm>>) target(%dma_start3A_49 : memref<640x128xf32, #tpu.memory_space<vmem_shared>>) target_semaphore(%run_scoped3A_47 : memref<!tpu.dma_semaphore, #tpu.memory_space<semaphore_mem>>)
      %dma_wait3A = arith.constant 0 : i32
      %dma_wait3A_52 = tpu.memref_slice %arg6[%mul3A_4, %dma_wait3A] : memref<10240x128xf32, #tpu.memory_space<vmem_shared>> -> memref<640x128xf32, #tpu.memory_space<vmem_shared>>
      %dma_wait3A_53 = arith.constant 0 : i32
      %dma_wait3A_54 = tpu.memref_slice %arg4[%mul3A_2, %dma_wait3A_53] : memref<10240x128xf32, #tpu.memory_space<hbm>> -> memref<640x128xf32, #tpu.memory_space<hbm>>
      tpu.wait_dma2 semaphore(%run_scoped3A_47 : memref<!tpu.dma_semaphore, #tpu.memory_space<semaphore_mem>>) src(%dma_wait3A_54 : memref<640x128xf32, #tpu.memory_space<hbm>>) dst(%dma_wait3A_52 : memref<640x128xf32, #tpu.memory_space<vmem_shared>>)
      tpu.yield
    }) : () -> ()
    %barrier3A = arith.constant 0 : index
    tpu.barrier barrier_id(%barrier3A)
    %run_scoped3A = arith.constant 0 : i32
    %run_scoped3A_5 = arith.constant 0 : i32
    "tpu.region"() ({
      %run_scoped3A_47 = tpu.sem_alloc : memref<!tpu.dma_semaphore, #tpu.memory_space<semaphore_mem>>
      %dma_start3A_48 = arith.constant 0 : i32
      %dma_start3A_49 = arith.constant 0 : i32
      %dma_start3A_50 = tpu.memref_slice %arg7[%run_scoped3A_5, %dma_start3A_48, %dma_start3A_49] : memref<2x2x100xi32, #tpu.memory_space<vmem>> -> memref<1x2x100xi32, #tpu.memory_space<vmem>>
      %dma_start3A_51 = tpu.memref_squeeze %dma_start3A_50 : memref<1x2x100xi32, #tpu.memory_space<vmem>> -> memref<2x100xi32, #tpu.memory_space<vmem>>
      %dma_start3A_52 = arith.constant 0 : i32
      %dma_start3A_53 = arith.constant 0 : i32
      %dma_start3A_54 = tpu.memref_slice %arg2[%add3A, %run_scoped3A, %dma_start3A_52, %dma_start3A_53] : memref<32x100x2x100xi32, #tpu.memory_space<hbm>> -> memref<1x1x2x100xi32, #tpu.memory_space<hbm>>
      %dma_start3A_55 = tpu.memref_squeeze %dma_start3A_54 : memref<1x1x2x100xi32, #tpu.memory_space<hbm>> -> memref<2x100xi32, #tpu.memory_space<hbm>>
      %dma_start3A_56 = arith.constant 0 : i32
      %dma_start3A_57 = arith.constant 0 : i32
      %dma_start3A_58 = tpu.memref_slice %arg7[%run_scoped3A_5, %dma_start3A_56, %dma_start3A_57] : memref<2x2x100xi32, #tpu.memory_space<vmem>> -> memref<1x2x100xi32, #tpu.memory_space<vmem>>
      %dma_start3A_59 = tpu.memref_squeeze %dma_start3A_58 : memref<1x2x100xi32, #tpu.memory_space<vmem>> -> memref<2x100xi32, #tpu.memory_space<vmem>>
      %dma_start3A_60 = arith.constant 0 : i32
      %dma_start3A_61 = arith.constant 0 : i32
      %dma_start3A_62 = tpu.memref_slice %arg2[%add3A, %run_scoped3A, %dma_start3A_60, %dma_start3A_61] : memref<32x100x2x100xi32, #tpu.memory_space<hbm>> -> memref<1x1x2x100xi32, #tpu.memory_space<hbm>>
      %dma_start3A_63 = tpu.memref_squeeze %dma_start3A_62 : memref<1x1x2x100xi32, #tpu.memory_space<hbm>> -> memref<2x100xi32, #tpu.memory_space<hbm>>
      tpu.enqueue_dma source(%dma_start3A_63 : memref<2x100xi32, #tpu.memory_space<hbm>>) target(%dma_start3A_59 : memref<2x100xi32, #tpu.memory_space<vmem>>) target_semaphore(%run_scoped3A_47 : memref<!tpu.dma_semaphore, #tpu.memory_space<semaphore_mem>>)
      %dma_wait3A = arith.constant 0 : i32
      %dma_wait3A_64 = arith.constant 0 : i32
      %dma_wait3A_65 = tpu.memref_slice %arg7[%run_scoped3A_5, %dma_wait3A, %dma_wait3A_64] : memref<2x2x100xi32, #tpu.memory_space<vmem>> -> memref<1x2x100xi32, #tpu.memory_space<vmem>>
      %dma_wait3A_66 = tpu.memref_squeeze %dma_wait3A_65 : memref<1x2x100xi32, #tpu.memory_space<vmem>> -> memref<2x100xi32, #tpu.memory_space<vmem>>
      %dma_wait3A_67 = arith.constant 0 : i32
      %dma_wait3A_68 = arith.constant 0 : i32
      %dma_wait3A_69 = tpu.memref_slice %arg2[%add3A, %run_scoped3A, %dma_wait3A_67, %dma_wait3A_68] : memref<32x100x2x100xi32, #tpu.memory_space<hbm>> -> memref<1x1x2x100xi32, #tpu.memory_space<hbm>>
      %dma_wait3A_70 = tpu.memref_squeeze %dma_wait3A_69 : memref<1x1x2x100xi32, #tpu.memory_space<hbm>> -> memref<2x100xi32, #tpu.memory_space<hbm>>
      %dma_wait3A_71 = arith.constant 0 : i32
      %dma_wait3A_72 = arith.constant 0 : i32
      %dma_wait3A_73 = tpu.memref_slice %arg7[%run_scoped3A_5, %dma_wait3A_71, %dma_wait3A_72] : memref<2x2x100xi32, #tpu.memory_space<vmem>> -> memref<1x2x100xi32, #tpu.memory_space<vmem>>
      %dma_wait3A_74 = tpu.memref_squeeze %dma_wait3A_73 : memref<1x2x100xi32, #tpu.memory_space<vmem>> -> memref<2x100xi32, #tpu.memory_space<vmem>>
      %dma_wait3A_75 = arith.constant 0 : i32
      %dma_wait3A_76 = arith.constant 0 : i32
      %dma_wait3A_77 = tpu.memref_slice %arg2[%add3A, %run_scoped3A, %dma_wait3A_75, %dma_wait3A_76] : memref<32x100x2x100xi32, #tpu.memory_space<hbm>> -> memref<1x1x2x100xi32, #tpu.memory_space<hbm>>
      %dma_wait3A_78 = tpu.memref_squeeze %dma_wait3A_77 : memref<1x1x2x100xi32, #tpu.memory_space<hbm>> -> memref<2x100xi32, #tpu.memory_space<hbm>>
      tpu.wait_dma2 semaphore(%run_scoped3A_47 : memref<!tpu.dma_semaphore, #tpu.memory_space<semaphore_mem>>) src(%dma_wait3A_78 : memref<2x100xi32, #tpu.memory_space<hbm>>) dst(%dma_wait3A_74 : memref<2x100xi32, #tpu.memory_space<vmem>>)
      tpu.yield
    }) : () -> ()
    %dma_start3A = arith.constant 0 : i32
    %dma_start3A_6 = arith.constant 0 : i32
    %dma_start3A_7 = arith.constant 0 : i32
    %dma_start3A_8 = arith.constant 0 : i32
    %dma_start3A_9 = arith.constant 0 : i32
    %dma_start3A_10 = tpu.memref_slice %arg8[%dma_start3A_7, %dma_start3A_8, %dma_start3A_9] : memref<2x100x128xf32, #tpu.memory_space<vmem>> -> memref<1x100x128xf32, #tpu.memory_space<vmem>>
    %dma_start3A_11 = tpu.memref_squeeze %dma_start3A_10 : memref<1x100x128xf32, #tpu.memory_space<vmem>> -> memref<100x128xf32, #tpu.memory_space<vmem>>
    %dma_start3A_12 = arith.constant 0 : i32
    %dma_start3A_13 = tpu.memref_slice %arg7[%dma_start3A, %dma_start3A_6, %dma_start3A_12] : memref<2x2x100xi32, #tpu.memory_space<vmem>> -> memref<1x1x100xi32, #tpu.memory_space<vmem>>
    %dma_start3A_14 = tpu.memref_squeeze %dma_start3A_13 : memref<1x1x100xi32, #tpu.memory_space<vmem>> -> memref<100xi32, #tpu.memory_space<vmem>>
    %dma_start3A_15 = arith.constant 0 : i32
    %dma_start3A_16 = arith.constant 0 : i32
    %dma_start3A_17 = tpu.memref_slice %arg3[%dma_start3A_15, %dma_start3A_16] : memref<10000x128xf32, #tpu.memory_space<hbm>> -> memref<10000x128xf32, #tpu.memory_space<hbm>>
    tpu.enqueue_indirect_dma source(%dma_start3A_17 : memref<10000x128xf32, #tpu.memory_space<hbm>>) target(%dma_start3A_11 : memref<100x128xf32, #tpu.memory_space<vmem>>) offsets(%dma_start3A_14 : memref<100xi32, #tpu.memory_space<vmem>>) semaphore(%arg9 : memref<!tpu.dma_semaphore, #tpu.memory_space<semaphore_mem>>)
    %dma_start3A_18 = arith.constant 1 : i32
    %dma_start3A_19 = arith.constant 1 : i32
    %dma_start3A_20 = arith.constant 0 : i32
    %dma_start3A_21 = arith.constant 0 : i32
    %dma_start3A_22 = tpu.memref_slice %arg7[%dma_start3A_19, %dma_start3A_20, %dma_start3A_21] : memref<2x2x100xi32, #tpu.memory_space<vmem>> -> memref<1x2x100xi32, #tpu.memory_space<vmem>>
    %dma_start3A_23 = tpu.memref_squeeze %dma_start3A_22 : memref<1x2x100xi32, #tpu.memory_space<vmem>> -> memref<2x100xi32, #tpu.memory_space<vmem>>
    %dma_start3A_24 = arith.constant 0 : i32
    %dma_start3A_25 = arith.constant 0 : i32
    %dma_start3A_26 = tpu.memref_slice %arg2[%add3A, %dma_start3A_18, %dma_start3A_24, %dma_start3A_25] : memref<32x100x2x100xi32, #tpu.memory_space<hbm>> -> memref<1x1x2x100xi32, #tpu.memory_space<hbm>>
    %dma_start3A_27 = tpu.memref_squeeze %dma_start3A_26 : memref<1x1x2x100xi32, #tpu.memory_space<hbm>> -> memref<2x100xi32, #tpu.memory_space<hbm>>
    %dma_start3A_28 = arith.constant 0 : i32
    %dma_start3A_29 = arith.constant 0 : i32
    %dma_start3A_30 = tpu.memref_slice %arg7[%dma_start3A_19, %dma_start3A_28, %dma_start3A_29] : memref<2x2x100xi32, #tpu.memory_space<vmem>> -> memref<1x2x100xi32, #tpu.memory_space<vmem>>
    %dma_start3A_31 = tpu.memref_squeeze %dma_start3A_30 : memref<1x2x100xi32, #tpu.memory_space<vmem>> -> memref<2x100xi32, #tpu.memory_space<vmem>>
    %dma_start3A_32 = arith.constant 0 : i32
    %dma_start3A_33 = arith.constant 0 : i32
    %dma_start3A_34 = tpu.memref_slice %arg2[%add3A, %dma_start3A_18, %dma_start3A_32, %dma_start3A_33] : memref<32x100x2x100xi32, #tpu.memory_space<hbm>> -> memref<1x1x2x100xi32, #tpu.memory_space<hbm>>
    %dma_start3A_35 = tpu.memref_squeeze %dma_start3A_34 : memref<1x1x2x100xi32, #tpu.memory_space<hbm>> -> memref<2x100xi32, #tpu.memory_space<hbm>>
    tpu.enqueue_dma source(%dma_start3A_35 : memref<2x100xi32, #tpu.memory_space<hbm>>) target(%dma_start3A_31 : memref<2x100xi32, #tpu.memory_space<vmem>>) target_semaphore(%arg12 : memref<!tpu.dma_semaphore, #tpu.memory_space<semaphore_mem>>)
    %scan3A = arith.constant 0 : i32
    %scan3A_36 = arith.constant 0 : i32
    %scan3A_37 = arith.constant 100 : i32
    %scan3A_38 = arith.addi %scan3A_36, %scan3A_37 : i32
    %scan3A_39 = arith.constant 1 : i32
    %scan3A_40 = scf.for %scan3A_47 = %scan3A_36 to %scan3A_38 step %scan3A_39 iter_args(%scan3A_48 = %scan3A) -> (i32)  : i32 {
      %jit3A = arith.constant 2 : i32
      %eq3A = arith.constant 0 : i32
      %eq3A_49 = arith.cmpi eq, %jit3A, %eq3A : i32
      %jit3A_50 = arith.constant 1 : i32
      %select_n3A = arith.select %eq3A_49, %jit3A_50, %jit3A : i32
      %rem3A = arith.remsi %scan3A_47, %select_n3A : i32
      %ne3A = arith.constant 0 : i32
      %ne3A_51 = arith.cmpi ne, %rem3A, %ne3A : i32
      %lt3A = arith.constant 0 : i32
      %lt3A_52 = arith.cmpi slt, %rem3A, %lt3A : i32
      %lt3A_53 = arith.constant 0 : i32
      %lt3A_54 = arith.cmpi slt, %select_n3A, %lt3A_53 : i32
      %ne3A_55 = arith.xori %lt3A_52, %lt3A_54 : i1
      %and3A = arith.andi %ne3A_55, %ne3A_51 : i1
      %add3A_56 = arith.addi %rem3A, %select_n3A : i32
      %select_n3A_57 = arith.select %and3A, %add3A_56, %rem3A : i32
      %eq3A_58 = arith.constant 0 : i32
      %eq3A_59 = arith.cmpi eq, %select_n3A_57, %eq3A_58 : i32
      %convert_element_type3A = arith.extui %eq3A_59 : i1 to i32
      %cond3A = arith.constant 0 : i32
      %cond3A_60 = arith.cmpi ne, %convert_element_type3A, %cond3A : i32
      scf.if %cond3A_60 {
        %add3A_83 = arith.constant 1 : i32
        %add3A_84 = arith.addi %scan3A_47, %add3A_83 : i32
        %lt3A_85 = arith.constant 100 : i32
        %lt3A_86 = arith.cmpi slt, %add3A_84, %lt3A_85 : i32
        %convert_element_type3A_87 = arith.extui %lt3A_86 : i1 to i32
        %cond3A_88 = arith.constant 0 : i32
        %cond3A_89 = arith.cmpi ne, %convert_element_type3A_87, %cond3A_88 : i32
        scf.if %cond3A_89 {
          %add3A_112 = arith.constant 1 : i32
          %add3A_113 = arith.addi %scan3A_47, %add3A_112 : i32
          %dma_wait3A_114 = arith.constant 1 : i32
          %dma_wait3A_115 = arith.constant 0 : i32
          %dma_wait3A_116 = arith.constant 0 : i32
          %dma_wait3A_117 = tpu.memref_slice %arg7[%dma_wait3A_114, %dma_wait3A_115, %dma_wait3A_116] : memref<2x2x100xi32, #tpu.memory_space<vmem>> -> memref<1x2x100xi32, #tpu.memory_space<vmem>>
          %dma_wait3A_118 = tpu.memref_squeeze %dma_wait3A_117 : memref<1x2x100xi32, #tpu.memory_space<vmem>> -> memref<2x100xi32, #tpu.memory_space<vmem>>
          %dma_wait3A_119 = arith.constant 0 : i32
          %dma_wait3A_120 = arith.constant 0 : i32
          %dma_wait3A_121 = tpu.memref_slice %arg2[%add3A, %add3A_113, %dma_wait3A_119, %dma_wait3A_120] : memref<32x100x2x100xi32, #tpu.memory_space<hbm>> -> memref<1x1x2x100xi32, #tpu.memory_space<hbm>>
          %dma_wait3A_122 = tpu.memref_squeeze %dma_wait3A_121 : memref<1x1x2x100xi32, #tpu.memory_space<hbm>> -> memref<2x100xi32, #tpu.memory_space<hbm>>
          %dma_wait3A_123 = arith.constant 0 : i32
          %dma_wait3A_124 = arith.constant 0 : i32
          %dma_wait3A_125 = tpu.memref_slice %arg7[%dma_wait3A_114, %dma_wait3A_123, %dma_wait3A_124] : memref<2x2x100xi32, #tpu.memory_space<vmem>> -> memref<1x2x100xi32, #tpu.memory_space<vmem>>
          %dma_wait3A_126 = tpu.memref_squeeze %dma_wait3A_125 : memref<1x2x100xi32, #tpu.memory_space<vmem>> -> memref<2x100xi32, #tpu.memory_space<vmem>>
          %dma_wait3A_127 = arith.constant 0 : i32
          %dma_wait3A_128 = arith.constant 0 : i32
          %dma_wait3A_129 = tpu.memref_slice %arg2[%add3A, %add3A_113, %dma_wait3A_127, %dma_wait3A_128] : memref<32x100x2x100xi32, #tpu.memory_space<hbm>> -> memref<1x1x2x100xi32, #tpu.memory_space<hbm>>
          %dma_wait3A_130 = tpu.memref_squeeze %dma_wait3A_129 : memref<1x1x2x100xi32, #tpu.memory_space<hbm>> -> memref<2x100xi32, #tpu.memory_space<hbm>>
          tpu.wait_dma2 semaphore(%arg12 : memref<!tpu.dma_semaphore, #tpu.memory_space<semaphore_mem>>) src(%dma_wait3A_130 : memref<2x100xi32, #tpu.memory_space<hbm>>) dst(%dma_wait3A_126 : memref<2x100xi32, #tpu.memory_space<vmem>>)
          %dma_start3A_131 = arith.constant 1 : i32
          %dma_start3A_132 = arith.constant 0 : i32
          %dma_start3A_133 = arith.constant 1 : i32
          %dma_start3A_134 = arith.constant 0 : i32
          %dma_start3A_135 = arith.constant 0 : i32
          %dma_start3A_136 = tpu.memref_slice %arg8[%dma_start3A_133, %dma_start3A_134, %dma_start3A_135] : memref<2x100x128xf32, #tpu.memory_space<vmem>> -> memref<1x100x128xf32, #tpu.memory_space<vmem>>
          %dma_start3A_137 = tpu.memref_squeeze %dma_start3A_136 : memref<1x100x128xf32, #tpu.memory_space<vmem>> -> memref<100x128xf32, #tpu.memory_space<vmem>>
          %dma_start3A_138 = arith.constant 0 : i32
          %dma_start3A_139 = tpu.memref_slice %arg7[%dma_start3A_131, %dma_start3A_132, %dma_start3A_138] : memref<2x2x100xi32, #tpu.memory_space<vmem>> -> memref<1x1x100xi32, #tpu.memory_space<vmem>>
          %dma_start3A_140 = tpu.memref_squeeze %dma_start3A_139 : memref<1x1x100xi32, #tpu.memory_space<vmem>> -> memref<100xi32, #tpu.memory_space<vmem>>
          %dma_start3A_141 = arith.constant 0 : i32
          %dma_start3A_142 = arith.constant 0 : i32
          %dma_start3A_143 = tpu.memref_slice %arg3[%dma_start3A_141, %dma_start3A_142] : memref<10000x128xf32, #tpu.memory_space<hbm>> -> memref<10000x128xf32, #tpu.memory_space<hbm>>
          tpu.enqueue_indirect_dma source(%dma_start3A_143 : memref<10000x128xf32, #tpu.memory_space<hbm>>) target(%dma_start3A_137 : memref<100x128xf32, #tpu.memory_space<vmem>>) offsets(%dma_start3A_140 : memref<100xi32, #tpu.memory_space<vmem>>) semaphore(%arg10 : memref<!tpu.dma_semaphore, #tpu.memory_space<semaphore_mem>>)
        } else {
        }
        %dma_wait3A = arith.constant 0 : i32
        %dma_wait3A_90 = arith.constant 0 : i32
        %dma_wait3A_91 = arith.constant 0 : i32
        %dma_wait3A_92 = arith.constant 0 : i32
        %dma_wait3A_93 = arith.constant 0 : i32
        %dma_wait3A_94 = tpu.memref_slice %arg8[%dma_wait3A_91, %dma_wait3A_92, %dma_wait3A_93] : memref<2x100x128xf32, #tpu.memory_space<vmem>> -> memref<1x100x128xf32, #tpu.memory_space<vmem>>
        %dma_wait3A_95 = tpu.memref_squeeze %dma_wait3A_94 : memref<1x100x128xf32, #tpu.memory_space<vmem>> -> memref<100x128xf32, #tpu.memory_space<vmem>>
        %dma_wait3A_96 = arith.constant 0 : i32
        %dma_wait3A_97 = tpu.memref_slice %arg7[%dma_wait3A, %dma_wait3A_90, %dma_wait3A_96] : memref<2x2x100xi32, #tpu.memory_space<vmem>> -> memref<1x1x100xi32, #tpu.memory_space<vmem>>
        %dma_wait3A_98 = tpu.memref_squeeze %dma_wait3A_97 : memref<1x1x100xi32, #tpu.memory_space<vmem>> -> memref<100xi32, #tpu.memory_space<vmem>>
        %dma_wait3A_99 = arith.constant 0 : i32
        %dma_wait3A_100 = arith.constant 0 : i32
        %dma_wait3A_101 = tpu.memref_slice %arg3[%dma_wait3A_99, %dma_wait3A_100] : memref<10000x128xf32, #tpu.memory_space<hbm>> -> memref<10000x128xf32, #tpu.memory_space<hbm>>
        tpu.wait_indirect_dma semaphore(%arg9 : memref<!tpu.dma_semaphore, #tpu.memory_space<semaphore_mem>>) src(%dma_wait3A_101 : memref<10000x128xf32, #tpu.memory_space<hbm>>) dst(%dma_wait3A_95 : memref<100x128xf32, #tpu.memory_space<vmem>>)
        %run_scoped3A_102 = arith.constant 0 : i32
        %run_scoped3A_103 = arith.constant 0 : i32
        %run_scoped3A_104 = arith.constant 1 : i32
        "tpu.region"() ({
          %run_scoped3A_112 = tpu.sem_alloc : memref<!tpu.dma_semaphore, #tpu.memory_space<semaphore_mem>>
          %dma_start3A_113 = arith.constant 0 : i32
          %dma_start3A_114 = arith.constant 0 : i32
          %dma_start3A_115 = tpu.memref_slice %arg8[%run_scoped3A_102, %dma_start3A_113, %dma_start3A_114] : memref<2x100x128xf32, #tpu.memory_space<vmem>> -> memref<1x100x128xf32, #tpu.memory_space<vmem>>
          %dma_start3A_116 = tpu.memref_squeeze %dma_start3A_115 : memref<1x100x128xf32, #tpu.memory_space<vmem>> -> memref<100x128xf32, #tpu.memory_space<vmem>>
          %dma_start3A_117 = arith.constant 0 : i32
          %dma_start3A_118 = tpu.memref_slice %arg7[%run_scoped3A_103, %run_scoped3A_104, %dma_start3A_117] : memref<2x2x100xi32, #tpu.memory_space<vmem>> -> memref<1x1x100xi32, #tpu.memory_space<vmem>>
          %dma_start3A_119 = tpu.memref_squeeze %dma_start3A_118 : memref<1x1x100xi32, #tpu.memory_space<vmem>> -> memref<100xi32, #tpu.memory_space<vmem>>
          %dma_start3A_120 = arith.constant 0 : i32
          %dma_start3A_121 = arith.constant 0 : i32
          %dma_start3A_122 = tpu.memref_slice %arg6[%dma_start3A_120, %dma_start3A_121] : memref<10240x128xf32, #tpu.memory_space<vmem_shared>> -> memref<10240x128xf32, #tpu.memory_space<vmem_shared>>
          tpu.enqueue_indirect_dma source(%dma_start3A_116 : memref<100x128xf32, #tpu.memory_space<vmem>>) target(%dma_start3A_122 : memref<10240x128xf32, #tpu.memory_space<vmem_shared>>) offsets(%dma_start3A_119 : memref<100xi32, #tpu.memory_space<vmem>>) semaphore(%run_scoped3A_112 : memref<!tpu.dma_semaphore, #tpu.memory_space<semaphore_mem>>) {add = true}
          %dma_wait3A_123 = arith.constant 0 : i32
          %dma_wait3A_124 = arith.constant 0 : i32
          %dma_wait3A_125 = tpu.memref_slice %arg8[%run_scoped3A_102, %dma_wait3A_123, %dma_wait3A_124] : memref<2x100x128xf32, #tpu.memory_space<vmem>> -> memref<1x100x128xf32, #tpu.memory_space<vmem>>
          %dma_wait3A_126 = tpu.memref_squeeze %dma_wait3A_125 : memref<1x100x128xf32, #tpu.memory_space<vmem>> -> memref<100x128xf32, #tpu.memory_space<vmem>>
          %dma_wait3A_127 = arith.constant 0 : i32
          %dma_wait3A_128 = tpu.memref_slice %arg7[%run_scoped3A_103, %run_scoped3A_104, %dma_wait3A_127] : memref<2x2x100xi32, #tpu.memory_space<vmem>> -> memref<1x1x100xi32, #tpu.memory_space<vmem>>
          %dma_wait3A_129 = tpu.memref_squeeze %dma_wait3A_128 : memref<1x1x100xi32, #tpu.memory_space<vmem>> -> memref<100xi32, #tpu.memory_space<vmem>>
          %dma_wait3A_130 = arith.constant 0 : i32
          %dma_wait3A_131 = arith.constant 0 : i32
          %dma_wait3A_132 = tpu.memref_slice %arg6[%dma_wait3A_130, %dma_wait3A_131] : memref<10240x128xf32, #tpu.memory_space<vmem_shared>> -> memref<10240x128xf32, #tpu.memory_space<vmem_shared>>
          tpu.wait_indirect_dma semaphore(%run_scoped3A_112 : memref<!tpu.dma_semaphore, #tpu.memory_space<semaphore_mem>>) src(%dma_wait3A_126 : memref<100x128xf32, #tpu.memory_space<vmem>>) dst(%dma_wait3A_132 : memref<10240x128xf32, #tpu.memory_space<vmem_shared>>)
          tpu.yield
        }) : () -> ()
        %add3A_105 = arith.constant 2 : i32
        %add3A_106 = arith.addi %scan3A_47, %add3A_105 : i32
        %lt3A_107 = arith.constant 100 : i32
        %lt3A_108 = arith.cmpi slt, %add3A_106, %lt3A_107 : i32
        %convert_element_type3A_109 = arith.extui %lt3A_108 : i1 to i32
        %cond3A_110 = arith.constant 0 : i32
        %cond3A_111 = arith.cmpi ne, %convert_element_type3A_109, %cond3A_110 : i32
        scf.if %cond3A_111 {
          %add3A_112 = arith.constant 2 : i32
          %add3A_113 = arith.addi %scan3A_47, %add3A_112 : i32
          %dma_start3A_114 = arith.constant 0 : i32
          %dma_start3A_115 = arith.constant 0 : i32
          %dma_start3A_116 = arith.constant 0 : i32
          %dma_start3A_117 = tpu.memref_slice %arg7[%dma_start3A_114, %dma_start3A_115, %dma_start3A_116] : memref<2x2x100xi32, #tpu.memory_space<vmem>> -> memref<1x2x100xi32, #tpu.memory_space<vmem>>
          %dma_start3A_118 = tpu.memref_squeeze %dma_start3A_117 : memref<1x2x100xi32, #tpu.memory_space<vmem>> -> memref<2x100xi32, #tpu.memory_space<vmem>>
          %dma_start3A_119 = arith.constant 0 : i32
          %dma_start3A_120 = arith.constant 0 : i32
          %dma_start3A_121 = tpu.memref_slice %arg2[%add3A, %add3A_113, %dma_start3A_119, %dma_start3A_120] : memref<32x100x2x100xi32, #tpu.memory_space<hbm>> -> memref<1x1x2x100xi32, #tpu.memory_space<hbm>>
          %dma_start3A_122 = tpu.memref_squeeze %dma_start3A_121 : memref<1x1x2x100xi32, #tpu.memory_space<hbm>> -> memref<2x100xi32, #tpu.memory_space<hbm>>
          %dma_start3A_123 = arith.constant 0 : i32
          %dma_start3A_124 = arith.constant 0 : i32
          %dma_start3A_125 = tpu.memref_slice %arg7[%dma_start3A_114, %dma_start3A_123, %dma_start3A_124] : memref<2x2x100xi32, #tpu.memory_space<vmem>> -> memref<1x2x100xi32, #tpu.memory_space<vmem>>
          %dma_start3A_126 = tpu.memref_squeeze %dma_start3A_125 : memref<1x2x100xi32, #tpu.memory_space<vmem>> -> memref<2x100xi32, #tpu.memory_space<vmem>>
          %dma_start3A_127 = arith.constant 0 : i32
          %dma_start3A_128 = arith.constant 0 : i32
          %dma_start3A_129 = tpu.memref_slice %arg2[%add3A, %add3A_113, %dma_start3A_127, %dma_start3A_128] : memref<32x100x2x100xi32, #tpu.memory_space<hbm>> -> memref<1x1x2x100xi32, #tpu.memory_space<hbm>>
          %dma_start3A_130 = tpu.memref_squeeze %dma_start3A_129 : memref<1x1x2x100xi32, #tpu.memory_space<hbm>> -> memref<2x100xi32, #tpu.memory_space<hbm>>
          tpu.enqueue_dma source(%dma_start3A_130 : memref<2x100xi32, #tpu.memory_space<hbm>>) target(%dma_start3A_126 : memref<2x100xi32, #tpu.memory_space<vmem>>) target_semaphore(%arg11 : memref<!tpu.dma_semaphore, #tpu.memory_space<semaphore_mem>>)
        } else {
        }
      } else {
      }
      %jit3A_61 = arith.constant 2 : i32
      %eq3A_62 = arith.constant 0 : i32
      %eq3A_63 = arith.cmpi eq, %jit3A_61, %eq3A_62 : i32
      %jit3A_64 = arith.constant 1 : i32
      %select_n3A_65 = arith.select %eq3A_63, %jit3A_64, %jit3A_61 : i32
      %rem3A_66 = arith.remsi %scan3A_47, %select_n3A_65 : i32
      %ne3A_67 = arith.constant 0 : i32
      %ne3A_68 = arith.cmpi ne, %rem3A_66, %ne3A_67 : i32
      %lt3A_69 = arith.constant 0 : i32
      %lt3A_70 = arith.cmpi slt, %rem3A_66, %lt3A_69 : i32
      %lt3A_71 = arith.constant 0 : i32
      %lt3A_72 = arith.cmpi slt, %select_n3A_65, %lt3A_71 : i32
      %ne3A_73 = arith.xori %lt3A_70, %lt3A_72 : i1
      %and3A_74 = arith.andi %ne3A_73, %ne3A_68 : i1
      %add3A_75 = arith.addi %rem3A_66, %select_n3A_65 : i32
      %select_n3A_76 = arith.select %and3A_74, %add3A_75, %rem3A_66 : i32
      %eq3A_77 = arith.constant 1 : i32
      %eq3A_78 = arith.cmpi eq, %select_n3A_76, %eq3A_77 : i32
      %convert_element_type3A_79 = arith.extui %eq3A_78 : i1 to i32
      %cond3A_80 = arith.constant 0 : i32
      %cond3A_81 = arith.cmpi ne, %convert_element_type3A_79, %cond3A_80 : i32
      scf.if %cond3A_81 {
        %add3A_83 = arith.constant 1 : i32
        %add3A_84 = arith.addi %scan3A_47, %add3A_83 : i32
        %lt3A_85 = arith.constant 100 : i32
        %lt3A_86 = arith.cmpi slt, %add3A_84, %lt3A_85 : i32
        %convert_element_type3A_87 = arith.extui %lt3A_86 : i1 to i32
        %cond3A_88 = arith.constant 0 : i32
        %cond3A_89 = arith.cmpi ne, %convert_element_type3A_87, %cond3A_88 : i32
        scf.if %cond3A_89 {
          %add3A_112 = arith.constant 1 : i32
          %add3A_113 = arith.addi %scan3A_47, %add3A_112 : i32
          %dma_wait3A_114 = arith.constant 0 : i32
          %dma_wait3A_115 = arith.constant 0 : i32
          %dma_wait3A_116 = arith.constant 0 : i32
          %dma_wait3A_117 = tpu.memref_slice %arg7[%dma_wait3A_114, %dma_wait3A_115, %dma_wait3A_116] : memref<2x2x100xi32, #tpu.memory_space<vmem>> -> memref<1x2x100xi32, #tpu.memory_space<vmem>>
          %dma_wait3A_118 = tpu.memref_squeeze %dma_wait3A_117 : memref<1x2x100xi32, #tpu.memory_space<vmem>> -> memref<2x100xi32, #tpu.memory_space<vmem>>
          %dma_wait3A_119 = arith.constant 0 : i32
          %dma_wait3A_120 = arith.constant 0 : i32
          %dma_wait3A_121 = tpu.memref_slice %arg2[%add3A, %add3A_113, %dma_wait3A_119, %dma_wait3A_120] : memref<32x100x2x100xi32, #tpu.memory_space<hbm>> -> memref<1x1x2x100xi32, #tpu.memory_space<hbm>>
          %dma_wait3A_122 = tpu.memref_squeeze %dma_wait3A_121 : memref<1x1x2x100xi32, #tpu.memory_space<hbm>> -> memref<2x100xi32, #tpu.memory_space<hbm>>
          %dma_wait3A_123 = arith.constant 0 : i32
          %dma_wait3A_124 = arith.constant 0 : i32
          %dma_wait3A_125 = tpu.memref_slice %arg7[%dma_wait3A_114, %dma_wait3A_123, %dma_wait3A_124] : memref<2x2x100xi32, #tpu.memory_space<vmem>> -> memref<1x2x100xi32, #tpu.memory_space<vmem>>
          %dma_wait3A_126 = tpu.memref_squeeze %dma_wait3A_125 : memref<1x2x100xi32, #tpu.memory_space<vmem>> -> memref<2x100xi32, #tpu.memory_space<vmem>>
          %dma_wait3A_127 = arith.constant 0 : i32
          %dma_wait3A_128 = arith.constant 0 : i32
          %dma_wait3A_129 = tpu.memref_slice %arg2[%add3A, %add3A_113, %dma_wait3A_127, %dma_wait3A_128] : memref<32x100x2x100xi32, #tpu.memory_space<hbm>> -> memref<1x1x2x100xi32, #tpu.memory_space<hbm>>
          %dma_wait3A_130 = tpu.memref_squeeze %dma_wait3A_129 : memref<1x1x2x100xi32, #tpu.memory_space<hbm>> -> memref<2x100xi32, #tpu.memory_space<hbm>>
          tpu.wait_dma2 semaphore(%arg11 : memref<!tpu.dma_semaphore, #tpu.memory_space<semaphore_mem>>) src(%dma_wait3A_130 : memref<2x100xi32, #tpu.memory_space<hbm>>) dst(%dma_wait3A_126 : memref<2x100xi32, #tpu.memory_space<vmem>>)
          %dma_start3A_131 = arith.constant 0 : i32
          %dma_start3A_132 = arith.constant 0 : i32
          %dma_start3A_133 = arith.constant 0 : i32
          %dma_start3A_134 = arith.constant 0 : i32
          %dma_start3A_135 = arith.constant 0 : i32
          %dma_start3A_136 = tpu.memref_slice %arg8[%dma_start3A_133, %dma_start3A_134, %dma_start3A_135] : memref<2x100x128xf32, #tpu.memory_space<vmem>> -> memref<1x100x128xf32, #tpu.memory_space<vmem>>
          %dma_start3A_137 = tpu.memref_squeeze %dma_start3A_136 : memref<1x100x128xf32, #tpu.memory_space<vmem>> -> memref<100x128xf32, #tpu.memory_space<vmem>>
          %dma_start3A_138 = arith.constant 0 : i32
          %dma_start3A_139 = tpu.memref_slice %arg7[%dma_start3A_131, %dma_start3A_132, %dma_start3A_138] : memref<2x2x100xi32, #tpu.memory_space<vmem>> -> memref<1x1x100xi32, #tpu.memory_space<vmem>>
          %dma_start3A_140 = tpu.memref_squeeze %dma_start3A_139 : memref<1x1x100xi32, #tpu.memory_space<vmem>> -> memref<100xi32, #tpu.memory_space<vmem>>
          %dma_start3A_141 = arith.constant 0 : i32
          %dma_start3A_142 = arith.constant 0 : i32
          %dma_start3A_143 = tpu.memref_slice %arg3[%dma_start3A_141, %dma_start3A_142] : memref<10000x128xf32, #tpu.memory_space<hbm>> -> memref<10000x128xf32, #tpu.memory_space<hbm>>
          tpu.enqueue_indirect_dma source(%dma_start3A_143 : memref<10000x128xf32, #tpu.memory_space<hbm>>) target(%dma_start3A_137 : memref<100x128xf32, #tpu.memory_space<vmem>>) offsets(%dma_start3A_140 : memref<100xi32, #tpu.memory_space<vmem>>) semaphore(%arg9 : memref<!tpu.dma_semaphore, #tpu.memory_space<semaphore_mem>>)
        } else {
        }
        %dma_wait3A = arith.constant 1 : i32
        %dma_wait3A_90 = arith.constant 0 : i32
        %dma_wait3A_91 = arith.constant 1 : i32
        %dma_wait3A_92 = arith.constant 0 : i32
        %dma_wait3A_93 = arith.constant 0 : i32
        %dma_wait3A_94 = tpu.memref_slice %arg8[%dma_wait3A_91, %dma_wait3A_92, %dma_wait3A_93] : memref<2x100x128xf32, #tpu.memory_space<vmem>> -> memref<1x100x128xf32, #tpu.memory_space<vmem>>
        %dma_wait3A_95 = tpu.memref_squeeze %dma_wait3A_94 : memref<1x100x128xf32, #tpu.memory_space<vmem>> -> memref<100x128xf32, #tpu.memory_space<vmem>>
        %dma_wait3A_96 = arith.constant 0 : i32
        %dma_wait3A_97 = tpu.memref_slice %arg7[%dma_wait3A, %dma_wait3A_90, %dma_wait3A_96] : memref<2x2x100xi32, #tpu.memory_space<vmem>> -> memref<1x1x100xi32, #tpu.memory_space<vmem>>
        %dma_wait3A_98 = tpu.memref_squeeze %dma_wait3A_97 : memref<1x1x100xi32, #tpu.memory_space<vmem>> -> memref<100xi32, #tpu.memory_space<vmem>>
        %dma_wait3A_99 = arith.constant 0 : i32
        %dma_wait3A_100 = arith.constant 0 : i32
        %dma_wait3A_101 = tpu.memref_slice %arg3[%dma_wait3A_99, %dma_wait3A_100] : memref<10000x128xf32, #tpu.memory_space<hbm>> -> memref<10000x128xf32, #tpu.memory_space<hbm>>
        tpu.wait_indirect_dma semaphore(%arg10 : memref<!tpu.dma_semaphore, #tpu.memory_space<semaphore_mem>>) src(%dma_wait3A_101 : memref<10000x128xf32, #tpu.memory_space<hbm>>) dst(%dma_wait3A_95 : memref<100x128xf32, #tpu.memory_space<vmem>>)
        %run_scoped3A_102 = arith.constant 1 : i32
        %run_scoped3A_103 = arith.constant 1 : i32
        %run_scoped3A_104 = arith.constant 1 : i32
        "tpu.region"() ({
          %run_scoped3A_112 = tpu.sem_alloc : memref<!tpu.dma_semaphore, #tpu.memory_space<semaphore_mem>>
          %dma_start3A_113 = arith.constant 0 : i32
          %dma_start3A_114 = arith.constant 0 : i32
          %dma_start3A_115 = tpu.memref_slice %arg8[%run_scoped3A_102, %dma_start3A_113, %dma_start3A_114] : memref<2x100x128xf32, #tpu.memory_space<vmem>> -> memref<1x100x128xf32, #tpu.memory_space<vmem>>
          %dma_start3A_116 = tpu.memref_squeeze %dma_start3A_115 : memref<1x100x128xf32, #tpu.memory_space<vmem>> -> memref<100x128xf32, #tpu.memory_space<vmem>>
          %dma_start3A_117 = arith.constant 0 : i32
          %dma_start3A_118 = tpu.memref_slice %arg7[%run_scoped3A_103, %run_scoped3A_104, %dma_start3A_117] : memref<2x2x100xi32, #tpu.memory_space<vmem>> -> memref<1x1x100xi32, #tpu.memory_space<vmem>>
          %dma_start3A_119 = tpu.memref_squeeze %dma_start3A_118 : memref<1x1x100xi32, #tpu.memory_space<vmem>> -> memref<100xi32, #tpu.memory_space<vmem>>
          %dma_start3A_120 = arith.constant 0 : i32
          %dma_start3A_121 = arith.constant 0 : i32
          %dma_start3A_122 = tpu.memref_slice %arg6[%dma_start3A_120, %dma_start3A_121] : memref<10240x128xf32, #tpu.memory_space<vmem_shared>> -> memref<10240x128xf32, #tpu.memory_space<vmem_shared>>
          tpu.enqueue_indirect_dma source(%dma_start3A_116 : memref<100x128xf32, #tpu.memory_space<vmem>>) target(%dma_start3A_122 : memref<10240x128xf32, #tpu.memory_space<vmem_shared>>) offsets(%dma_start3A_119 : memref<100xi32, #tpu.memory_space<vmem>>) semaphore(%run_scoped3A_112 : memref<!tpu.dma_semaphore, #tpu.memory_space<semaphore_mem>>) {add = true}
          %dma_wait3A_123 = arith.constant 0 : i32
          %dma_wait3A_124 = arith.constant 0 : i32
          %dma_wait3A_125 = tpu.memref_slice %arg8[%run_scoped3A_102, %dma_wait3A_123, %dma_wait3A_124] : memref<2x100x128xf32, #tpu.memory_space<vmem>> -> memref<1x100x128xf32, #tpu.memory_space<vmem>>
          %dma_wait3A_126 = tpu.memref_squeeze %dma_wait3A_125 : memref<1x100x128xf32, #tpu.memory_space<vmem>> -> memref<100x128xf32, #tpu.memory_space<vmem>>
          %dma_wait3A_127 = arith.constant 0 : i32
          %dma_wait3A_128 = tpu.memref_slice %arg7[%run_scoped3A_103, %run_scoped3A_104, %dma_wait3A_127] : memref<2x2x100xi32, #tpu.memory_space<vmem>> -> memref<1x1x100xi32, #tpu.memory_space<vmem>>
          %dma_wait3A_129 = tpu.memref_squeeze %dma_wait3A_128 : memref<1x1x100xi32, #tpu.memory_space<vmem>> -> memref<100xi32, #tpu.memory_space<vmem>>
          %dma_wait3A_130 = arith.constant 0 : i32
          %dma_wait3A_131 = arith.constant 0 : i32
          %dma_wait3A_132 = tpu.memref_slice %arg6[%dma_wait3A_130, %dma_wait3A_131] : memref<10240x128xf32, #tpu.memory_space<vmem_shared>> -> memref<10240x128xf32, #tpu.memory_space<vmem_shared>>
          tpu.wait_indirect_dma semaphore(%run_scoped3A_112 : memref<!tpu.dma_semaphore, #tpu.memory_space<semaphore_mem>>) src(%dma_wait3A_126 : memref<100x128xf32, #tpu.memory_space<vmem>>) dst(%dma_wait3A_132 : memref<10240x128xf32, #tpu.memory_space<vmem_shared>>)
          tpu.yield
        }) : () -> ()
        %add3A_105 = arith.constant 2 : i32
        %add3A_106 = arith.addi %scan3A_47, %add3A_105 : i32
        %lt3A_107 = arith.constant 100 : i32
        %lt3A_108 = arith.cmpi slt, %add3A_106, %lt3A_107 : i32
        %convert_element_type3A_109 = arith.extui %lt3A_108 : i1 to i32
        %cond3A_110 = arith.constant 0 : i32
        %cond3A_111 = arith.cmpi ne, %convert_element_type3A_109, %cond3A_110 : i32
        scf.if %cond3A_111 {
          %add3A_112 = arith.constant 2 : i32
          %add3A_113 = arith.addi %scan3A_47, %add3A_112 : i32
          %dma_start3A_114 = arith.constant 1 : i32
          %dma_start3A_115 = arith.constant 0 : i32
          %dma_start3A_116 = arith.constant 0 : i32
          %dma_start3A_117 = tpu.memref_slice %arg7[%dma_start3A_114, %dma_start3A_115, %dma_start3A_116] : memref<2x2x100xi32, #tpu.memory_space<vmem>> -> memref<1x2x100xi32, #tpu.memory_space<vmem>>
          %dma_start3A_118 = tpu.memref_squeeze %dma_start3A_117 : memref<1x2x100xi32, #tpu.memory_space<vmem>> -> memref<2x100xi32, #tpu.memory_space<vmem>>
          %dma_start3A_119 = arith.constant 0 : i32
          %dma_start3A_120 = arith.constant 0 : i32
          %dma_start3A_121 = tpu.memref_slice %arg2[%add3A, %add3A_113, %dma_start3A_119, %dma_start3A_120] : memref<32x100x2x100xi32, #tpu.memory_space<hbm>> -> memref<1x1x2x100xi32, #tpu.memory_space<hbm>>
          %dma_start3A_122 = tpu.memref_squeeze %dma_start3A_121 : memref<1x1x2x100xi32, #tpu.memory_space<hbm>> -> memref<2x100xi32, #tpu.memory_space<hbm>>
          %dma_start3A_123 = arith.constant 0 : i32
          %dma_start3A_124 = arith.constant 0 : i32
          %dma_start3A_125 = tpu.memref_slice %arg7[%dma_start3A_114, %dma_start3A_123, %dma_start3A_124] : memref<2x2x100xi32, #tpu.memory_space<vmem>> -> memref<1x2x100xi32, #tpu.memory_space<vmem>>
          %dma_start3A_126 = tpu.memref_squeeze %dma_start3A_125 : memref<1x2x100xi32, #tpu.memory_space<vmem>> -> memref<2x100xi32, #tpu.memory_space<vmem>>
          %dma_start3A_127 = arith.constant 0 : i32
          %dma_start3A_128 = arith.constant 0 : i32
          %dma_start3A_129 = tpu.memref_slice %arg2[%add3A, %add3A_113, %dma_start3A_127, %dma_start3A_128] : memref<32x100x2x100xi32, #tpu.memory_space<hbm>> -> memref<1x1x2x100xi32, #tpu.memory_space<hbm>>
          %dma_start3A_130 = tpu.memref_squeeze %dma_start3A_129 : memref<1x1x2x100xi32, #tpu.memory_space<hbm>> -> memref<2x100xi32, #tpu.memory_space<hbm>>
          tpu.enqueue_dma source(%dma_start3A_130 : memref<2x100xi32, #tpu.memory_space<hbm>>) target(%dma_start3A_126 : memref<2x100xi32, #tpu.memory_space<vmem>>) target_semaphore(%arg12 : memref<!tpu.dma_semaphore, #tpu.memory_space<semaphore_mem>>)
        } else {
        }
      } else {
      }
      %scan3A_82 = arith.constant 0 : i32
      scf.yield %scan3A_82 : i32
    }
    %scan3A_41 = arith.constant 100 : i32
    %barrier3A_42 = arith.constant 0 : index
    tpu.barrier barrier_id(%barrier3A_42)
    %mul3A_43 = arith.constant 640 : i32
    %mul3A_44 = arith.muli %arg1, %mul3A_43 : i32
    %mul3A_45 = arith.constant 640 : i32
    %mul3A_46 = arith.muli %arg1, %mul3A_45 : i32
    "tpu.region"() ({
      %run_scoped3A_47 = tpu.sem_alloc : memref<!tpu.dma_semaphore, #tpu.memory_space<semaphore_mem>>
      %dma_start3A_48 = arith.constant 0 : i32
      %dma_start3A_49 = tpu.memref_slice %arg5[%arg0, %mul3A_46, %dma_start3A_48] : memref<2x10240x128xf32, #tpu.memory_space<hbm>> -> memref<1x640x128xf32, #tpu.memory_space<hbm>>
      %dma_start3A_50 = tpu.memref_squeeze %dma_start3A_49 : memref<1x640x128xf32, #tpu.memory_space<hbm>> -> memref<640x128xf32, #tpu.memory_space<hbm>>
      %dma_start3A_51 = arith.constant 0 : i32
      %dma_start3A_52 = tpu.memref_slice %arg6[%mul3A_44, %dma_start3A_51] : memref<10240x128xf32, #tpu.memory_space<vmem_shared>> -> memref<640x128xf32, #tpu.memory_space<vmem_shared>>
      tpu.enqueue_dma source(%dma_start3A_52 : memref<640x128xf32, #tpu.memory_space<vmem_shared>>) target(%dma_start3A_50 : memref<640x128xf32, #tpu.memory_space<hbm>>) target_semaphore(%run_scoped3A_47 : memref<!tpu.dma_semaphore, #tpu.memory_space<semaphore_mem>>)
      %dma_wait3A = arith.constant 0 : i32
      %dma_wait3A_53 = tpu.memref_slice %arg5[%arg0, %mul3A_46, %dma_wait3A] : memref<2x10240x128xf32, #tpu.memory_space<hbm>> -> memref<1x640x128xf32, #tpu.memory_space<hbm>>
      %dma_wait3A_54 = tpu.memref_squeeze %dma_wait3A_53 : memref<1x640x128xf32, #tpu.memory_space<hbm>> -> memref<640x128xf32, #tpu.memory_space<hbm>>
      %dma_wait3A_55 = arith.constant 0 : i32
      %dma_wait3A_56 = tpu.memref_slice %arg6[%mul3A_44, %dma_wait3A_55] : memref<10240x128xf32, #tpu.memory_space<vmem_shared>> -> memref<640x128xf32, #tpu.memory_space<vmem_shared>>
      tpu.wait_dma2 semaphore(%run_scoped3A_47 : memref<!tpu.dma_semaphore, #tpu.memory_space<semaphore_mem>>) src(%dma_wait3A_56 : memref<640x128xf32, #tpu.memory_space<vmem_shared>>) dst(%dma_wait3A_54 : memref<640x128xf32, #tpu.memory_space<hbm>>)
      tpu.yield
    }) : () -> ()
    return
  }
}

#map = affine_map<(d0, d1) -> (0, 0, 0)>
#map1 = affine_map<(d0, d1) -> (0, 0)>
module attributes {stable_mosaic.version = 14 : i64} {
  func.func @_sc_cnt_body(%arg0: i32, %arg1: i32, %arg2: memref<32x100x100xi32, #tpu.memory_space<hbm>>, %arg3: memref<10240x128xf32, #tpu.memory_space<hbm>>, %arg4: memref<100x128xf32, #tpu.memory_space<hbm>>, %arg5: memref<2x10240x128xf32, #tpu.memory_space<hbm>>, %arg6: memref<10240x128xf32, #tpu.memory_space<vmem_shared>>, %arg7: memref<100x100xi32, #tpu.memory_space<vmem>>, %arg8: memref<100x128xf32, #tpu.memory_space<vmem>>, %arg9: memref<!tpu.dma_semaphore, #tpu.memory_space<semaphore_mem>>, %arg10: memref<!tpu.dma_semaphore, #tpu.memory_space<semaphore_mem>>) attributes {dimension_semantics = [#tpu.dimension_semantics<core_parallel>, #tpu.dimension_semantics<subcore_parallel>], iteration_bounds = array<i64: 2, 16>, scalar_prefetch = 0 : i64, scratch_operands = 5 : i64, tpu.core_type = #tpu.core_type<sc_vector_subcore>, window_params = [{transform_indices = #map}, {transform_indices = #map1}, {transform_indices = #map1}, {transform_indices = #map}]} {
    %mul3A = arith.constant 16 : i32
    %mul3A_0 = arith.muli %arg0, %mul3A : i32
    %add3A = arith.addi %mul3A_0, %arg1 : i32
    %mul3A_1 = arith.constant 640 : i32
    %mul3A_2 = arith.muli %arg1, %mul3A_1 : i32
    %mul3A_3 = arith.constant 640 : i32
    %mul3A_4 = arith.muli %arg1, %mul3A_3 : i32
    "tpu.region"() ({
      %run_scoped3A = tpu.sem_alloc : memref<!tpu.dma_semaphore, #tpu.memory_space<semaphore_mem>>
      %dma_start3A_22 = arith.constant 0 : i32
      %dma_start3A_23 = tpu.memref_slice %arg6[%mul3A_4, %dma_start3A_22] : memref<10240x128xf32, #tpu.memory_space<vmem_shared>> -> memref<640x128xf32, #tpu.memory_space<vmem_shared>>
      %dma_start3A_24 = arith.constant 0 : i32
      %dma_start3A_25 = tpu.memref_slice %arg3[%mul3A_2, %dma_start3A_24] : memref<10240x128xf32, #tpu.memory_space<hbm>> -> memref<640x128xf32, #tpu.memory_space<hbm>>
      tpu.enqueue_dma source(%dma_start3A_25 : memref<640x128xf32, #tpu.memory_space<hbm>>) target(%dma_start3A_23 : memref<640x128xf32, #tpu.memory_space<vmem_shared>>) target_semaphore(%run_scoped3A : memref<!tpu.dma_semaphore, #tpu.memory_space<semaphore_mem>>)
      %dma_wait3A = arith.constant 0 : i32
      %dma_wait3A_26 = tpu.memref_slice %arg6[%mul3A_4, %dma_wait3A] : memref<10240x128xf32, #tpu.memory_space<vmem_shared>> -> memref<640x128xf32, #tpu.memory_space<vmem_shared>>
      %dma_wait3A_27 = arith.constant 0 : i32
      %dma_wait3A_28 = tpu.memref_slice %arg3[%mul3A_2, %dma_wait3A_27] : memref<10240x128xf32, #tpu.memory_space<hbm>> -> memref<640x128xf32, #tpu.memory_space<hbm>>
      tpu.wait_dma2 semaphore(%run_scoped3A : memref<!tpu.dma_semaphore, #tpu.memory_space<semaphore_mem>>) src(%dma_wait3A_28 : memref<640x128xf32, #tpu.memory_space<hbm>>) dst(%dma_wait3A_26 : memref<640x128xf32, #tpu.memory_space<vmem_shared>>)
      tpu.yield
    }) : () -> ()
    "tpu.region"() ({
      %run_scoped3A = tpu.sem_alloc : memref<!tpu.dma_semaphore, #tpu.memory_space<semaphore_mem>>
      tpu.enqueue_dma source(%arg4 : memref<100x128xf32, #tpu.memory_space<hbm>>) target(%arg8 : memref<100x128xf32, #tpu.memory_space<vmem>>) target_semaphore(%run_scoped3A : memref<!tpu.dma_semaphore, #tpu.memory_space<semaphore_mem>>)
      tpu.wait_dma2 semaphore(%run_scoped3A : memref<!tpu.dma_semaphore, #tpu.memory_space<semaphore_mem>>) src(%arg4 : memref<100x128xf32, #tpu.memory_space<hbm>>) dst(%arg8 : memref<100x128xf32, #tpu.memory_space<vmem>>)
      tpu.yield
    }) : () -> ()
    "tpu.region"() ({
      %run_scoped3A = tpu.sem_alloc : memref<!tpu.dma_semaphore, #tpu.memory_space<semaphore_mem>>
      %dma_start3A_22 = arith.constant 0 : i32
      %dma_start3A_23 = arith.constant 0 : i32
      %dma_start3A_24 = tpu.memref_slice %arg2[%add3A, %dma_start3A_22, %dma_start3A_23] : memref<32x100x100xi32, #tpu.memory_space<hbm>> -> memref<1x100x100xi32, #tpu.memory_space<hbm>>
      %dma_start3A_25 = tpu.memref_squeeze %dma_start3A_24 : memref<1x100x100xi32, #tpu.memory_space<hbm>> -> memref<100x100xi32, #tpu.memory_space<hbm>>
      %dma_start3A_26 = arith.constant 0 : i32
      %dma_start3A_27 = arith.constant 0 : i32
      %dma_start3A_28 = tpu.memref_slice %arg2[%add3A, %dma_start3A_26, %dma_start3A_27] : memref<32x100x100xi32, #tpu.memory_space<hbm>> -> memref<1x100x100xi32, #tpu.memory_space<hbm>>
      %dma_start3A_29 = tpu.memref_squeeze %dma_start3A_28 : memref<1x100x100xi32, #tpu.memory_space<hbm>> -> memref<100x100xi32, #tpu.memory_space<hbm>>
      tpu.enqueue_dma source(%dma_start3A_29 : memref<100x100xi32, #tpu.memory_space<hbm>>) target(%arg7 : memref<100x100xi32, #tpu.memory_space<vmem>>) target_semaphore(%run_scoped3A : memref<!tpu.dma_semaphore, #tpu.memory_space<semaphore_mem>>)
      %dma_wait3A = arith.constant 0 : i32
      %dma_wait3A_30 = arith.constant 0 : i32
      %dma_wait3A_31 = tpu.memref_slice %arg2[%add3A, %dma_wait3A, %dma_wait3A_30] : memref<32x100x100xi32, #tpu.memory_space<hbm>> -> memref<1x100x100xi32, #tpu.memory_space<hbm>>
      %dma_wait3A_32 = tpu.memref_squeeze %dma_wait3A_31 : memref<1x100x100xi32, #tpu.memory_space<hbm>> -> memref<100x100xi32, #tpu.memory_space<hbm>>
      %dma_wait3A_33 = arith.constant 0 : i32
      %dma_wait3A_34 = arith.constant 0 : i32
      %dma_wait3A_35 = tpu.memref_slice %arg2[%add3A, %dma_wait3A_33, %dma_wait3A_34] : memref<32x100x100xi32, #tpu.memory_space<hbm>> -> memref<1x100x100xi32, #tpu.memory_space<hbm>>
      %dma_wait3A_36 = tpu.memref_squeeze %dma_wait3A_35 : memref<1x100x100xi32, #tpu.memory_space<hbm>> -> memref<100x100xi32, #tpu.memory_space<hbm>>
      tpu.wait_dma2 semaphore(%run_scoped3A : memref<!tpu.dma_semaphore, #tpu.memory_space<semaphore_mem>>) src(%dma_wait3A_36 : memref<100x100xi32, #tpu.memory_space<hbm>>) dst(%arg7 : memref<100x100xi32, #tpu.memory_space<vmem>>)
      tpu.yield
    }) : () -> ()
    %barrier3A = arith.constant 0 : index
    tpu.barrier barrier_id(%barrier3A)
    %dma_start3A = arith.constant 0 : i32
    %dma_start3A_5 = arith.constant 0 : i32
    %dma_start3A_6 = tpu.memref_slice %arg7[%dma_start3A, %dma_start3A_5] : memref<100x100xi32, #tpu.memory_space<vmem>> -> memref<1x100xi32, #tpu.memory_space<vmem>>
    %dma_start3A_7 = tpu.memref_squeeze %dma_start3A_6 : memref<1x100xi32, #tpu.memory_space<vmem>> -> memref<100xi32, #tpu.memory_space<vmem>>
    %dma_start3A_8 = arith.constant 0 : i32
    %dma_start3A_9 = arith.constant 0 : i32
    %dma_start3A_10 = tpu.memref_slice %arg6[%dma_start3A_8, %dma_start3A_9] : memref<10240x128xf32, #tpu.memory_space<vmem_shared>> -> memref<10240x128xf32, #tpu.memory_space<vmem_shared>>
    tpu.enqueue_indirect_dma source(%arg8 : memref<100x128xf32, #tpu.memory_space<vmem>>) target(%dma_start3A_10 : memref<10240x128xf32, #tpu.memory_space<vmem_shared>>) offsets(%dma_start3A_7 : memref<100xi32, #tpu.memory_space<vmem>>) semaphore(%arg9 : memref<!tpu.dma_semaphore, #tpu.memory_space<semaphore_mem>>) {add = true}
    %scan3A = arith.constant 0 : i32
    %scan3A_11 = arith.constant 0 : i32
    %scan3A_12 = arith.constant 100 : i32
    %scan3A_13 = arith.addi %scan3A_11, %scan3A_12 : i32
    %scan3A_14 = arith.constant 1 : i32
    %scan3A_15 = scf.for %scan3A_22 = %scan3A_11 to %scan3A_13 step %scan3A_14 iter_args(%scan3A_23 = %scan3A) -> (i32)  : i32 {
      %jit3A = arith.constant 2 : i32
      %eq3A = arith.constant 0 : i32
      %eq3A_24 = arith.cmpi eq, %jit3A, %eq3A : i32
      %jit3A_25 = arith.constant 1 : i32
      %select_n3A = arith.select %eq3A_24, %jit3A_25, %jit3A : i32
      %rem3A = arith.remsi %scan3A_22, %select_n3A : i32
      %ne3A = arith.constant 0 : i32
      %ne3A_26 = arith.cmpi ne, %rem3A, %ne3A : i32
      %lt3A = arith.constant 0 : i32
      %lt3A_27 = arith.cmpi slt, %rem3A, %lt3A : i32
      %lt3A_28 = arith.constant 0 : i32
      %lt3A_29 = arith.cmpi slt, %select_n3A, %lt3A_28 : i32
      %ne3A_30 = arith.xori %lt3A_27, %lt3A_29 : i1
      %and3A = arith.andi %ne3A_30, %ne3A_26 : i1
      %add3A_31 = arith.addi %rem3A, %select_n3A : i32
      %select_n3A_32 = arith.select %and3A, %add3A_31, %rem3A : i32
      %eq3A_33 = arith.constant 0 : i32
      %eq3A_34 = arith.cmpi eq, %select_n3A_32, %eq3A_33 : i32
      %convert_element_type3A = arith.extui %eq3A_34 : i1 to i32
      %cond3A = arith.constant 0 : i32
      %cond3A_35 = arith.cmpi ne, %convert_element_type3A, %cond3A : i32
      scf.if %cond3A_35 {
        %add3A_58 = arith.constant 1 : i32
        %add3A_59 = arith.addi %scan3A_22, %add3A_58 : i32
        %lt3A_60 = arith.constant 100 : i32
        %lt3A_61 = arith.cmpi slt, %add3A_59, %lt3A_60 : i32
        %convert_element_type3A_62 = arith.extui %lt3A_61 : i1 to i32
        %cond3A_63 = arith.constant 0 : i32
        %cond3A_64 = arith.cmpi ne, %convert_element_type3A_62, %cond3A_63 : i32
        scf.if %cond3A_64 {
          %add3A_70 = arith.constant 1 : i32
          %add3A_71 = arith.addi %scan3A_22, %add3A_70 : i32
          %dma_start3A_72 = arith.constant 0 : i32
          %dma_start3A_73 = tpu.memref_slice %arg7[%add3A_71, %dma_start3A_72] : memref<100x100xi32, #tpu.memory_space<vmem>> -> memref<1x100xi32, #tpu.memory_space<vmem>>
          %dma_start3A_74 = tpu.memref_squeeze %dma_start3A_73 : memref<1x100xi32, #tpu.memory_space<vmem>> -> memref<100xi32, #tpu.memory_space<vmem>>
          %dma_start3A_75 = arith.constant 0 : i32
          %dma_start3A_76 = arith.constant 0 : i32
          %dma_start3A_77 = tpu.memref_slice %arg6[%dma_start3A_75, %dma_start3A_76] : memref<10240x128xf32, #tpu.memory_space<vmem_shared>> -> memref<10240x128xf32, #tpu.memory_space<vmem_shared>>
          tpu.enqueue_indirect_dma source(%arg8 : memref<100x128xf32, #tpu.memory_space<vmem>>) target(%dma_start3A_77 : memref<10240x128xf32, #tpu.memory_space<vmem_shared>>) offsets(%dma_start3A_74 : memref<100xi32, #tpu.memory_space<vmem>>) semaphore(%arg10 : memref<!tpu.dma_semaphore, #tpu.memory_space<semaphore_mem>>) {add = true}
        } else {
        }
        %dma_wait3A = arith.constant 0 : i32
        %dma_wait3A_65 = tpu.memref_slice %arg7[%scan3A_22, %dma_wait3A] : memref<100x100xi32, #tpu.memory_space<vmem>> -> memref<1x100xi32, #tpu.memory_space<vmem>>
        %dma_wait3A_66 = tpu.memref_squeeze %dma_wait3A_65 : memref<1x100xi32, #tpu.memory_space<vmem>> -> memref<100xi32, #tpu.memory_space<vmem>>
        %dma_wait3A_67 = arith.constant 0 : i32
        %dma_wait3A_68 = arith.constant 0 : i32
        %dma_wait3A_69 = tpu.memref_slice %arg6[%dma_wait3A_67, %dma_wait3A_68] : memref<10240x128xf32, #tpu.memory_space<vmem_shared>> -> memref<10240x128xf32, #tpu.memory_space<vmem_shared>>
        tpu.wait_indirect_dma semaphore(%arg9 : memref<!tpu.dma_semaphore, #tpu.memory_space<semaphore_mem>>) src(%arg8 : memref<100x128xf32, #tpu.memory_space<vmem>>) dst(%dma_wait3A_69 : memref<10240x128xf32, #tpu.memory_space<vmem_shared>>)
      } else {
      }
      %jit3A_36 = arith.constant 2 : i32
      %eq3A_37 = arith.constant 0 : i32
      %eq3A_38 = arith.cmpi eq, %jit3A_36, %eq3A_37 : i32
      %jit3A_39 = arith.constant 1 : i32
      %select_n3A_40 = arith.select %eq3A_38, %jit3A_39, %jit3A_36 : i32
      %rem3A_41 = arith.remsi %scan3A_22, %select_n3A_40 : i32
      %ne3A_42 = arith.constant 0 : i32
      %ne3A_43 = arith.cmpi ne, %rem3A_41, %ne3A_42 : i32
      %lt3A_44 = arith.constant 0 : i32
      %lt3A_45 = arith.cmpi slt, %rem3A_41, %lt3A_44 : i32
      %lt3A_46 = arith.constant 0 : i32
      %lt3A_47 = arith.cmpi slt, %select_n3A_40, %lt3A_46 : i32
      %ne3A_48 = arith.xori %lt3A_45, %lt3A_47 : i1
      %and3A_49 = arith.andi %ne3A_48, %ne3A_43 : i1
      %add3A_50 = arith.addi %rem3A_41, %select_n3A_40 : i32
      %select_n3A_51 = arith.select %and3A_49, %add3A_50, %rem3A_41 : i32
      %eq3A_52 = arith.constant 1 : i32
      %eq3A_53 = arith.cmpi eq, %select_n3A_51, %eq3A_52 : i32
      %convert_element_type3A_54 = arith.extui %eq3A_53 : i1 to i32
      %cond3A_55 = arith.constant 0 : i32
      %cond3A_56 = arith.cmpi ne, %convert_element_type3A_54, %cond3A_55 : i32
      scf.if %cond3A_56 {
        %add3A_58 = arith.constant 1 : i32
        %add3A_59 = arith.addi %scan3A_22, %add3A_58 : i32
        %lt3A_60 = arith.constant 100 : i32
        %lt3A_61 = arith.cmpi slt, %add3A_59, %lt3A_60 : i32
        %convert_element_type3A_62 = arith.extui %lt3A_61 : i1 to i32
        %cond3A_63 = arith.constant 0 : i32
        %cond3A_64 = arith.cmpi ne, %convert_element_type3A_62, %cond3A_63 : i32
        scf.if %cond3A_64 {
          %add3A_70 = arith.constant 1 : i32
          %add3A_71 = arith.addi %scan3A_22, %add3A_70 : i32
          %dma_start3A_72 = arith.constant 0 : i32
          %dma_start3A_73 = tpu.memref_slice %arg7[%add3A_71, %dma_start3A_72] : memref<100x100xi32, #tpu.memory_space<vmem>> -> memref<1x100xi32, #tpu.memory_space<vmem>>
          %dma_start3A_74 = tpu.memref_squeeze %dma_start3A_73 : memref<1x100xi32, #tpu.memory_space<vmem>> -> memref<100xi32, #tpu.memory_space<vmem>>
          %dma_start3A_75 = arith.constant 0 : i32
          %dma_start3A_76 = arith.constant 0 : i32
          %dma_start3A_77 = tpu.memref_slice %arg6[%dma_start3A_75, %dma_start3A_76] : memref<10240x128xf32, #tpu.memory_space<vmem_shared>> -> memref<10240x128xf32, #tpu.memory_space<vmem_shared>>
          tpu.enqueue_indirect_dma source(%arg8 : memref<100x128xf32, #tpu.memory_space<vmem>>) target(%dma_start3A_77 : memref<10240x128xf32, #tpu.memory_space<vmem_shared>>) offsets(%dma_start3A_74 : memref<100xi32, #tpu.memory_space<vmem>>) semaphore(%arg9 : memref<!tpu.dma_semaphore, #tpu.memory_space<semaphore_mem>>) {add = true}
        } else {
        }
        %dma_wait3A = arith.constant 0 : i32
        %dma_wait3A_65 = tpu.memref_slice %arg7[%scan3A_22, %dma_wait3A] : memref<100x100xi32, #tpu.memory_space<vmem>> -> memref<1x100xi32, #tpu.memory_space<vmem>>
        %dma_wait3A_66 = tpu.memref_squeeze %dma_wait3A_65 : memref<1x100xi32, #tpu.memory_space<vmem>> -> memref<100xi32, #tpu.memory_space<vmem>>
        %dma_wait3A_67 = arith.constant 0 : i32
        %dma_wait3A_68 = arith.constant 0 : i32
        %dma_wait3A_69 = tpu.memref_slice %arg6[%dma_wait3A_67, %dma_wait3A_68] : memref<10240x128xf32, #tpu.memory_space<vmem_shared>> -> memref<10240x128xf32, #tpu.memory_space<vmem_shared>>
        tpu.wait_indirect_dma semaphore(%arg10 : memref<!tpu.dma_semaphore, #tpu.memory_space<semaphore_mem>>) src(%arg8 : memref<100x128xf32, #tpu.memory_space<vmem>>) dst(%dma_wait3A_69 : memref<10240x128xf32, #tpu.memory_space<vmem_shared>>)
      } else {
      }
      %scan3A_57 = arith.constant 0 : i32
      scf.yield %scan3A_57 : i32
    }
    %scan3A_16 = arith.constant 100 : i32
    %barrier3A_17 = arith.constant 0 : index
    tpu.barrier barrier_id(%barrier3A_17)
    %mul3A_18 = arith.constant 640 : i32
    %mul3A_19 = arith.muli %arg1, %mul3A_18 : i32
    %mul3A_20 = arith.constant 640 : i32
    %mul3A_21 = arith.muli %arg1, %mul3A_20 : i32
    "tpu.region"() ({
      %run_scoped3A = tpu.sem_alloc : memref<!tpu.dma_semaphore, #tpu.memory_space<semaphore_mem>>
      %dma_start3A_22 = arith.constant 0 : i32
      %dma_start3A_23 = tpu.memref_slice %arg5[%arg0, %mul3A_21, %dma_start3A_22] : memref<2x10240x128xf32, #tpu.memory_space<hbm>> -> memref<1x640x128xf32, #tpu.memory_space<hbm>>
      %dma_start3A_24 = tpu.memref_squeeze %dma_start3A_23 : memref<1x640x128xf32, #tpu.memory_space<hbm>> -> memref<640x128xf32, #tpu.memory_space<hbm>>
      %dma_start3A_25 = arith.constant 0 : i32
      %dma_start3A_26 = tpu.memref_slice %arg6[%mul3A_19, %dma_start3A_25] : memref<10240x128xf32, #tpu.memory_space<vmem_shared>> -> memref<640x128xf32, #tpu.memory_space<vmem_shared>>
      tpu.enqueue_dma source(%dma_start3A_26 : memref<640x128xf32, #tpu.memory_space<vmem_shared>>) target(%dma_start3A_24 : memref<640x128xf32, #tpu.memory_space<hbm>>) target_semaphore(%run_scoped3A : memref<!tpu.dma_semaphore, #tpu.memory_space<semaphore_mem>>)
      %dma_wait3A = arith.constant 0 : i32
      %dma_wait3A_27 = tpu.memref_slice %arg5[%arg0, %mul3A_21, %dma_wait3A] : memref<2x10240x128xf32, #tpu.memory_space<hbm>> -> memref<1x640x128xf32, #tpu.memory_space<hbm>>
      %dma_wait3A_28 = tpu.memref_squeeze %dma_wait3A_27 : memref<1x640x128xf32, #tpu.memory_space<hbm>> -> memref<640x128xf32, #tpu.memory_space<hbm>>
      %dma_wait3A_29 = arith.constant 0 : i32
      %dma_wait3A_30 = tpu.memref_slice %arg6[%mul3A_19, %dma_wait3A_29] : memref<10240x128xf32, #tpu.memory_space<vmem_shared>> -> memref<640x128xf32, #tpu.memory_space<vmem_shared>>
      tpu.wait_dma2 semaphore(%run_scoped3A : memref<!tpu.dma_semaphore, #tpu.memory_space<semaphore_mem>>) src(%dma_wait3A_30 : memref<640x128xf32, #tpu.memory_space<vmem_shared>>) dst(%dma_wait3A_28 : memref<640x128xf32, #tpu.memory_space<hbm>>)
      tpu.yield
    }) : () -> ()
    return
  }
}

#map = affine_map<(d0, d1) -> (0, 0, 0, 0)>
#map1 = affine_map<(d0, d1) -> (0, 0)>
#map2 = affine_map<(d0, d1) -> (0, 0, 0)>
module attributes {stable_mosaic.version = 14 : i64} {
  func.func @_sc_agg_body(%arg0: i32, %arg1: i32, %arg2: memref<32x100x2x100xi32, #tpu.memory_space<hbm>>, %arg3: memref<10000x128xf32, #tpu.memory_space<hbm>>, %arg4: memref<10240x128xf32, #tpu.memory_space<hbm>>, %arg5: memref<2x10240x128xf32, #tpu.memory_space<hbm>>, %arg6: memref<10240x128xf32, #tpu.memory_space<vmem_shared>>, %arg7: memref<2x2x100xi32, #tpu.memory_space<vmem>>, %arg8: memref<2x100x128xf32, #tpu.memory_space<vmem>>, %arg9: memref<!tpu.dma_semaphore, #tpu.memory_space<semaphore_mem>>, %arg10: memref<!tpu.dma_semaphore, #tpu.memory_space<semaphore_mem>>, %arg11: memref<!tpu.dma_semaphore, #tpu.memory_space<semaphore_mem>>, %arg12: memref<!tpu.dma_semaphore, #tpu.memory_space<semaphore_mem>>) attributes {dimension_semantics = [#tpu.dimension_semantics<core_parallel>, #tpu.dimension_semantics<subcore_parallel>], iteration_bounds = array<i64: 2, 16>, scalar_prefetch = 0 : i64, scratch_operands = 7 : i64, tpu.core_type = #tpu.core_type<sc_vector_subcore>, window_params = [{transform_indices = #map}, {transform_indices = #map1}, {transform_indices = #map1}, {transform_indices = #map2}]} {
    %mul3A = arith.constant 16 : i32
    %mul3A_0 = arith.muli %arg0, %mul3A : i32
    %add3A = arith.addi %mul3A_0, %arg1 : i32
    %mul3A_1 = arith.constant 640 : i32
    %mul3A_2 = arith.muli %arg1, %mul3A_1 : i32
    %mul3A_3 = arith.constant 640 : i32
    %mul3A_4 = arith.muli %arg1, %mul3A_3 : i32
    "tpu.region"() ({
      %run_scoped3A_47 = tpu.sem_alloc : memref<!tpu.dma_semaphore, #tpu.memory_space<semaphore_mem>>
      %dma_start3A_48 = arith.constant 0 : i32
      %dma_start3A_49 = tpu.memref_slice %arg6[%mul3A_4, %dma_start3A_48] : memref<10240x128xf32, #tpu.memory_space<vmem_shared>> -> memref<640x128xf32, #tpu.memory_space<vmem_shared>>
      %dma_start3A_50 = arith.constant 0 : i32
      %dma_start3A_51 = tpu.memref_slice %arg4[%mul3A_2, %dma_start3A_50] : memref<10240x128xf32, #tpu.memory_space<hbm>> -> memref<640x128xf32, #tpu.memory_space<hbm>>
      tpu.enqueue_dma source(%dma_start3A_51 : memref<640x128xf32, #tpu.memory_space<hbm>>) target(%dma_start3A_49 : memref<640x128xf32, #tpu.memory_space<vmem_shared>>) target_semaphore(%run_scoped3A_47 : memref<!tpu.dma_semaphore, #tpu.memory_space<semaphore_mem>>)
      %dma_wait3A = arith.constant 0 : i32
      %dma_wait3A_52 = tpu.memref_slice %arg6[%mul3A_4, %dma_wait3A] : memref<10240x128xf32, #tpu.memory_space<vmem_shared>> -> memref<640x128xf32, #tpu.memory_space<vmem_shared>>
      %dma_wait3A_53 = arith.constant 0 : i32
      %dma_wait3A_54 = tpu.memref_slice %arg4[%mul3A_2, %dma_wait3A_53] : memref<10240x128xf32, #tpu.memory_space<hbm>> -> memref<640x128xf32, #tpu.memory_space<hbm>>
      tpu.wait_dma2 semaphore(%run_scoped3A_47 : memref<!tpu.dma_semaphore, #tpu.memory_space<semaphore_mem>>) src(%dma_wait3A_54 : memref<640x128xf32, #tpu.memory_space<hbm>>) dst(%dma_wait3A_52 : memref<640x128xf32, #tpu.memory_space<vmem_shared>>)
      tpu.yield
    }) : () -> ()
    %barrier3A = arith.constant 0 : index
    tpu.barrier barrier_id(%barrier3A)
    %run_scoped3A = arith.constant 0 : i32
    %run_scoped3A_5 = arith.constant 0 : i32
    "tpu.region"() ({
      %run_scoped3A_47 = tpu.sem_alloc : memref<!tpu.dma_semaphore, #tpu.memory_space<semaphore_mem>>
      %dma_start3A_48 = arith.constant 0 : i32
      %dma_start3A_49 = arith.constant 0 : i32
      %dma_start3A_50 = tpu.memref_slice %arg7[%run_scoped3A_5, %dma_start3A_48, %dma_start3A_49] : memref<2x2x100xi32, #tpu.memory_space<vmem>> -> memref<1x2x100xi32, #tpu.memory_space<vmem>>
      %dma_start3A_51 = tpu.memref_squeeze %dma_start3A_50 : memref<1x2x100xi32, #tpu.memory_space<vmem>> -> memref<2x100xi32, #tpu.memory_space<vmem>>
      %dma_start3A_52 = arith.constant 0 : i32
      %dma_start3A_53 = arith.constant 0 : i32
      %dma_start3A_54 = tpu.memref_slice %arg2[%add3A, %run_scoped3A, %dma_start3A_52, %dma_start3A_53] : memref<32x100x2x100xi32, #tpu.memory_space<hbm>> -> memref<1x1x2x100xi32, #tpu.memory_space<hbm>>
      %dma_start3A_55 = tpu.memref_squeeze %dma_start3A_54 : memref<1x1x2x100xi32, #tpu.memory_space<hbm>> -> memref<2x100xi32, #tpu.memory_space<hbm>>
      %dma_start3A_56 = arith.constant 0 : i32
      %dma_start3A_57 = arith.constant 0 : i32
      %dma_start3A_58 = tpu.memref_slice %arg7[%run_scoped3A_5, %dma_start3A_56, %dma_start3A_57] : memref<2x2x100xi32, #tpu.memory_space<vmem>> -> memref<1x2x100xi32, #tpu.memory_space<vmem>>
      %dma_start3A_59 = tpu.memref_squeeze %dma_start3A_58 : memref<1x2x100xi32, #tpu.memory_space<vmem>> -> memref<2x100xi32, #tpu.memory_space<vmem>>
      %dma_start3A_60 = arith.constant 0 : i32
      %dma_start3A_61 = arith.constant 0 : i32
      %dma_start3A_62 = tpu.memref_slice %arg2[%add3A, %run_scoped3A, %dma_start3A_60, %dma_start3A_61] : memref<32x100x2x100xi32, #tpu.memory_space<hbm>> -> memref<1x1x2x100xi32, #tpu.memory_space<hbm>>
      %dma_start3A_63 = tpu.memref_squeeze %dma_start3A_62 : memref<1x1x2x100xi32, #tpu.memory_space<hbm>> -> memref<2x100xi32, #tpu.memory_space<hbm>>
      tpu.enqueue_dma source(%dma_start3A_63 : memref<2x100xi32, #tpu.memory_space<hbm>>) target(%dma_start3A_59 : memref<2x100xi32, #tpu.memory_space<vmem>>) target_semaphore(%run_scoped3A_47 : memref<!tpu.dma_semaphore, #tpu.memory_space<semaphore_mem>>)
      %dma_wait3A = arith.constant 0 : i32
      %dma_wait3A_64 = arith.constant 0 : i32
      %dma_wait3A_65 = tpu.memref_slice %arg7[%run_scoped3A_5, %dma_wait3A, %dma_wait3A_64] : memref<2x2x100xi32, #tpu.memory_space<vmem>> -> memref<1x2x100xi32, #tpu.memory_space<vmem>>
      %dma_wait3A_66 = tpu.memref_squeeze %dma_wait3A_65 : memref<1x2x100xi32, #tpu.memory_space<vmem>> -> memref<2x100xi32, #tpu.memory_space<vmem>>
      %dma_wait3A_67 = arith.constant 0 : i32
      %dma_wait3A_68 = arith.constant 0 : i32
      %dma_wait3A_69 = tpu.memref_slice %arg2[%add3A, %run_scoped3A, %dma_wait3A_67, %dma_wait3A_68] : memref<32x100x2x100xi32, #tpu.memory_space<hbm>> -> memref<1x1x2x100xi32, #tpu.memory_space<hbm>>
      %dma_wait3A_70 = tpu.memref_squeeze %dma_wait3A_69 : memref<1x1x2x100xi32, #tpu.memory_space<hbm>> -> memref<2x100xi32, #tpu.memory_space<hbm>>
      %dma_wait3A_71 = arith.constant 0 : i32
      %dma_wait3A_72 = arith.constant 0 : i32
      %dma_wait3A_73 = tpu.memref_slice %arg7[%run_scoped3A_5, %dma_wait3A_71, %dma_wait3A_72] : memref<2x2x100xi32, #tpu.memory_space<vmem>> -> memref<1x2x100xi32, #tpu.memory_space<vmem>>
      %dma_wait3A_74 = tpu.memref_squeeze %dma_wait3A_73 : memref<1x2x100xi32, #tpu.memory_space<vmem>> -> memref<2x100xi32, #tpu.memory_space<vmem>>
      %dma_wait3A_75 = arith.constant 0 : i32
      %dma_wait3A_76 = arith.constant 0 : i32
      %dma_wait3A_77 = tpu.memref_slice %arg2[%add3A, %run_scoped3A, %dma_wait3A_75, %dma_wait3A_76] : memref<32x100x2x100xi32, #tpu.memory_space<hbm>> -> memref<1x1x2x100xi32, #tpu.memory_space<hbm>>
      %dma_wait3A_78 = tpu.memref_squeeze %dma_wait3A_77 : memref<1x1x2x100xi32, #tpu.memory_space<hbm>> -> memref<2x100xi32, #tpu.memory_space<hbm>>
      tpu.wait_dma2 semaphore(%run_scoped3A_47 : memref<!tpu.dma_semaphore, #tpu.memory_space<semaphore_mem>>) src(%dma_wait3A_78 : memref<2x100xi32, #tpu.memory_space<hbm>>) dst(%dma_wait3A_74 : memref<2x100xi32, #tpu.memory_space<vmem>>)
      tpu.yield
    }) : () -> ()
    %dma_start3A = arith.constant 0 : i32
    %dma_start3A_6 = arith.constant 0 : i32
    %dma_start3A_7 = arith.constant 0 : i32
    %dma_start3A_8 = arith.constant 0 : i32
    %dma_start3A_9 = arith.constant 0 : i32
    %dma_start3A_10 = tpu.memref_slice %arg8[%dma_start3A_7, %dma_start3A_8, %dma_start3A_9] : memref<2x100x128xf32, #tpu.memory_space<vmem>> -> memref<1x100x128xf32, #tpu.memory_space<vmem>>
    %dma_start3A_11 = tpu.memref_squeeze %dma_start3A_10 : memref<1x100x128xf32, #tpu.memory_space<vmem>> -> memref<100x128xf32, #tpu.memory_space<vmem>>
    %dma_start3A_12 = arith.constant 0 : i32
    %dma_start3A_13 = tpu.memref_slice %arg7[%dma_start3A, %dma_start3A_6, %dma_start3A_12] : memref<2x2x100xi32, #tpu.memory_space<vmem>> -> memref<1x1x100xi32, #tpu.memory_space<vmem>>
    %dma_start3A_14 = tpu.memref_squeeze %dma_start3A_13 : memref<1x1x100xi32, #tpu.memory_space<vmem>> -> memref<100xi32, #tpu.memory_space<vmem>>
    %dma_start3A_15 = arith.constant 0 : i32
    %dma_start3A_16 = arith.constant 0 : i32
    %dma_start3A_17 = tpu.memref_slice %arg3[%dma_start3A_15, %dma_start3A_16] : memref<10000x128xf32, #tpu.memory_space<hbm>> -> memref<10000x128xf32, #tpu.memory_space<hbm>>
    tpu.enqueue_indirect_dma source(%dma_start3A_17 : memref<10000x128xf32, #tpu.memory_space<hbm>>) target(%dma_start3A_11 : memref<100x128xf32, #tpu.memory_space<vmem>>) offsets(%dma_start3A_14 : memref<100xi32, #tpu.memory_space<vmem>>) semaphore(%arg9 : memref<!tpu.dma_semaphore, #tpu.memory_space<semaphore_mem>>)
    %dma_start3A_18 = arith.constant 1 : i32
    %dma_start3A_19 = arith.constant 1 : i32
    %dma_start3A_20 = arith.constant 0 : i32
    %dma_start3A_21 = arith.constant 0 : i32
    %dma_start3A_22 = tpu.memref_slice %arg7[%dma_start3A_19, %dma_start3A_20, %dma_start3A_21] : memref<2x2x100xi32, #tpu.memory_space<vmem>> -> memref<1x2x100xi32, #tpu.memory_space<vmem>>
    %dma_start3A_23 = tpu.memref_squeeze %dma_start3A_22 : memref<1x2x100xi32, #tpu.memory_space<vmem>> -> memref<2x100xi32, #tpu.memory_space<vmem>>
    %dma_start3A_24 = arith.constant 0 : i32
    %dma_start3A_25 = arith.constant 0 : i32
    %dma_start3A_26 = tpu.memref_slice %arg2[%add3A, %dma_start3A_18, %dma_start3A_24, %dma_start3A_25] : memref<32x100x2x100xi32, #tpu.memory_space<hbm>> -> memref<1x1x2x100xi32, #tpu.memory_space<hbm>>
    %dma_start3A_27 = tpu.memref_squeeze %dma_start3A_26 : memref<1x1x2x100xi32, #tpu.memory_space<hbm>> -> memref<2x100xi32, #tpu.memory_space<hbm>>
    %dma_start3A_28 = arith.constant 0 : i32
    %dma_start3A_29 = arith.constant 0 : i32
    %dma_start3A_30 = tpu.memref_slice %arg7[%dma_start3A_19, %dma_start3A_28, %dma_start3A_29] : memref<2x2x100xi32, #tpu.memory_space<vmem>> -> memref<1x2x100xi32, #tpu.memory_space<vmem>>
    %dma_start3A_31 = tpu.memref_squeeze %dma_start3A_30 : memref<1x2x100xi32, #tpu.memory_space<vmem>> -> memref<2x100xi32, #tpu.memory_space<vmem>>
    %dma_start3A_32 = arith.constant 0 : i32
    %dma_start3A_33 = arith.constant 0 : i32
    %dma_start3A_34 = tpu.memref_slice %arg2[%add3A, %dma_start3A_18, %dma_start3A_32, %dma_start3A_33] : memref<32x100x2x100xi32, #tpu.memory_space<hbm>> -> memref<1x1x2x100xi32, #tpu.memory_space<hbm>>
    %dma_start3A_35 = tpu.memref_squeeze %dma_start3A_34 : memref<1x1x2x100xi32, #tpu.memory_space<hbm>> -> memref<2x100xi32, #tpu.memory_space<hbm>>
    tpu.enqueue_dma source(%dma_start3A_35 : memref<2x100xi32, #tpu.memory_space<hbm>>) target(%dma_start3A_31 : memref<2x100xi32, #tpu.memory_space<vmem>>) target_semaphore(%arg12 : memref<!tpu.dma_semaphore, #tpu.memory_space<semaphore_mem>>)
    %scan3A = arith.constant 0 : i32
    %scan3A_36 = arith.constant 0 : i32
    %scan3A_37 = arith.constant 100 : i32
    %scan3A_38 = arith.addi %scan3A_36, %scan3A_37 : i32
    %scan3A_39 = arith.constant 1 : i32
    %scan3A_40 = scf.for %scan3A_47 = %scan3A_36 to %scan3A_38 step %scan3A_39 iter_args(%scan3A_48 = %scan3A) -> (i32)  : i32 {
      %jit3A = arith.constant 2 : i32
      %eq3A = arith.constant 0 : i32
      %eq3A_49 = arith.cmpi eq, %jit3A, %eq3A : i32
      %jit3A_50 = arith.constant 1 : i32
      %select_n3A = arith.select %eq3A_49, %jit3A_50, %jit3A : i32
      %rem3A = arith.remsi %scan3A_47, %select_n3A : i32
      %ne3A = arith.constant 0 : i32
      %ne3A_51 = arith.cmpi ne, %rem3A, %ne3A : i32
      %lt3A = arith.constant 0 : i32
      %lt3A_52 = arith.cmpi slt, %rem3A, %lt3A : i32
      %lt3A_53 = arith.constant 0 : i32
      %lt3A_54 = arith.cmpi slt, %select_n3A, %lt3A_53 : i32
      %ne3A_55 = arith.xori %lt3A_52, %lt3A_54 : i1
      %and3A = arith.andi %ne3A_55, %ne3A_51 : i1
      %add3A_56 = arith.addi %rem3A, %select_n3A : i32
      %select_n3A_57 = arith.select %and3A, %add3A_56, %rem3A : i32
      %eq3A_58 = arith.constant 0 : i32
      %eq3A_59 = arith.cmpi eq, %select_n3A_57, %eq3A_58 : i32
      %convert_element_type3A = arith.extui %eq3A_59 : i1 to i32
      %cond3A = arith.constant 0 : i32
      %cond3A_60 = arith.cmpi ne, %convert_element_type3A, %cond3A : i32
      scf.if %cond3A_60 {
        %add3A_83 = arith.constant 1 : i32
        %add3A_84 = arith.addi %scan3A_47, %add3A_83 : i32
        %lt3A_85 = arith.constant 100 : i32
        %lt3A_86 = arith.cmpi slt, %add3A_84, %lt3A_85 : i32
        %convert_element_type3A_87 = arith.extui %lt3A_86 : i1 to i32
        %cond3A_88 = arith.constant 0 : i32
        %cond3A_89 = arith.cmpi ne, %convert_element_type3A_87, %cond3A_88 : i32
        scf.if %cond3A_89 {
          %add3A_112 = arith.constant 1 : i32
          %add3A_113 = arith.addi %scan3A_47, %add3A_112 : i32
          %dma_wait3A_114 = arith.constant 1 : i32
          %dma_wait3A_115 = arith.constant 0 : i32
          %dma_wait3A_116 = arith.constant 0 : i32
          %dma_wait3A_117 = tpu.memref_slice %arg7[%dma_wait3A_114, %dma_wait3A_115, %dma_wait3A_116] : memref<2x2x100xi32, #tpu.memory_space<vmem>> -> memref<1x2x100xi32, #tpu.memory_space<vmem>>
          %dma_wait3A_118 = tpu.memref_squeeze %dma_wait3A_117 : memref<1x2x100xi32, #tpu.memory_space<vmem>> -> memref<2x100xi32, #tpu.memory_space<vmem>>
          %dma_wait3A_119 = arith.constant 0 : i32
          %dma_wait3A_120 = arith.constant 0 : i32
          %dma_wait3A_121 = tpu.memref_slice %arg2[%add3A, %add3A_113, %dma_wait3A_119, %dma_wait3A_120] : memref<32x100x2x100xi32, #tpu.memory_space<hbm>> -> memref<1x1x2x100xi32, #tpu.memory_space<hbm>>
          %dma_wait3A_122 = tpu.memref_squeeze %dma_wait3A_121 : memref<1x1x2x100xi32, #tpu.memory_space<hbm>> -> memref<2x100xi32, #tpu.memory_space<hbm>>
          %dma_wait3A_123 = arith.constant 0 : i32
          %dma_wait3A_124 = arith.constant 0 : i32
          %dma_wait3A_125 = tpu.memref_slice %arg7[%dma_wait3A_114, %dma_wait3A_123, %dma_wait3A_124] : memref<2x2x100xi32, #tpu.memory_space<vmem>> -> memref<1x2x100xi32, #tpu.memory_space<vmem>>
          %dma_wait3A_126 = tpu.memref_squeeze %dma_wait3A_125 : memref<1x2x100xi32, #tpu.memory_space<vmem>> -> memref<2x100xi32, #tpu.memory_space<vmem>>
          %dma_wait3A_127 = arith.constant 0 : i32
          %dma_wait3A_128 = arith.constant 0 : i32
          %dma_wait3A_129 = tpu.memref_slice %arg2[%add3A, %add3A_113, %dma_wait3A_127, %dma_wait3A_128] : memref<32x100x2x100xi32, #tpu.memory_space<hbm>> -> memref<1x1x2x100xi32, #tpu.memory_space<hbm>>
          %dma_wait3A_130 = tpu.memref_squeeze %dma_wait3A_129 : memref<1x1x2x100xi32, #tpu.memory_space<hbm>> -> memref<2x100xi32, #tpu.memory_space<hbm>>
          tpu.wait_dma2 semaphore(%arg12 : memref<!tpu.dma_semaphore, #tpu.memory_space<semaphore_mem>>) src(%dma_wait3A_130 : memref<2x100xi32, #tpu.memory_space<hbm>>) dst(%dma_wait3A_126 : memref<2x100xi32, #tpu.memory_space<vmem>>)
          %dma_start3A_131 = arith.constant 1 : i32
          %dma_start3A_132 = arith.constant 0 : i32
          %dma_start3A_133 = arith.constant 1 : i32
          %dma_start3A_134 = arith.constant 0 : i32
          %dma_start3A_135 = arith.constant 0 : i32
          %dma_start3A_136 = tpu.memref_slice %arg8[%dma_start3A_133, %dma_start3A_134, %dma_start3A_135] : memref<2x100x128xf32, #tpu.memory_space<vmem>> -> memref<1x100x128xf32, #tpu.memory_space<vmem>>
          %dma_start3A_137 = tpu.memref_squeeze %dma_start3A_136 : memref<1x100x128xf32, #tpu.memory_space<vmem>> -> memref<100x128xf32, #tpu.memory_space<vmem>>
          %dma_start3A_138 = arith.constant 0 : i32
          %dma_start3A_139 = tpu.memref_slice %arg7[%dma_start3A_131, %dma_start3A_132, %dma_start3A_138] : memref<2x2x100xi32, #tpu.memory_space<vmem>> -> memref<1x1x100xi32, #tpu.memory_space<vmem>>
          %dma_start3A_140 = tpu.memref_squeeze %dma_start3A_139 : memref<1x1x100xi32, #tpu.memory_space<vmem>> -> memref<100xi32, #tpu.memory_space<vmem>>
          %dma_start3A_141 = arith.constant 0 : i32
          %dma_start3A_142 = arith.constant 0 : i32
          %dma_start3A_143 = tpu.memref_slice %arg3[%dma_start3A_141, %dma_start3A_142] : memref<10000x128xf32, #tpu.memory_space<hbm>> -> memref<10000x128xf32, #tpu.memory_space<hbm>>
          tpu.enqueue_indirect_dma source(%dma_start3A_143 : memref<10000x128xf32, #tpu.memory_space<hbm>>) target(%dma_start3A_137 : memref<100x128xf32, #tpu.memory_space<vmem>>) offsets(%dma_start3A_140 : memref<100xi32, #tpu.memory_space<vmem>>) semaphore(%arg10 : memref<!tpu.dma_semaphore, #tpu.memory_space<semaphore_mem>>)
        } else {
        }
        %dma_wait3A = arith.constant 0 : i32
        %dma_wait3A_90 = arith.constant 0 : i32
        %dma_wait3A_91 = arith.constant 0 : i32
        %dma_wait3A_92 = arith.constant 0 : i32
        %dma_wait3A_93 = arith.constant 0 : i32
        %dma_wait3A_94 = tpu.memref_slice %arg8[%dma_wait3A_91, %dma_wait3A_92, %dma_wait3A_93] : memref<2x100x128xf32, #tpu.memory_space<vmem>> -> memref<1x100x128xf32, #tpu.memory_space<vmem>>
        %dma_wait3A_95 = tpu.memref_squeeze %dma_wait3A_94 : memref<1x100x128xf32, #tpu.memory_space<vmem>> -> memref<100x128xf32, #tpu.memory_space<vmem>>
        %dma_wait3A_96 = arith.constant 0 : i32
        %dma_wait3A_97 = tpu.memref_slice %arg7[%dma_wait3A, %dma_wait3A_90, %dma_wait3A_96] : memref<2x2x100xi32, #tpu.memory_space<vmem>> -> memref<1x1x100xi32, #tpu.memory_space<vmem>>
        %dma_wait3A_98 = tpu.memref_squeeze %dma_wait3A_97 : memref<1x1x100xi32, #tpu.memory_space<vmem>> -> memref<100xi32, #tpu.memory_space<vmem>>
        %dma_wait3A_99 = arith.constant 0 : i32
        %dma_wait3A_100 = arith.constant 0 : i32
        %dma_wait3A_101 = tpu.memref_slice %arg3[%dma_wait3A_99, %dma_wait3A_100] : memref<10000x128xf32, #tpu.memory_space<hbm>> -> memref<10000x128xf32, #tpu.memory_space<hbm>>
        tpu.wait_indirect_dma semaphore(%arg9 : memref<!tpu.dma_semaphore, #tpu.memory_space<semaphore_mem>>) src(%dma_wait3A_101 : memref<10000x128xf32, #tpu.memory_space<hbm>>) dst(%dma_wait3A_95 : memref<100x128xf32, #tpu.memory_space<vmem>>)
        %run_scoped3A_102 = arith.constant 0 : i32
        %run_scoped3A_103 = arith.constant 0 : i32
        %run_scoped3A_104 = arith.constant 1 : i32
        "tpu.region"() ({
          %run_scoped3A_112 = tpu.sem_alloc : memref<!tpu.dma_semaphore, #tpu.memory_space<semaphore_mem>>
          %dma_start3A_113 = arith.constant 0 : i32
          %dma_start3A_114 = arith.constant 0 : i32
          %dma_start3A_115 = tpu.memref_slice %arg8[%run_scoped3A_102, %dma_start3A_113, %dma_start3A_114] : memref<2x100x128xf32, #tpu.memory_space<vmem>> -> memref<1x100x128xf32, #tpu.memory_space<vmem>>
          %dma_start3A_116 = tpu.memref_squeeze %dma_start3A_115 : memref<1x100x128xf32, #tpu.memory_space<vmem>> -> memref<100x128xf32, #tpu.memory_space<vmem>>
          %dma_start3A_117 = arith.constant 0 : i32
          %dma_start3A_118 = tpu.memref_slice %arg7[%run_scoped3A_103, %run_scoped3A_104, %dma_start3A_117] : memref<2x2x100xi32, #tpu.memory_space<vmem>> -> memref<1x1x100xi32, #tpu.memory_space<vmem>>
          %dma_start3A_119 = tpu.memref_squeeze %dma_start3A_118 : memref<1x1x100xi32, #tpu.memory_space<vmem>> -> memref<100xi32, #tpu.memory_space<vmem>>
          %dma_start3A_120 = arith.constant 0 : i32
          %dma_start3A_121 = arith.constant 0 : i32
          %dma_start3A_122 = tpu.memref_slice %arg6[%dma_start3A_120, %dma_start3A_121] : memref<10240x128xf32, #tpu.memory_space<vmem_shared>> -> memref<10240x128xf32, #tpu.memory_space<vmem_shared>>
          tpu.enqueue_indirect_dma source(%dma_start3A_116 : memref<100x128xf32, #tpu.memory_space<vmem>>) target(%dma_start3A_122 : memref<10240x128xf32, #tpu.memory_space<vmem_shared>>) offsets(%dma_start3A_119 : memref<100xi32, #tpu.memory_space<vmem>>) semaphore(%run_scoped3A_112 : memref<!tpu.dma_semaphore, #tpu.memory_space<semaphore_mem>>) {add = true}
          %dma_wait3A_123 = arith.constant 0 : i32
          %dma_wait3A_124 = arith.constant 0 : i32
          %dma_wait3A_125 = tpu.memref_slice %arg8[%run_scoped3A_102, %dma_wait3A_123, %dma_wait3A_124] : memref<2x100x128xf32, #tpu.memory_space<vmem>> -> memref<1x100x128xf32, #tpu.memory_space<vmem>>
          %dma_wait3A_126 = tpu.memref_squeeze %dma_wait3A_125 : memref<1x100x128xf32, #tpu.memory_space<vmem>> -> memref<100x128xf32, #tpu.memory_space<vmem>>
          %dma_wait3A_127 = arith.constant 0 : i32
          %dma_wait3A_128 = tpu.memref_slice %arg7[%run_scoped3A_103, %run_scoped3A_104, %dma_wait3A_127] : memref<2x2x100xi32, #tpu.memory_space<vmem>> -> memref<1x1x100xi32, #tpu.memory_space<vmem>>
          %dma_wait3A_129 = tpu.memref_squeeze %dma_wait3A_128 : memref<1x1x100xi32, #tpu.memory_space<vmem>> -> memref<100xi32, #tpu.memory_space<vmem>>
          %dma_wait3A_130 = arith.constant 0 : i32
          %dma_wait3A_131 = arith.constant 0 : i32
          %dma_wait3A_132 = tpu.memref_slice %arg6[%dma_wait3A_130, %dma_wait3A_131] : memref<10240x128xf32, #tpu.memory_space<vmem_shared>> -> memref<10240x128xf32, #tpu.memory_space<vmem_shared>>
          tpu.wait_indirect_dma semaphore(%run_scoped3A_112 : memref<!tpu.dma_semaphore, #tpu.memory_space<semaphore_mem>>) src(%dma_wait3A_126 : memref<100x128xf32, #tpu.memory_space<vmem>>) dst(%dma_wait3A_132 : memref<10240x128xf32, #tpu.memory_space<vmem_shared>>)
          tpu.yield
        }) : () -> ()
        %add3A_105 = arith.constant 2 : i32
        %add3A_106 = arith.addi %scan3A_47, %add3A_105 : i32
        %lt3A_107 = arith.constant 100 : i32
        %lt3A_108 = arith.cmpi slt, %add3A_106, %lt3A_107 : i32
        %convert_element_type3A_109 = arith.extui %lt3A_108 : i1 to i32
        %cond3A_110 = arith.constant 0 : i32
        %cond3A_111 = arith.cmpi ne, %convert_element_type3A_109, %cond3A_110 : i32
        scf.if %cond3A_111 {
          %add3A_112 = arith.constant 2 : i32
          %add3A_113 = arith.addi %scan3A_47, %add3A_112 : i32
          %dma_start3A_114 = arith.constant 0 : i32
          %dma_start3A_115 = arith.constant 0 : i32
          %dma_start3A_116 = arith.constant 0 : i32
          %dma_start3A_117 = tpu.memref_slice %arg7[%dma_start3A_114, %dma_start3A_115, %dma_start3A_116] : memref<2x2x100xi32, #tpu.memory_space<vmem>> -> memref<1x2x100xi32, #tpu.memory_space<vmem>>
          %dma_start3A_118 = tpu.memref_squeeze %dma_start3A_117 : memref<1x2x100xi32, #tpu.memory_space<vmem>> -> memref<2x100xi32, #tpu.memory_space<vmem>>
          %dma_start3A_119 = arith.constant 0 : i32
          %dma_start3A_120 = arith.constant 0 : i32
          %dma_start3A_121 = tpu.memref_slice %arg2[%add3A, %add3A_113, %dma_start3A_119, %dma_start3A_120] : memref<32x100x2x100xi32, #tpu.memory_space<hbm>> -> memref<1x1x2x100xi32, #tpu.memory_space<hbm>>
          %dma_start3A_122 = tpu.memref_squeeze %dma_start3A_121 : memref<1x1x2x100xi32, #tpu.memory_space<hbm>> -> memref<2x100xi32, #tpu.memory_space<hbm>>
          %dma_start3A_123 = arith.constant 0 : i32
          %dma_start3A_124 = arith.constant 0 : i32
          %dma_start3A_125 = tpu.memref_slice %arg7[%dma_start3A_114, %dma_start3A_123, %dma_start3A_124] : memref<2x2x100xi32, #tpu.memory_space<vmem>> -> memref<1x2x100xi32, #tpu.memory_space<vmem>>
          %dma_start3A_126 = tpu.memref_squeeze %dma_start3A_125 : memref<1x2x100xi32, #tpu.memory_space<vmem>> -> memref<2x100xi32, #tpu.memory_space<vmem>>
          %dma_start3A_127 = arith.constant 0 : i32
          %dma_start3A_128 = arith.constant 0 : i32
          %dma_start3A_129 = tpu.memref_slice %arg2[%add3A, %add3A_113, %dma_start3A_127, %dma_start3A_128] : memref<32x100x2x100xi32, #tpu.memory_space<hbm>> -> memref<1x1x2x100xi32, #tpu.memory_space<hbm>>
          %dma_start3A_130 = tpu.memref_squeeze %dma_start3A_129 : memref<1x1x2x100xi32, #tpu.memory_space<hbm>> -> memref<2x100xi32, #tpu.memory_space<hbm>>
          tpu.enqueue_dma source(%dma_start3A_130 : memref<2x100xi32, #tpu.memory_space<hbm>>) target(%dma_start3A_126 : memref<2x100xi32, #tpu.memory_space<vmem>>) target_semaphore(%arg11 : memref<!tpu.dma_semaphore, #tpu.memory_space<semaphore_mem>>)
        } else {
        }
      } else {
      }
      %jit3A_61 = arith.constant 2 : i32
      %eq3A_62 = arith.constant 0 : i32
      %eq3A_63 = arith.cmpi eq, %jit3A_61, %eq3A_62 : i32
      %jit3A_64 = arith.constant 1 : i32
      %select_n3A_65 = arith.select %eq3A_63, %jit3A_64, %jit3A_61 : i32
      %rem3A_66 = arith.remsi %scan3A_47, %select_n3A_65 : i32
      %ne3A_67 = arith.constant 0 : i32
      %ne3A_68 = arith.cmpi ne, %rem3A_66, %ne3A_67 : i32
      %lt3A_69 = arith.constant 0 : i32
      %lt3A_70 = arith.cmpi slt, %rem3A_66, %lt3A_69 : i32
      %lt3A_71 = arith.constant 0 : i32
      %lt3A_72 = arith.cmpi slt, %select_n3A_65, %lt3A_71 : i32
      %ne3A_73 = arith.xori %lt3A_70, %lt3A_72 : i1
      %and3A_74 = arith.andi %ne3A_73, %ne3A_68 : i1
      %add3A_75 = arith.addi %rem3A_66, %select_n3A_65 : i32
      %select_n3A_76 = arith.select %and3A_74, %add3A_75, %rem3A_66 : i32
      %eq3A_77 = arith.constant 1 : i32
      %eq3A_78 = arith.cmpi eq, %select_n3A_76, %eq3A_77 : i32
      %convert_element_type3A_79 = arith.extui %eq3A_78 : i1 to i32
      %cond3A_80 = arith.constant 0 : i32
      %cond3A_81 = arith.cmpi ne, %convert_element_type3A_79, %cond3A_80 : i32
      scf.if %cond3A_81 {
        %add3A_83 = arith.constant 1 : i32
        %add3A_84 = arith.addi %scan3A_47, %add3A_83 : i32
        %lt3A_85 = arith.constant 100 : i32
        %lt3A_86 = arith.cmpi slt, %add3A_84, %lt3A_85 : i32
        %convert_element_type3A_87 = arith.extui %lt3A_86 : i1 to i32
        %cond3A_88 = arith.constant 0 : i32
        %cond3A_89 = arith.cmpi ne, %convert_element_type3A_87, %cond3A_88 : i32
        scf.if %cond3A_89 {
          %add3A_112 = arith.constant 1 : i32
          %add3A_113 = arith.addi %scan3A_47, %add3A_112 : i32
          %dma_wait3A_114 = arith.constant 0 : i32
          %dma_wait3A_115 = arith.constant 0 : i32
          %dma_wait3A_116 = arith.constant 0 : i32
          %dma_wait3A_117 = tpu.memref_slice %arg7[%dma_wait3A_114, %dma_wait3A_115, %dma_wait3A_116] : memref<2x2x100xi32, #tpu.memory_space<vmem>> -> memref<1x2x100xi32, #tpu.memory_space<vmem>>
          %dma_wait3A_118 = tpu.memref_squeeze %dma_wait3A_117 : memref<1x2x100xi32, #tpu.memory_space<vmem>> -> memref<2x100xi32, #tpu.memory_space<vmem>>
          %dma_wait3A_119 = arith.constant 0 : i32
          %dma_wait3A_120 = arith.constant 0 : i32
          %dma_wait3A_121 = tpu.memref_slice %arg2[%add3A, %add3A_113, %dma_wait3A_119, %dma_wait3A_120] : memref<32x100x2x100xi32, #tpu.memory_space<hbm>> -> memref<1x1x2x100xi32, #tpu.memory_space<hbm>>
          %dma_wait3A_122 = tpu.memref_squeeze %dma_wait3A_121 : memref<1x1x2x100xi32, #tpu.memory_space<hbm>> -> memref<2x100xi32, #tpu.memory_space<hbm>>
          %dma_wait3A_123 = arith.constant 0 : i32
          %dma_wait3A_124 = arith.constant 0 : i32
          %dma_wait3A_125 = tpu.memref_slice %arg7[%dma_wait3A_114, %dma_wait3A_123, %dma_wait3A_124] : memref<2x2x100xi32, #tpu.memory_space<vmem>> -> memref<1x2x100xi32, #tpu.memory_space<vmem>>
          %dma_wait3A_126 = tpu.memref_squeeze %dma_wait3A_125 : memref<1x2x100xi32, #tpu.memory_space<vmem>> -> memref<2x100xi32, #tpu.memory_space<vmem>>
          %dma_wait3A_127 = arith.constant 0 : i32
          %dma_wait3A_128 = arith.constant 0 : i32
          %dma_wait3A_129 = tpu.memref_slice %arg2[%add3A, %add3A_113, %dma_wait3A_127, %dma_wait3A_128] : memref<32x100x2x100xi32, #tpu.memory_space<hbm>> -> memref<1x1x2x100xi32, #tpu.memory_space<hbm>>
          %dma_wait3A_130 = tpu.memref_squeeze %dma_wait3A_129 : memref<1x1x2x100xi32, #tpu.memory_space<hbm>> -> memref<2x100xi32, #tpu.memory_space<hbm>>
          tpu.wait_dma2 semaphore(%arg11 : memref<!tpu.dma_semaphore, #tpu.memory_space<semaphore_mem>>) src(%dma_wait3A_130 : memref<2x100xi32, #tpu.memory_space<hbm>>) dst(%dma_wait3A_126 : memref<2x100xi32, #tpu.memory_space<vmem>>)
          %dma_start3A_131 = arith.constant 0 : i32
          %dma_start3A_132 = arith.constant 0 : i32
          %dma_start3A_133 = arith.constant 0 : i32
          %dma_start3A_134 = arith.constant 0 : i32
          %dma_start3A_135 = arith.constant 0 : i32
          %dma_start3A_136 = tpu.memref_slice %arg8[%dma_start3A_133, %dma_start3A_134, %dma_start3A_135] : memref<2x100x128xf32, #tpu.memory_space<vmem>> -> memref<1x100x128xf32, #tpu.memory_space<vmem>>
          %dma_start3A_137 = tpu.memref_squeeze %dma_start3A_136 : memref<1x100x128xf32, #tpu.memory_space<vmem>> -> memref<100x128xf32, #tpu.memory_space<vmem>>
          %dma_start3A_138 = arith.constant 0 : i32
          %dma_start3A_139 = tpu.memref_slice %arg7[%dma_start3A_131, %dma_start3A_132, %dma_start3A_138] : memref<2x2x100xi32, #tpu.memory_space<vmem>> -> memref<1x1x100xi32, #tpu.memory_space<vmem>>
          %dma_start3A_140 = tpu.memref_squeeze %dma_start3A_139 : memref<1x1x100xi32, #tpu.memory_space<vmem>> -> memref<100xi32, #tpu.memory_space<vmem>>
          %dma_start3A_141 = arith.constant 0 : i32
          %dma_start3A_142 = arith.constant 0 : i32
          %dma_start3A_143 = tpu.memref_slice %arg3[%dma_start3A_141, %dma_start3A_142] : memref<10000x128xf32, #tpu.memory_space<hbm>> -> memref<10000x128xf32, #tpu.memory_space<hbm>>
          tpu.enqueue_indirect_dma source(%dma_start3A_143 : memref<10000x128xf32, #tpu.memory_space<hbm>>) target(%dma_start3A_137 : memref<100x128xf32, #tpu.memory_space<vmem>>) offsets(%dma_start3A_140 : memref<100xi32, #tpu.memory_space<vmem>>) semaphore(%arg9 : memref<!tpu.dma_semaphore, #tpu.memory_space<semaphore_mem>>)
        } else {
        }
        %dma_wait3A = arith.constant 1 : i32
        %dma_wait3A_90 = arith.constant 0 : i32
        %dma_wait3A_91 = arith.constant 1 : i32
        %dma_wait3A_92 = arith.constant 0 : i32
        %dma_wait3A_93 = arith.constant 0 : i32
        %dma_wait3A_94 = tpu.memref_slice %arg8[%dma_wait3A_91, %dma_wait3A_92, %dma_wait3A_93] : memref<2x100x128xf32, #tpu.memory_space<vmem>> -> memref<1x100x128xf32, #tpu.memory_space<vmem>>
        %dma_wait3A_95 = tpu.memref_squeeze %dma_wait3A_94 : memref<1x100x128xf32, #tpu.memory_space<vmem>> -> memref<100x128xf32, #tpu.memory_space<vmem>>
        %dma_wait3A_96 = arith.constant 0 : i32
        %dma_wait3A_97 = tpu.memref_slice %arg7[%dma_wait3A, %dma_wait3A_90, %dma_wait3A_96] : memref<2x2x100xi32, #tpu.memory_space<vmem>> -> memref<1x1x100xi32, #tpu.memory_space<vmem>>
        %dma_wait3A_98 = tpu.memref_squeeze %dma_wait3A_97 : memref<1x1x100xi32, #tpu.memory_space<vmem>> -> memref<100xi32, #tpu.memory_space<vmem>>
        %dma_wait3A_99 = arith.constant 0 : i32
        %dma_wait3A_100 = arith.constant 0 : i32
        %dma_wait3A_101 = tpu.memref_slice %arg3[%dma_wait3A_99, %dma_wait3A_100] : memref<10000x128xf32, #tpu.memory_space<hbm>> -> memref<10000x128xf32, #tpu.memory_space<hbm>>
        tpu.wait_indirect_dma semaphore(%arg10 : memref<!tpu.dma_semaphore, #tpu.memory_space<semaphore_mem>>) src(%dma_wait3A_101 : memref<10000x128xf32, #tpu.memory_space<hbm>>) dst(%dma_wait3A_95 : memref<100x128xf32, #tpu.memory_space<vmem>>)
        %run_scoped3A_102 = arith.constant 1 : i32
        %run_scoped3A_103 = arith.constant 1 : i32
        %run_scoped3A_104 = arith.constant 1 : i32
        "tpu.region"() ({
          %run_scoped3A_112 = tpu.sem_alloc : memref<!tpu.dma_semaphore, #tpu.memory_space<semaphore_mem>>
          %dma_start3A_113 = arith.constant 0 : i32
          %dma_start3A_114 = arith.constant 0 : i32
          %dma_start3A_115 = tpu.memref_slice %arg8[%run_scoped3A_102, %dma_start3A_113, %dma_start3A_114] : memref<2x100x128xf32, #tpu.memory_space<vmem>> -> memref<1x100x128xf32, #tpu.memory_space<vmem>>
          %dma_start3A_116 = tpu.memref_squeeze %dma_start3A_115 : memref<1x100x128xf32, #tpu.memory_space<vmem>> -> memref<100x128xf32, #tpu.memory_space<vmem>>
          %dma_start3A_117 = arith.constant 0 : i32
          %dma_start3A_118 = tpu.memref_slice %arg7[%run_scoped3A_103, %run_scoped3A_104, %dma_start3A_117] : memref<2x2x100xi32, #tpu.memory_space<vmem>> -> memref<1x1x100xi32, #tpu.memory_space<vmem>>
          %dma_start3A_119 = tpu.memref_squeeze %dma_start3A_118 : memref<1x1x100xi32, #tpu.memory_space<vmem>> -> memref<100xi32, #tpu.memory_space<vmem>>
          %dma_start3A_120 = arith.constant 0 : i32
          %dma_start3A_121 = arith.constant 0 : i32
          %dma_start3A_122 = tpu.memref_slice %arg6[%dma_start3A_120, %dma_start3A_121] : memref<10240x128xf32, #tpu.memory_space<vmem_shared>> -> memref<10240x128xf32, #tpu.memory_space<vmem_shared>>
          tpu.enqueue_indirect_dma source(%dma_start3A_116 : memref<100x128xf32, #tpu.memory_space<vmem>>) target(%dma_start3A_122 : memref<10240x128xf32, #tpu.memory_space<vmem_shared>>) offsets(%dma_start3A_119 : memref<100xi32, #tpu.memory_space<vmem>>) semaphore(%run_scoped3A_112 : memref<!tpu.dma_semaphore, #tpu.memory_space<semaphore_mem>>) {add = true}
          %dma_wait3A_123 = arith.constant 0 : i32
          %dma_wait3A_124 = arith.constant 0 : i32
          %dma_wait3A_125 = tpu.memref_slice %arg8[%run_scoped3A_102, %dma_wait3A_123, %dma_wait3A_124] : memref<2x100x128xf32, #tpu.memory_space<vmem>> -> memref<1x100x128xf32, #tpu.memory_space<vmem>>
          %dma_wait3A_126 = tpu.memref_squeeze %dma_wait3A_125 : memref<1x100x128xf32, #tpu.memory_space<vmem>> -> memref<100x128xf32, #tpu.memory_space<vmem>>
          %dma_wait3A_127 = arith.constant 0 : i32
          %dma_wait3A_128 = tpu.memref_slice %arg7[%run_scoped3A_103, %run_scoped3A_104, %dma_wait3A_127] : memref<2x2x100xi32, #tpu.memory_space<vmem>> -> memref<1x1x100xi32, #tpu.memory_space<vmem>>
          %dma_wait3A_129 = tpu.memref_squeeze %dma_wait3A_128 : memref<1x1x100xi32, #tpu.memory_space<vmem>> -> memref<100xi32, #tpu.memory_space<vmem>>
          %dma_wait3A_130 = arith.constant 0 : i32
          %dma_wait3A_131 = arith.constant 0 : i32
          %dma_wait3A_132 = tpu.memref_slice %arg6[%dma_wait3A_130, %dma_wait3A_131] : memref<10240x128xf32, #tpu.memory_space<vmem_shared>> -> memref<10240x128xf32, #tpu.memory_space<vmem_shared>>
          tpu.wait_indirect_dma semaphore(%run_scoped3A_112 : memref<!tpu.dma_semaphore, #tpu.memory_space<semaphore_mem>>) src(%dma_wait3A_126 : memref<100x128xf32, #tpu.memory_space<vmem>>) dst(%dma_wait3A_132 : memref<10240x128xf32, #tpu.memory_space<vmem_shared>>)
          tpu.yield
        }) : () -> ()
        %add3A_105 = arith.constant 2 : i32
        %add3A_106 = arith.addi %scan3A_47, %add3A_105 : i32
        %lt3A_107 = arith.constant 100 : i32
        %lt3A_108 = arith.cmpi slt, %add3A_106, %lt3A_107 : i32
        %convert_element_type3A_109 = arith.extui %lt3A_108 : i1 to i32
        %cond3A_110 = arith.constant 0 : i32
        %cond3A_111 = arith.cmpi ne, %convert_element_type3A_109, %cond3A_110 : i32
        scf.if %cond3A_111 {
          %add3A_112 = arith.constant 2 : i32
          %add3A_113 = arith.addi %scan3A_47, %add3A_112 : i32
          %dma_start3A_114 = arith.constant 1 : i32
          %dma_start3A_115 = arith.constant 0 : i32
          %dma_start3A_116 = arith.constant 0 : i32
          %dma_start3A_117 = tpu.memref_slice %arg7[%dma_start3A_114, %dma_start3A_115, %dma_start3A_116] : memref<2x2x100xi32, #tpu.memory_space<vmem>> -> memref<1x2x100xi32, #tpu.memory_space<vmem>>
          %dma_start3A_118 = tpu.memref_squeeze %dma_start3A_117 : memref<1x2x100xi32, #tpu.memory_space<vmem>> -> memref<2x100xi32, #tpu.memory_space<vmem>>
          %dma_start3A_119 = arith.constant 0 : i32
          %dma_start3A_120 = arith.constant 0 : i32
          %dma_start3A_121 = tpu.memref_slice %arg2[%add3A, %add3A_113, %dma_start3A_119, %dma_start3A_120] : memref<32x100x2x100xi32, #tpu.memory_space<hbm>> -> memref<1x1x2x100xi32, #tpu.memory_space<hbm>>
          %dma_start3A_122 = tpu.memref_squeeze %dma_start3A_121 : memref<1x1x2x100xi32, #tpu.memory_space<hbm>> -> memref<2x100xi32, #tpu.memory_space<hbm>>
          %dma_start3A_123 = arith.constant 0 : i32
          %dma_start3A_124 = arith.constant 0 : i32
          %dma_start3A_125 = tpu.memref_slice %arg7[%dma_start3A_114, %dma_start3A_123, %dma_start3A_124] : memref<2x2x100xi32, #tpu.memory_space<vmem>> -> memref<1x2x100xi32, #tpu.memory_space<vmem>>
          %dma_start3A_126 = tpu.memref_squeeze %dma_start3A_125 : memref<1x2x100xi32, #tpu.memory_space<vmem>> -> memref<2x100xi32, #tpu.memory_space<vmem>>
          %dma_start3A_127 = arith.constant 0 : i32
          %dma_start3A_128 = arith.constant 0 : i32
          %dma_start3A_129 = tpu.memref_slice %arg2[%add3A, %add3A_113, %dma_start3A_127, %dma_start3A_128] : memref<32x100x2x100xi32, #tpu.memory_space<hbm>> -> memref<1x1x2x100xi32, #tpu.memory_space<hbm>>
          %dma_start3A_130 = tpu.memref_squeeze %dma_start3A_129 : memref<1x1x2x100xi32, #tpu.memory_space<hbm>> -> memref<2x100xi32, #tpu.memory_space<hbm>>
          tpu.enqueue_dma source(%dma_start3A_130 : memref<2x100xi32, #tpu.memory_space<hbm>>) target(%dma_start3A_126 : memref<2x100xi32, #tpu.memory_space<vmem>>) target_semaphore(%arg12 : memref<!tpu.dma_semaphore, #tpu.memory_space<semaphore_mem>>)
        } else {
        }
      } else {
      }
      %scan3A_82 = arith.constant 0 : i32
      scf.yield %scan3A_82 : i32
    }
    %scan3A_41 = arith.constant 100 : i32
    %barrier3A_42 = arith.constant 0 : index
    tpu.barrier barrier_id(%barrier3A_42)
    %mul3A_43 = arith.constant 640 : i32
    %mul3A_44 = arith.muli %arg1, %mul3A_43 : i32
    %mul3A_45 = arith.constant 640 : i32
    %mul3A_46 = arith.muli %arg1, %mul3A_45 : i32
    "tpu.region"() ({
      %run_scoped3A_47 = tpu.sem_alloc : memref<!tpu.dma_semaphore, #tpu.memory_space<semaphore_mem>>
      %dma_start3A_48 = arith.constant 0 : i32
      %dma_start3A_49 = tpu.memref_slice %arg5[%arg0, %mul3A_46, %dma_start3A_48] : memref<2x10240x128xf32, #tpu.memory_space<hbm>> -> memref<1x640x128xf32, #tpu.memory_space<hbm>>
      %dma_start3A_50 = tpu.memref_squeeze %dma_start3A_49 : memref<1x640x128xf32, #tpu.memory_space<hbm>> -> memref<640x128xf32, #tpu.memory_space<hbm>>
      %dma_start3A_51 = arith.constant 0 : i32
      %dma_start3A_52 = tpu.memref_slice %arg6[%mul3A_44, %dma_start3A_51] : memref<10240x128xf32, #tpu.memory_space<vmem_shared>> -> memref<640x128xf32, #tpu.memory_space<vmem_shared>>
      tpu.enqueue_dma source(%dma_start3A_52 : memref<640x128xf32, #tpu.memory_space<vmem_shared>>) target(%dma_start3A_50 : memref<640x128xf32, #tpu.memory_space<hbm>>) target_semaphore(%run_scoped3A_47 : memref<!tpu.dma_semaphore, #tpu.memory_space<semaphore_mem>>)
      %dma_wait3A = arith.constant 0 : i32
      %dma_wait3A_53 = tpu.memref_slice %arg5[%arg0, %mul3A_46, %dma_wait3A] : memref<2x10240x128xf32, #tpu.memory_space<hbm>> -> memref<1x640x128xf32, #tpu.memory_space<hbm>>
      %dma_wait3A_54 = tpu.memref_squeeze %dma_wait3A_53 : memref<1x640x128xf32, #tpu.memory_space<hbm>> -> memref<640x128xf32, #tpu.memory_space<hbm>>
      %dma_wait3A_55 = arith.constant 0 : i32
      %dma_wait3A_56 = tpu.memref_slice %arg6[%mul3A_44, %dma_wait3A_55] : memref<10240x128xf32, #tpu.memory_space<vmem_shared>> -> memref<640x128xf32, #tpu.memory_space<vmem_shared>>
      tpu.wait_dma2 semaphore(%run_scoped3A_47 : memref<!tpu.dma_semaphore, #tpu.memory_space<semaphore_mem>>) src(%dma_wait3A_56 : memref<640x128xf32, #tpu.memory_space<vmem_shared>>) dst(%dma_wait3A_54 : memref<640x128xf32, #tpu.memory_space<hbm>>)
      tpu.yield
    }) : () -> ()
    return
  }
}

#map = affine_map<(d0, d1) -> (0, 0, 0, 0)>
#map1 = affine_map<(d0, d1) -> (0, 0)>
#map2 = affine_map<(d0, d1) -> (0, 0, 0)>
module attributes {stable_mosaic.version = 14 : i64} {
  func.func @_sc_agg_body(%arg0: i32, %arg1: i32, %arg2: memref<32x100x2x100xi32, #tpu.memory_space<hbm>>, %arg3: memref<10000x128xf32, #tpu.memory_space<hbm>>, %arg4: memref<10240x128xf32, #tpu.memory_space<hbm>>, %arg5: memref<2x10240x128xf32, #tpu.memory_space<hbm>>, %arg6: memref<10240x128xf32, #tpu.memory_space<vmem_shared>>, %arg7: memref<2x2x100xi32, #tpu.memory_space<vmem>>, %arg8: memref<2x100x128xf32, #tpu.memory_space<vmem>>, %arg9: memref<!tpu.dma_semaphore, #tpu.memory_space<semaphore_mem>>, %arg10: memref<!tpu.dma_semaphore, #tpu.memory_space<semaphore_mem>>, %arg11: memref<!tpu.dma_semaphore, #tpu.memory_space<semaphore_mem>>, %arg12: memref<!tpu.dma_semaphore, #tpu.memory_space<semaphore_mem>>) attributes {dimension_semantics = [#tpu.dimension_semantics<core_parallel>, #tpu.dimension_semantics<subcore_parallel>], iteration_bounds = array<i64: 2, 16>, scalar_prefetch = 0 : i64, scratch_operands = 7 : i64, tpu.core_type = #tpu.core_type<sc_vector_subcore>, window_params = [{transform_indices = #map}, {transform_indices = #map1}, {transform_indices = #map1}, {transform_indices = #map2}]} {
    %mul3A = arith.constant 16 : i32
    %mul3A_0 = arith.muli %arg0, %mul3A : i32
    %add3A = arith.addi %mul3A_0, %arg1 : i32
    %mul3A_1 = arith.constant 640 : i32
    %mul3A_2 = arith.muli %arg1, %mul3A_1 : i32
    %mul3A_3 = arith.constant 640 : i32
    %mul3A_4 = arith.muli %arg1, %mul3A_3 : i32
    "tpu.region"() ({
      %run_scoped3A_47 = tpu.sem_alloc : memref<!tpu.dma_semaphore, #tpu.memory_space<semaphore_mem>>
      %dma_start3A_48 = arith.constant 0 : i32
      %dma_start3A_49 = tpu.memref_slice %arg6[%mul3A_4, %dma_start3A_48] : memref<10240x128xf32, #tpu.memory_space<vmem_shared>> -> memref<640x128xf32, #tpu.memory_space<vmem_shared>>
      %dma_start3A_50 = arith.constant 0 : i32
      %dma_start3A_51 = tpu.memref_slice %arg4[%mul3A_2, %dma_start3A_50] : memref<10240x128xf32, #tpu.memory_space<hbm>> -> memref<640x128xf32, #tpu.memory_space<hbm>>
      tpu.enqueue_dma source(%dma_start3A_51 : memref<640x128xf32, #tpu.memory_space<hbm>>) target(%dma_start3A_49 : memref<640x128xf32, #tpu.memory_space<vmem_shared>>) target_semaphore(%run_scoped3A_47 : memref<!tpu.dma_semaphore, #tpu.memory_space<semaphore_mem>>)
      %dma_wait3A = arith.constant 0 : i32
      %dma_wait3A_52 = tpu.memref_slice %arg6[%mul3A_4, %dma_wait3A] : memref<10240x128xf32, #tpu.memory_space<vmem_shared>> -> memref<640x128xf32, #tpu.memory_space<vmem_shared>>
      %dma_wait3A_53 = arith.constant 0 : i32
      %dma_wait3A_54 = tpu.memref_slice %arg4[%mul3A_2, %dma_wait3A_53] : memref<10240x128xf32, #tpu.memory_space<hbm>> -> memref<640x128xf32, #tpu.memory_space<hbm>>
      tpu.wait_dma2 semaphore(%run_scoped3A_47 : memref<!tpu.dma_semaphore, #tpu.memory_space<semaphore_mem>>) src(%dma_wait3A_54 : memref<640x128xf32, #tpu.memory_space<hbm>>) dst(%dma_wait3A_52 : memref<640x128xf32, #tpu.memory_space<vmem_shared>>)
      tpu.yield
    }) : () -> ()
    %barrier3A = arith.constant 0 : index
    tpu.barrier barrier_id(%barrier3A)
    %run_scoped3A = arith.constant 0 : i32
    %run_scoped3A_5 = arith.constant 0 : i32
    "tpu.region"() ({
      %run_scoped3A_47 = tpu.sem_alloc : memref<!tpu.dma_semaphore, #tpu.memory_space<semaphore_mem>>
      %dma_start3A_48 = arith.constant 0 : i32
      %dma_start3A_49 = arith.constant 0 : i32
      %dma_start3A_50 = tpu.memref_slice %arg7[%run_scoped3A_5, %dma_start3A_48, %dma_start3A_49] : memref<2x2x100xi32, #tpu.memory_space<vmem>> -> memref<1x2x100xi32, #tpu.memory_space<vmem>>
      %dma_start3A_51 = tpu.memref_squeeze %dma_start3A_50 : memref<1x2x100xi32, #tpu.memory_space<vmem>> -> memref<2x100xi32, #tpu.memory_space<vmem>>
      %dma_start3A_52 = arith.constant 0 : i32
      %dma_start3A_53 = arith.constant 0 : i32
      %dma_start3A_54 = tpu.memref_slice %arg2[%add3A, %run_scoped3A, %dma_start3A_52, %dma_start3A_53] : memref<32x100x2x100xi32, #tpu.memory_space<hbm>> -> memref<1x1x2x100xi32, #tpu.memory_space<hbm>>
      %dma_start3A_55 = tpu.memref_squeeze %dma_start3A_54 : memref<1x1x2x100xi32, #tpu.memory_space<hbm>> -> memref<2x100xi32, #tpu.memory_space<hbm>>
      %dma_start3A_56 = arith.constant 0 : i32
      %dma_start3A_57 = arith.constant 0 : i32
      %dma_start3A_58 = tpu.memref_slice %arg7[%run_scoped3A_5, %dma_start3A_56, %dma_start3A_57] : memref<2x2x100xi32, #tpu.memory_space<vmem>> -> memref<1x2x100xi32, #tpu.memory_space<vmem>>
      %dma_start3A_59 = tpu.memref_squeeze %dma_start3A_58 : memref<1x2x100xi32, #tpu.memory_space<vmem>> -> memref<2x100xi32, #tpu.memory_space<vmem>>
      %dma_start3A_60 = arith.constant 0 : i32
      %dma_start3A_61 = arith.constant 0 : i32
      %dma_start3A_62 = tpu.memref_slice %arg2[%add3A, %run_scoped3A, %dma_start3A_60, %dma_start3A_61] : memref<32x100x2x100xi32, #tpu.memory_space<hbm>> -> memref<1x1x2x100xi32, #tpu.memory_space<hbm>>
      %dma_start3A_63 = tpu.memref_squeeze %dma_start3A_62 : memref<1x1x2x100xi32, #tpu.memory_space<hbm>> -> memref<2x100xi32, #tpu.memory_space<hbm>>
      tpu.enqueue_dma source(%dma_start3A_63 : memref<2x100xi32, #tpu.memory_space<hbm>>) target(%dma_start3A_59 : memref<2x100xi32, #tpu.memory_space<vmem>>) target_semaphore(%run_scoped3A_47 : memref<!tpu.dma_semaphore, #tpu.memory_space<semaphore_mem>>)
      %dma_wait3A = arith.constant 0 : i32
      %dma_wait3A_64 = arith.constant 0 : i32
      %dma_wait3A_65 = tpu.memref_slice %arg7[%run_scoped3A_5, %dma_wait3A, %dma_wait3A_64] : memref<2x2x100xi32, #tpu.memory_space<vmem>> -> memref<1x2x100xi32, #tpu.memory_space<vmem>>
      %dma_wait3A_66 = tpu.memref_squeeze %dma_wait3A_65 : memref<1x2x100xi32, #tpu.memory_space<vmem>> -> memref<2x100xi32, #tpu.memory_space<vmem>>
      %dma_wait3A_67 = arith.constant 0 : i32
      %dma_wait3A_68 = arith.constant 0 : i32
      %dma_wait3A_69 = tpu.memref_slice %arg2[%add3A, %run_scoped3A, %dma_wait3A_67, %dma_wait3A_68] : memref<32x100x2x100xi32, #tpu.memory_space<hbm>> -> memref<1x1x2x100xi32, #tpu.memory_space<hbm>>
      %dma_wait3A_70 = tpu.memref_squeeze %dma_wait3A_69 : memref<1x1x2x100xi32, #tpu.memory_space<hbm>> -> memref<2x100xi32, #tpu.memory_space<hbm>>
      %dma_wait3A_71 = arith.constant 0 : i32
      %dma_wait3A_72 = arith.constant 0 : i32
      %dma_wait3A_73 = tpu.memref_slice %arg7[%run_scoped3A_5, %dma_wait3A_71, %dma_wait3A_72] : memref<2x2x100xi32, #tpu.memory_space<vmem>> -> memref<1x2x100xi32, #tpu.memory_space<vmem>>
      %dma_wait3A_74 = tpu.memref_squeeze %dma_wait3A_73 : memref<1x2x100xi32, #tpu.memory_space<vmem>> -> memref<2x100xi32, #tpu.memory_space<vmem>>
      %dma_wait3A_75 = arith.constant 0 : i32
      %dma_wait3A_76 = arith.constant 0 : i32
      %dma_wait3A_77 = tpu.memref_slice %arg2[%add3A, %run_scoped3A, %dma_wait3A_75, %dma_wait3A_76] : memref<32x100x2x100xi32, #tpu.memory_space<hbm>> -> memref<1x1x2x100xi32, #tpu.memory_space<hbm>>
      %dma_wait3A_78 = tpu.memref_squeeze %dma_wait3A_77 : memref<1x1x2x100xi32, #tpu.memory_space<hbm>> -> memref<2x100xi32, #tpu.memory_space<hbm>>
      tpu.wait_dma2 semaphore(%run_scoped3A_47 : memref<!tpu.dma_semaphore, #tpu.memory_space<semaphore_mem>>) src(%dma_wait3A_78 : memref<2x100xi32, #tpu.memory_space<hbm>>) dst(%dma_wait3A_74 : memref<2x100xi32, #tpu.memory_space<vmem>>)
      tpu.yield
    }) : () -> ()
    %dma_start3A = arith.constant 0 : i32
    %dma_start3A_6 = arith.constant 0 : i32
    %dma_start3A_7 = arith.constant 0 : i32
    %dma_start3A_8 = arith.constant 0 : i32
    %dma_start3A_9 = arith.constant 0 : i32
    %dma_start3A_10 = tpu.memref_slice %arg8[%dma_start3A_7, %dma_start3A_8, %dma_start3A_9] : memref<2x100x128xf32, #tpu.memory_space<vmem>> -> memref<1x100x128xf32, #tpu.memory_space<vmem>>
    %dma_start3A_11 = tpu.memref_squeeze %dma_start3A_10 : memref<1x100x128xf32, #tpu.memory_space<vmem>> -> memref<100x128xf32, #tpu.memory_space<vmem>>
    %dma_start3A_12 = arith.constant 0 : i32
    %dma_start3A_13 = tpu.memref_slice %arg7[%dma_start3A, %dma_start3A_6, %dma_start3A_12] : memref<2x2x100xi32, #tpu.memory_space<vmem>> -> memref<1x1x100xi32, #tpu.memory_space<vmem>>
    %dma_start3A_14 = tpu.memref_squeeze %dma_start3A_13 : memref<1x1x100xi32, #tpu.memory_space<vmem>> -> memref<100xi32, #tpu.memory_space<vmem>>
    %dma_start3A_15 = arith.constant 0 : i32
    %dma_start3A_16 = arith.constant 0 : i32
    %dma_start3A_17 = tpu.memref_slice %arg3[%dma_start3A_15, %dma_start3A_16] : memref<10000x128xf32, #tpu.memory_space<hbm>> -> memref<10000x128xf32, #tpu.memory_space<hbm>>
    tpu.enqueue_indirect_dma source(%dma_start3A_17 : memref<10000x128xf32, #tpu.memory_space<hbm>>) target(%dma_start3A_11 : memref<100x128xf32, #tpu.memory_space<vmem>>) offsets(%dma_start3A_14 : memref<100xi32, #tpu.memory_space<vmem>>) semaphore(%arg9 : memref<!tpu.dma_semaphore, #tpu.memory_space<semaphore_mem>>)
    %dma_start3A_18 = arith.constant 1 : i32
    %dma_start3A_19 = arith.constant 1 : i32
    %dma_start3A_20 = arith.constant 0 : i32
    %dma_start3A_21 = arith.constant 0 : i32
    %dma_start3A_22 = tpu.memref_slice %arg7[%dma_start3A_19, %dma_start3A_20, %dma_start3A_21] : memref<2x2x100xi32, #tpu.memory_space<vmem>> -> memref<1x2x100xi32, #tpu.memory_space<vmem>>
    %dma_start3A_23 = tpu.memref_squeeze %dma_start3A_22 : memref<1x2x100xi32, #tpu.memory_space<vmem>> -> memref<2x100xi32, #tpu.memory_space<vmem>>
    %dma_start3A_24 = arith.constant 0 : i32
    %dma_start3A_25 = arith.constant 0 : i32
    %dma_start3A_26 = tpu.memref_slice %arg2[%add3A, %dma_start3A_18, %dma_start3A_24, %dma_start3A_25] : memref<32x100x2x100xi32, #tpu.memory_space<hbm>> -> memref<1x1x2x100xi32, #tpu.memory_space<hbm>>
    %dma_start3A_27 = tpu.memref_squeeze %dma_start3A_26 : memref<1x1x2x100xi32, #tpu.memory_space<hbm>> -> memref<2x100xi32, #tpu.memory_space<hbm>>
    %dma_start3A_28 = arith.constant 0 : i32
    %dma_start3A_29 = arith.constant 0 : i32
    %dma_start3A_30 = tpu.memref_slice %arg7[%dma_start3A_19, %dma_start3A_28, %dma_start3A_29] : memref<2x2x100xi32, #tpu.memory_space<vmem>> -> memref<1x2x100xi32, #tpu.memory_space<vmem>>
    %dma_start3A_31 = tpu.memref_squeeze %dma_start3A_30 : memref<1x2x100xi32, #tpu.memory_space<vmem>> -> memref<2x100xi32, #tpu.memory_space<vmem>>
    %dma_start3A_32 = arith.constant 0 : i32
    %dma_start3A_33 = arith.constant 0 : i32
    %dma_start3A_34 = tpu.memref_slice %arg2[%add3A, %dma_start3A_18, %dma_start3A_32, %dma_start3A_33] : memref<32x100x2x100xi32, #tpu.memory_space<hbm>> -> memref<1x1x2x100xi32, #tpu.memory_space<hbm>>
    %dma_start3A_35 = tpu.memref_squeeze %dma_start3A_34 : memref<1x1x2x100xi32, #tpu.memory_space<hbm>> -> memref<2x100xi32, #tpu.memory_space<hbm>>
    tpu.enqueue_dma source(%dma_start3A_35 : memref<2x100xi32, #tpu.memory_space<hbm>>) target(%dma_start3A_31 : memref<2x100xi32, #tpu.memory_space<vmem>>) target_semaphore(%arg12 : memref<!tpu.dma_semaphore, #tpu.memory_space<semaphore_mem>>)
    %scan3A = arith.constant 0 : i32
    %scan3A_36 = arith.constant 0 : i32
    %scan3A_37 = arith.constant 100 : i32
    %scan3A_38 = arith.addi %scan3A_36, %scan3A_37 : i32
    %scan3A_39 = arith.constant 1 : i32
    %scan3A_40 = scf.for %scan3A_47 = %scan3A_36 to %scan3A_38 step %scan3A_39 iter_args(%scan3A_48 = %scan3A) -> (i32)  : i32 {
      %jit3A = arith.constant 2 : i32
      %eq3A = arith.constant 0 : i32
      %eq3A_49 = arith.cmpi eq, %jit3A, %eq3A : i32
      %jit3A_50 = arith.constant 1 : i32
      %select_n3A = arith.select %eq3A_49, %jit3A_50, %jit3A : i32
      %rem3A = arith.remsi %scan3A_47, %select_n3A : i32
      %ne3A = arith.constant 0 : i32
      %ne3A_51 = arith.cmpi ne, %rem3A, %ne3A : i32
      %lt3A = arith.constant 0 : i32
      %lt3A_52 = arith.cmpi slt, %rem3A, %lt3A : i32
      %lt3A_53 = arith.constant 0 : i32
      %lt3A_54 = arith.cmpi slt, %select_n3A, %lt3A_53 : i32
      %ne3A_55 = arith.xori %lt3A_52, %lt3A_54 : i1
      %and3A = arith.andi %ne3A_55, %ne3A_51 : i1
      %add3A_56 = arith.addi %rem3A, %select_n3A : i32
      %select_n3A_57 = arith.select %and3A, %add3A_56, %rem3A : i32
      %eq3A_58 = arith.constant 0 : i32
      %eq3A_59 = arith.cmpi eq, %select_n3A_57, %eq3A_58 : i32
      %convert_element_type3A = arith.extui %eq3A_59 : i1 to i32
      %cond3A = arith.constant 0 : i32
      %cond3A_60 = arith.cmpi ne, %convert_element_type3A, %cond3A : i32
      scf.if %cond3A_60 {
        %add3A_83 = arith.constant 1 : i32
        %add3A_84 = arith.addi %scan3A_47, %add3A_83 : i32
        %lt3A_85 = arith.constant 100 : i32
        %lt3A_86 = arith.cmpi slt, %add3A_84, %lt3A_85 : i32
        %convert_element_type3A_87 = arith.extui %lt3A_86 : i1 to i32
        %cond3A_88 = arith.constant 0 : i32
        %cond3A_89 = arith.cmpi ne, %convert_element_type3A_87, %cond3A_88 : i32
        scf.if %cond3A_89 {
          %add3A_112 = arith.constant 1 : i32
          %add3A_113 = arith.addi %scan3A_47, %add3A_112 : i32
          %dma_wait3A_114 = arith.constant 1 : i32
          %dma_wait3A_115 = arith.constant 0 : i32
          %dma_wait3A_116 = arith.constant 0 : i32
          %dma_wait3A_117 = tpu.memref_slice %arg7[%dma_wait3A_114, %dma_wait3A_115, %dma_wait3A_116] : memref<2x2x100xi32, #tpu.memory_space<vmem>> -> memref<1x2x100xi32, #tpu.memory_space<vmem>>
          %dma_wait3A_118 = tpu.memref_squeeze %dma_wait3A_117 : memref<1x2x100xi32, #tpu.memory_space<vmem>> -> memref<2x100xi32, #tpu.memory_space<vmem>>
          %dma_wait3A_119 = arith.constant 0 : i32
          %dma_wait3A_120 = arith.constant 0 : i32
          %dma_wait3A_121 = tpu.memref_slice %arg2[%add3A, %add3A_113, %dma_wait3A_119, %dma_wait3A_120] : memref<32x100x2x100xi32, #tpu.memory_space<hbm>> -> memref<1x1x2x100xi32, #tpu.memory_space<hbm>>
          %dma_wait3A_122 = tpu.memref_squeeze %dma_wait3A_121 : memref<1x1x2x100xi32, #tpu.memory_space<hbm>> -> memref<2x100xi32, #tpu.memory_space<hbm>>
          %dma_wait3A_123 = arith.constant 0 : i32
          %dma_wait3A_124 = arith.constant 0 : i32
          %dma_wait3A_125 = tpu.memref_slice %arg7[%dma_wait3A_114, %dma_wait3A_123, %dma_wait3A_124] : memref<2x2x100xi32, #tpu.memory_space<vmem>> -> memref<1x2x100xi32, #tpu.memory_space<vmem>>
          %dma_wait3A_126 = tpu.memref_squeeze %dma_wait3A_125 : memref<1x2x100xi32, #tpu.memory_space<vmem>> -> memref<2x100xi32, #tpu.memory_space<vmem>>
          %dma_wait3A_127 = arith.constant 0 : i32
          %dma_wait3A_128 = arith.constant 0 : i32
          %dma_wait3A_129 = tpu.memref_slice %arg2[%add3A, %add3A_113, %dma_wait3A_127, %dma_wait3A_128] : memref<32x100x2x100xi32, #tpu.memory_space<hbm>> -> memref<1x1x2x100xi32, #tpu.memory_space<hbm>>
          %dma_wait3A_130 = tpu.memref_squeeze %dma_wait3A_129 : memref<1x1x2x100xi32, #tpu.memory_space<hbm>> -> memref<2x100xi32, #tpu.memory_space<hbm>>
          tpu.wait_dma2 semaphore(%arg12 : memref<!tpu.dma_semaphore, #tpu.memory_space<semaphore_mem>>) src(%dma_wait3A_130 : memref<2x100xi32, #tpu.memory_space<hbm>>) dst(%dma_wait3A_126 : memref<2x100xi32, #tpu.memory_space<vmem>>)
          %dma_start3A_131 = arith.constant 1 : i32
          %dma_start3A_132 = arith.constant 0 : i32
          %dma_start3A_133 = arith.constant 1 : i32
          %dma_start3A_134 = arith.constant 0 : i32
          %dma_start3A_135 = arith.constant 0 : i32
          %dma_start3A_136 = tpu.memref_slice %arg8[%dma_start3A_133, %dma_start3A_134, %dma_start3A_135] : memref<2x100x128xf32, #tpu.memory_space<vmem>> -> memref<1x100x128xf32, #tpu.memory_space<vmem>>
          %dma_start3A_137 = tpu.memref_squeeze %dma_start3A_136 : memref<1x100x128xf32, #tpu.memory_space<vmem>> -> memref<100x128xf32, #tpu.memory_space<vmem>>
          %dma_start3A_138 = arith.constant 0 : i32
          %dma_start3A_139 = tpu.memref_slice %arg7[%dma_start3A_131, %dma_start3A_132, %dma_start3A_138] : memref<2x2x100xi32, #tpu.memory_space<vmem>> -> memref<1x1x100xi32, #tpu.memory_space<vmem>>
          %dma_start3A_140 = tpu.memref_squeeze %dma_start3A_139 : memref<1x1x100xi32, #tpu.memory_space<vmem>> -> memref<100xi32, #tpu.memory_space<vmem>>
          %dma_start3A_141 = arith.constant 0 : i32
          %dma_start3A_142 = arith.constant 0 : i32
          %dma_start3A_143 = tpu.memref_slice %arg3[%dma_start3A_141, %dma_start3A_142] : memref<10000x128xf32, #tpu.memory_space<hbm>> -> memref<10000x128xf32, #tpu.memory_space<hbm>>
          tpu.enqueue_indirect_dma source(%dma_start3A_143 : memref<10000x128xf32, #tpu.memory_space<hbm>>) target(%dma_start3A_137 : memref<100x128xf32, #tpu.memory_space<vmem>>) offsets(%dma_start3A_140 : memref<100xi32, #tpu.memory_space<vmem>>) semaphore(%arg10 : memref<!tpu.dma_semaphore, #tpu.memory_space<semaphore_mem>>)
        } else {
        }
        %dma_wait3A = arith.constant 0 : i32
        %dma_wait3A_90 = arith.constant 0 : i32
        %dma_wait3A_91 = arith.constant 0 : i32
        %dma_wait3A_92 = arith.constant 0 : i32
        %dma_wait3A_93 = arith.constant 0 : i32
        %dma_wait3A_94 = tpu.memref_slice %arg8[%dma_wait3A_91, %dma_wait3A_92, %dma_wait3A_93] : memref<2x100x128xf32, #tpu.memory_space<vmem>> -> memref<1x100x128xf32, #tpu.memory_space<vmem>>
        %dma_wait3A_95 = tpu.memref_squeeze %dma_wait3A_94 : memref<1x100x128xf32, #tpu.memory_space<vmem>> -> memref<100x128xf32, #tpu.memory_space<vmem>>
        %dma_wait3A_96 = arith.constant 0 : i32
        %dma_wait3A_97 = tpu.memref_slice %arg7[%dma_wait3A, %dma_wait3A_90, %dma_wait3A_96] : memref<2x2x100xi32, #tpu.memory_space<vmem>> -> memref<1x1x100xi32, #tpu.memory_space<vmem>>
        %dma_wait3A_98 = tpu.memref_squeeze %dma_wait3A_97 : memref<1x1x100xi32, #tpu.memory_space<vmem>> -> memref<100xi32, #tpu.memory_space<vmem>>
        %dma_wait3A_99 = arith.constant 0 : i32
        %dma_wait3A_100 = arith.constant 0 : i32
        %dma_wait3A_101 = tpu.memref_slice %arg3[%dma_wait3A_99, %dma_wait3A_100] : memref<10000x128xf32, #tpu.memory_space<hbm>> -> memref<10000x128xf32, #tpu.memory_space<hbm>>
        tpu.wait_indirect_dma semaphore(%arg9 : memref<!tpu.dma_semaphore, #tpu.memory_space<semaphore_mem>>) src(%dma_wait3A_101 : memref<10000x128xf32, #tpu.memory_space<hbm>>) dst(%dma_wait3A_95 : memref<100x128xf32, #tpu.memory_space<vmem>>)
        %run_scoped3A_102 = arith.constant 0 : i32
        %run_scoped3A_103 = arith.constant 0 : i32
        %run_scoped3A_104 = arith.constant 1 : i32
        "tpu.region"() ({
          %run_scoped3A_112 = tpu.sem_alloc : memref<!tpu.dma_semaphore, #tpu.memory_space<semaphore_mem>>
          %dma_start3A_113 = arith.constant 0 : i32
          %dma_start3A_114 = arith.constant 0 : i32
          %dma_start3A_115 = tpu.memref_slice %arg8[%run_scoped3A_102, %dma_start3A_113, %dma_start3A_114] : memref<2x100x128xf32, #tpu.memory_space<vmem>> -> memref<1x100x128xf32, #tpu.memory_space<vmem>>
          %dma_start3A_116 = tpu.memref_squeeze %dma_start3A_115 : memref<1x100x128xf32, #tpu.memory_space<vmem>> -> memref<100x128xf32, #tpu.memory_space<vmem>>
          %dma_start3A_117 = arith.constant 0 : i32
          %dma_start3A_118 = tpu.memref_slice %arg7[%run_scoped3A_103, %run_scoped3A_104, %dma_start3A_117] : memref<2x2x100xi32, #tpu.memory_space<vmem>> -> memref<1x1x100xi32, #tpu.memory_space<vmem>>
          %dma_start3A_119 = tpu.memref_squeeze %dma_start3A_118 : memref<1x1x100xi32, #tpu.memory_space<vmem>> -> memref<100xi32, #tpu.memory_space<vmem>>
          %dma_start3A_120 = arith.constant 0 : i32
          %dma_start3A_121 = arith.constant 0 : i32
          %dma_start3A_122 = tpu.memref_slice %arg6[%dma_start3A_120, %dma_start3A_121] : memref<10240x128xf32, #tpu.memory_space<vmem_shared>> -> memref<10240x128xf32, #tpu.memory_space<vmem_shared>>
          tpu.enqueue_indirect_dma source(%dma_start3A_116 : memref<100x128xf32, #tpu.memory_space<vmem>>) target(%dma_start3A_122 : memref<10240x128xf32, #tpu.memory_space<vmem_shared>>) offsets(%dma_start3A_119 : memref<100xi32, #tpu.memory_space<vmem>>) semaphore(%run_scoped3A_112 : memref<!tpu.dma_semaphore, #tpu.memory_space<semaphore_mem>>) {add = true}
          %dma_wait3A_123 = arith.constant 0 : i32
          %dma_wait3A_124 = arith.constant 0 : i32
          %dma_wait3A_125 = tpu.memref_slice %arg8[%run_scoped3A_102, %dma_wait3A_123, %dma_wait3A_124] : memref<2x100x128xf32, #tpu.memory_space<vmem>> -> memref<1x100x128xf32, #tpu.memory_space<vmem>>
          %dma_wait3A_126 = tpu.memref_squeeze %dma_wait3A_125 : memref<1x100x128xf32, #tpu.memory_space<vmem>> -> memref<100x128xf32, #tpu.memory_space<vmem>>
          %dma_wait3A_127 = arith.constant 0 : i32
          %dma_wait3A_128 = tpu.memref_slice %arg7[%run_scoped3A_103, %run_scoped3A_104, %dma_wait3A_127] : memref<2x2x100xi32, #tpu.memory_space<vmem>> -> memref<1x1x100xi32, #tpu.memory_space<vmem>>
          %dma_wait3A_129 = tpu.memref_squeeze %dma_wait3A_128 : memref<1x1x100xi32, #tpu.memory_space<vmem>> -> memref<100xi32, #tpu.memory_space<vmem>>
          %dma_wait3A_130 = arith.constant 0 : i32
          %dma_wait3A_131 = arith.constant 0 : i32
          %dma_wait3A_132 = tpu.memref_slice %arg6[%dma_wait3A_130, %dma_wait3A_131] : memref<10240x128xf32, #tpu.memory_space<vmem_shared>> -> memref<10240x128xf32, #tpu.memory_space<vmem_shared>>
          tpu.wait_indirect_dma semaphore(%run_scoped3A_112 : memref<!tpu.dma_semaphore, #tpu.memory_space<semaphore_mem>>) src(%dma_wait3A_126 : memref<100x128xf32, #tpu.memory_space<vmem>>) dst(%dma_wait3A_132 : memref<10240x128xf32, #tpu.memory_space<vmem_shared>>)
          tpu.yield
        }) : () -> ()
        %add3A_105 = arith.constant 2 : i32
        %add3A_106 = arith.addi %scan3A_47, %add3A_105 : i32
        %lt3A_107 = arith.constant 100 : i32
        %lt3A_108 = arith.cmpi slt, %add3A_106, %lt3A_107 : i32
        %convert_element_type3A_109 = arith.extui %lt3A_108 : i1 to i32
        %cond3A_110 = arith.constant 0 : i32
        %cond3A_111 = arith.cmpi ne, %convert_element_type3A_109, %cond3A_110 : i32
        scf.if %cond3A_111 {
          %add3A_112 = arith.constant 2 : i32
          %add3A_113 = arith.addi %scan3A_47, %add3A_112 : i32
          %dma_start3A_114 = arith.constant 0 : i32
          %dma_start3A_115 = arith.constant 0 : i32
          %dma_start3A_116 = arith.constant 0 : i32
          %dma_start3A_117 = tpu.memref_slice %arg7[%dma_start3A_114, %dma_start3A_115, %dma_start3A_116] : memref<2x2x100xi32, #tpu.memory_space<vmem>> -> memref<1x2x100xi32, #tpu.memory_space<vmem>>
          %dma_start3A_118 = tpu.memref_squeeze %dma_start3A_117 : memref<1x2x100xi32, #tpu.memory_space<vmem>> -> memref<2x100xi32, #tpu.memory_space<vmem>>
          %dma_start3A_119 = arith.constant 0 : i32
          %dma_start3A_120 = arith.constant 0 : i32
          %dma_start3A_121 = tpu.memref_slice %arg2[%add3A, %add3A_113, %dma_start3A_119, %dma_start3A_120] : memref<32x100x2x100xi32, #tpu.memory_space<hbm>> -> memref<1x1x2x100xi32, #tpu.memory_space<hbm>>
          %dma_start3A_122 = tpu.memref_squeeze %dma_start3A_121 : memref<1x1x2x100xi32, #tpu.memory_space<hbm>> -> memref<2x100xi32, #tpu.memory_space<hbm>>
          %dma_start3A_123 = arith.constant 0 : i32
          %dma_start3A_124 = arith.constant 0 : i32
          %dma_start3A_125 = tpu.memref_slice %arg7[%dma_start3A_114, %dma_start3A_123, %dma_start3A_124] : memref<2x2x100xi32, #tpu.memory_space<vmem>> -> memref<1x2x100xi32, #tpu.memory_space<vmem>>
          %dma_start3A_126 = tpu.memref_squeeze %dma_start3A_125 : memref<1x2x100xi32, #tpu.memory_space<vmem>> -> memref<2x100xi32, #tpu.memory_space<vmem>>
          %dma_start3A_127 = arith.constant 0 : i32
          %dma_start3A_128 = arith.constant 0 : i32
          %dma_start3A_129 = tpu.memref_slice %arg2[%add3A, %add3A_113, %dma_start3A_127, %dma_start3A_128] : memref<32x100x2x100xi32, #tpu.memory_space<hbm>> -> memref<1x1x2x100xi32, #tpu.memory_space<hbm>>
          %dma_start3A_130 = tpu.memref_squeeze %dma_start3A_129 : memref<1x1x2x100xi32, #tpu.memory_space<hbm>> -> memref<2x100xi32, #tpu.memory_space<hbm>>
          tpu.enqueue_dma source(%dma_start3A_130 : memref<2x100xi32, #tpu.memory_space<hbm>>) target(%dma_start3A_126 : memref<2x100xi32, #tpu.memory_space<vmem>>) target_semaphore(%arg11 : memref<!tpu.dma_semaphore, #tpu.memory_space<semaphore_mem>>)
        } else {
        }
      } else {
      }
      %jit3A_61 = arith.constant 2 : i32
      %eq3A_62 = arith.constant 0 : i32
      %eq3A_63 = arith.cmpi eq, %jit3A_61, %eq3A_62 : i32
      %jit3A_64 = arith.constant 1 : i32
      %select_n3A_65 = arith.select %eq3A_63, %jit3A_64, %jit3A_61 : i32
      %rem3A_66 = arith.remsi %scan3A_47, %select_n3A_65 : i32
      %ne3A_67 = arith.constant 0 : i32
      %ne3A_68 = arith.cmpi ne, %rem3A_66, %ne3A_67 : i32
      %lt3A_69 = arith.constant 0 : i32
      %lt3A_70 = arith.cmpi slt, %rem3A_66, %lt3A_69 : i32
      %lt3A_71 = arith.constant 0 : i32
      %lt3A_72 = arith.cmpi slt, %select_n3A_65, %lt3A_71 : i32
      %ne3A_73 = arith.xori %lt3A_70, %lt3A_72 : i1
      %and3A_74 = arith.andi %ne3A_73, %ne3A_68 : i1
      %add3A_75 = arith.addi %rem3A_66, %select_n3A_65 : i32
      %select_n3A_76 = arith.select %and3A_74, %add3A_75, %rem3A_66 : i32
      %eq3A_77 = arith.constant 1 : i32
      %eq3A_78 = arith.cmpi eq, %select_n3A_76, %eq3A_77 : i32
      %convert_element_type3A_79 = arith.extui %eq3A_78 : i1 to i32
      %cond3A_80 = arith.constant 0 : i32
      %cond3A_81 = arith.cmpi ne, %convert_element_type3A_79, %cond3A_80 : i32
      scf.if %cond3A_81 {
        %add3A_83 = arith.constant 1 : i32
        %add3A_84 = arith.addi %scan3A_47, %add3A_83 : i32
        %lt3A_85 = arith.constant 100 : i32
        %lt3A_86 = arith.cmpi slt, %add3A_84, %lt3A_85 : i32
        %convert_element_type3A_87 = arith.extui %lt3A_86 : i1 to i32
        %cond3A_88 = arith.constant 0 : i32
        %cond3A_89 = arith.cmpi ne, %convert_element_type3A_87, %cond3A_88 : i32
        scf.if %cond3A_89 {
          %add3A_112 = arith.constant 1 : i32
          %add3A_113 = arith.addi %scan3A_47, %add3A_112 : i32
          %dma_wait3A_114 = arith.constant 0 : i32
          %dma_wait3A_115 = arith.constant 0 : i32
          %dma_wait3A_116 = arith.constant 0 : i32
          %dma_wait3A_117 = tpu.memref_slice %arg7[%dma_wait3A_114, %dma_wait3A_115, %dma_wait3A_116] : memref<2x2x100xi32, #tpu.memory_space<vmem>> -> memref<1x2x100xi32, #tpu.memory_space<vmem>>
          %dma_wait3A_118 = tpu.memref_squeeze %dma_wait3A_117 : memref<1x2x100xi32, #tpu.memory_space<vmem>> -> memref<2x100xi32, #tpu.memory_space<vmem>>
          %dma_wait3A_119 = arith.constant 0 : i32
          %dma_wait3A_120 = arith.constant 0 : i32
          %dma_wait3A_121 = tpu.memref_slice %arg2[%add3A, %add3A_113, %dma_wait3A_119, %dma_wait3A_120] : memref<32x100x2x100xi32, #tpu.memory_space<hbm>> -> memref<1x1x2x100xi32, #tpu.memory_space<hbm>>
          %dma_wait3A_122 = tpu.memref_squeeze %dma_wait3A_121 : memref<1x1x2x100xi32, #tpu.memory_space<hbm>> -> memref<2x100xi32, #tpu.memory_space<hbm>>
          %dma_wait3A_123 = arith.constant 0 : i32
          %dma_wait3A_124 = arith.constant 0 : i32
          %dma_wait3A_125 = tpu.memref_slice %arg7[%dma_wait3A_114, %dma_wait3A_123, %dma_wait3A_124] : memref<2x2x100xi32, #tpu.memory_space<vmem>> -> memref<1x2x100xi32, #tpu.memory_space<vmem>>
          %dma_wait3A_126 = tpu.memref_squeeze %dma_wait3A_125 : memref<1x2x100xi32, #tpu.memory_space<vmem>> -> memref<2x100xi32, #tpu.memory_space<vmem>>
          %dma_wait3A_127 = arith.constant 0 : i32
          %dma_wait3A_128 = arith.constant 0 : i32
          %dma_wait3A_129 = tpu.memref_slice %arg2[%add3A, %add3A_113, %dma_wait3A_127, %dma_wait3A_128] : memref<32x100x2x100xi32, #tpu.memory_space<hbm>> -> memref<1x1x2x100xi32, #tpu.memory_space<hbm>>
          %dma_wait3A_130 = tpu.memref_squeeze %dma_wait3A_129 : memref<1x1x2x100xi32, #tpu.memory_space<hbm>> -> memref<2x100xi32, #tpu.memory_space<hbm>>
          tpu.wait_dma2 semaphore(%arg11 : memref<!tpu.dma_semaphore, #tpu.memory_space<semaphore_mem>>) src(%dma_wait3A_130 : memref<2x100xi32, #tpu.memory_space<hbm>>) dst(%dma_wait3A_126 : memref<2x100xi32, #tpu.memory_space<vmem>>)
          %dma_start3A_131 = arith.constant 0 : i32
          %dma_start3A_132 = arith.constant 0 : i32
          %dma_start3A_133 = arith.constant 0 : i32
          %dma_start3A_134 = arith.constant 0 : i32
          %dma_start3A_135 = arith.constant 0 : i32
          %dma_start3A_136 = tpu.memref_slice %arg8[%dma_start3A_133, %dma_start3A_134, %dma_start3A_135] : memref<2x100x128xf32, #tpu.memory_space<vmem>> -> memref<1x100x128xf32, #tpu.memory_space<vmem>>
          %dma_start3A_137 = tpu.memref_squeeze %dma_start3A_136 : memref<1x100x128xf32, #tpu.memory_space<vmem>> -> memref<100x128xf32, #tpu.memory_space<vmem>>
          %dma_start3A_138 = arith.constant 0 : i32
          %dma_start3A_139 = tpu.memref_slice %arg7[%dma_start3A_131, %dma_start3A_132, %dma_start3A_138] : memref<2x2x100xi32, #tpu.memory_space<vmem>> -> memref<1x1x100xi32, #tpu.memory_space<vmem>>
          %dma_start3A_140 = tpu.memref_squeeze %dma_start3A_139 : memref<1x1x100xi32, #tpu.memory_space<vmem>> -> memref<100xi32, #tpu.memory_space<vmem>>
          %dma_start3A_141 = arith.constant 0 : i32
          %dma_start3A_142 = arith.constant 0 : i32
          %dma_start3A_143 = tpu.memref_slice %arg3[%dma_start3A_141, %dma_start3A_142] : memref<10000x128xf32, #tpu.memory_space<hbm>> -> memref<10000x128xf32, #tpu.memory_space<hbm>>
          tpu.enqueue_indirect_dma source(%dma_start3A_143 : memref<10000x128xf32, #tpu.memory_space<hbm>>) target(%dma_start3A_137 : memref<100x128xf32, #tpu.memory_space<vmem>>) offsets(%dma_start3A_140 : memref<100xi32, #tpu.memory_space<vmem>>) semaphore(%arg9 : memref<!tpu.dma_semaphore, #tpu.memory_space<semaphore_mem>>)
        } else {
        }
        %dma_wait3A = arith.constant 1 : i32
        %dma_wait3A_90 = arith.constant 0 : i32
        %dma_wait3A_91 = arith.constant 1 : i32
        %dma_wait3A_92 = arith.constant 0 : i32
        %dma_wait3A_93 = arith.constant 0 : i32
        %dma_wait3A_94 = tpu.memref_slice %arg8[%dma_wait3A_91, %dma_wait3A_92, %dma_wait3A_93] : memref<2x100x128xf32, #tpu.memory_space<vmem>> -> memref<1x100x128xf32, #tpu.memory_space<vmem>>
        %dma_wait3A_95 = tpu.memref_squeeze %dma_wait3A_94 : memref<1x100x128xf32, #tpu.memory_space<vmem>> -> memref<100x128xf32, #tpu.memory_space<vmem>>
        %dma_wait3A_96 = arith.constant 0 : i32
        %dma_wait3A_97 = tpu.memref_slice %arg7[%dma_wait3A, %dma_wait3A_90, %dma_wait3A_96] : memref<2x2x100xi32, #tpu.memory_space<vmem>> -> memref<1x1x100xi32, #tpu.memory_space<vmem>>
        %dma_wait3A_98 = tpu.memref_squeeze %dma_wait3A_97 : memref<1x1x100xi32, #tpu.memory_space<vmem>> -> memref<100xi32, #tpu.memory_space<vmem>>
        %dma_wait3A_99 = arith.constant 0 : i32
        %dma_wait3A_100 = arith.constant 0 : i32
        %dma_wait3A_101 = tpu.memref_slice %arg3[%dma_wait3A_99, %dma_wait3A_100] : memref<10000x128xf32, #tpu.memory_space<hbm>> -> memref<10000x128xf32, #tpu.memory_space<hbm>>
        tpu.wait_indirect_dma semaphore(%arg10 : memref<!tpu.dma_semaphore, #tpu.memory_space<semaphore_mem>>) src(%dma_wait3A_101 : memref<10000x128xf32, #tpu.memory_space<hbm>>) dst(%dma_wait3A_95 : memref<100x128xf32, #tpu.memory_space<vmem>>)
        %run_scoped3A_102 = arith.constant 1 : i32
        %run_scoped3A_103 = arith.constant 1 : i32
        %run_scoped3A_104 = arith.constant 1 : i32
        "tpu.region"() ({
          %run_scoped3A_112 = tpu.sem_alloc : memref<!tpu.dma_semaphore, #tpu.memory_space<semaphore_mem>>
          %dma_start3A_113 = arith.constant 0 : i32
          %dma_start3A_114 = arith.constant 0 : i32
          %dma_start3A_115 = tpu.memref_slice %arg8[%run_scoped3A_102, %dma_start3A_113, %dma_start3A_114] : memref<2x100x128xf32, #tpu.memory_space<vmem>> -> memref<1x100x128xf32, #tpu.memory_space<vmem>>
          %dma_start3A_116 = tpu.memref_squeeze %dma_start3A_115 : memref<1x100x128xf32, #tpu.memory_space<vmem>> -> memref<100x128xf32, #tpu.memory_space<vmem>>
          %dma_start3A_117 = arith.constant 0 : i32
          %dma_start3A_118 = tpu.memref_slice %arg7[%run_scoped3A_103, %run_scoped3A_104, %dma_start3A_117] : memref<2x2x100xi32, #tpu.memory_space<vmem>> -> memref<1x1x100xi32, #tpu.memory_space<vmem>>
          %dma_start3A_119 = tpu.memref_squeeze %dma_start3A_118 : memref<1x1x100xi32, #tpu.memory_space<vmem>> -> memref<100xi32, #tpu.memory_space<vmem>>
          %dma_start3A_120 = arith.constant 0 : i32
          %dma_start3A_121 = arith.constant 0 : i32
          %dma_start3A_122 = tpu.memref_slice %arg6[%dma_start3A_120, %dma_start3A_121] : memref<10240x128xf32, #tpu.memory_space<vmem_shared>> -> memref<10240x128xf32, #tpu.memory_space<vmem_shared>>
          tpu.enqueue_indirect_dma source(%dma_start3A_116 : memref<100x128xf32, #tpu.memory_space<vmem>>) target(%dma_start3A_122 : memref<10240x128xf32, #tpu.memory_space<vmem_shared>>) offsets(%dma_start3A_119 : memref<100xi32, #tpu.memory_space<vmem>>) semaphore(%run_scoped3A_112 : memref<!tpu.dma_semaphore, #tpu.memory_space<semaphore_mem>>) {add = true}
          %dma_wait3A_123 = arith.constant 0 : i32
          %dma_wait3A_124 = arith.constant 0 : i32
          %dma_wait3A_125 = tpu.memref_slice %arg8[%run_scoped3A_102, %dma_wait3A_123, %dma_wait3A_124] : memref<2x100x128xf32, #tpu.memory_space<vmem>> -> memref<1x100x128xf32, #tpu.memory_space<vmem>>
          %dma_wait3A_126 = tpu.memref_squeeze %dma_wait3A_125 : memref<1x100x128xf32, #tpu.memory_space<vmem>> -> memref<100x128xf32, #tpu.memory_space<vmem>>
          %dma_wait3A_127 = arith.constant 0 : i32
          %dma_wait3A_128 = tpu.memref_slice %arg7[%run_scoped3A_103, %run_scoped3A_104, %dma_wait3A_127] : memref<2x2x100xi32, #tpu.memory_space<vmem>> -> memref<1x1x100xi32, #tpu.memory_space<vmem>>
          %dma_wait3A_129 = tpu.memref_squeeze %dma_wait3A_128 : memref<1x1x100xi32, #tpu.memory_space<vmem>> -> memref<100xi32, #tpu.memory_space<vmem>>
          %dma_wait3A_130 = arith.constant 0 : i32
          %dma_wait3A_131 = arith.constant 0 : i32
          %dma_wait3A_132 = tpu.memref_slice %arg6[%dma_wait3A_130, %dma_wait3A_131] : memref<10240x128xf32, #tpu.memory_space<vmem_shared>> -> memref<10240x128xf32, #tpu.memory_space<vmem_shared>>
          tpu.wait_indirect_dma semaphore(%run_scoped3A_112 : memref<!tpu.dma_semaphore, #tpu.memory_space<semaphore_mem>>) src(%dma_wait3A_126 : memref<100x128xf32, #tpu.memory_space<vmem>>) dst(%dma_wait3A_132 : memref<10240x128xf32, #tpu.memory_space<vmem_shared>>)
          tpu.yield
        }) : () -> ()
        %add3A_105 = arith.constant 2 : i32
        %add3A_106 = arith.addi %scan3A_47, %add3A_105 : i32
        %lt3A_107 = arith.constant 100 : i32
        %lt3A_108 = arith.cmpi slt, %add3A_106, %lt3A_107 : i32
        %convert_element_type3A_109 = arith.extui %lt3A_108 : i1 to i32
        %cond3A_110 = arith.constant 0 : i32
        %cond3A_111 = arith.cmpi ne, %convert_element_type3A_109, %cond3A_110 : i32
        scf.if %cond3A_111 {
          %add3A_112 = arith.constant 2 : i32
          %add3A_113 = arith.addi %scan3A_47, %add3A_112 : i32
          %dma_start3A_114 = arith.constant 1 : i32
          %dma_start3A_115 = arith.constant 0 : i32
          %dma_start3A_116 = arith.constant 0 : i32
          %dma_start3A_117 = tpu.memref_slice %arg7[%dma_start3A_114, %dma_start3A_115, %dma_start3A_116] : memref<2x2x100xi32, #tpu.memory_space<vmem>> -> memref<1x2x100xi32, #tpu.memory_space<vmem>>
          %dma_start3A_118 = tpu.memref_squeeze %dma_start3A_117 : memref<1x2x100xi32, #tpu.memory_space<vmem>> -> memref<2x100xi32, #tpu.memory_space<vmem>>
          %dma_start3A_119 = arith.constant 0 : i32
          %dma_start3A_120 = arith.constant 0 : i32
          %dma_start3A_121 = tpu.memref_slice %arg2[%add3A, %add3A_113, %dma_start3A_119, %dma_start3A_120] : memref<32x100x2x100xi32, #tpu.memory_space<hbm>> -> memref<1x1x2x100xi32, #tpu.memory_space<hbm>>
          %dma_start3A_122 = tpu.memref_squeeze %dma_start3A_121 : memref<1x1x2x100xi32, #tpu.memory_space<hbm>> -> memref<2x100xi32, #tpu.memory_space<hbm>>
          %dma_start3A_123 = arith.constant 0 : i32
          %dma_start3A_124 = arith.constant 0 : i32
          %dma_start3A_125 = tpu.memref_slice %arg7[%dma_start3A_114, %dma_start3A_123, %dma_start3A_124] : memref<2x2x100xi32, #tpu.memory_space<vmem>> -> memref<1x2x100xi32, #tpu.memory_space<vmem>>
          %dma_start3A_126 = tpu.memref_squeeze %dma_start3A_125 : memref<1x2x100xi32, #tpu.memory_space<vmem>> -> memref<2x100xi32, #tpu.memory_space<vmem>>
          %dma_start3A_127 = arith.constant 0 : i32
          %dma_start3A_128 = arith.constant 0 : i32
          %dma_start3A_129 = tpu.memref_slice %arg2[%add3A, %add3A_113, %dma_start3A_127, %dma_start3A_128] : memref<32x100x2x100xi32, #tpu.memory_space<hbm>> -> memref<1x1x2x100xi32, #tpu.memory_space<hbm>>
          %dma_start3A_130 = tpu.memref_squeeze %dma_start3A_129 : memref<1x1x2x100xi32, #tpu.memory_space<hbm>> -> memref<2x100xi32, #tpu.memory_space<hbm>>
          tpu.enqueue_dma source(%dma_start3A_130 : memref<2x100xi32, #tpu.memory_space<hbm>>) target(%dma_start3A_126 : memref<2x100xi32, #tpu.memory_space<vmem>>) target_semaphore(%arg12 : memref<!tpu.dma_semaphore, #tpu.memory_space<semaphore_mem>>)
        } else {
        }
      } else {
      }
      %scan3A_82 = arith.constant 0 : i32
      scf.yield %scan3A_82 : i32
    }
    %scan3A_41 = arith.constant 100 : i32
    %barrier3A_42 = arith.constant 0 : index
    tpu.barrier barrier_id(%barrier3A_42)
    %mul3A_43 = arith.constant 640 : i32
    %mul3A_44 = arith.muli %arg1, %mul3A_43 : i32
    %mul3A_45 = arith.constant 640 : i32
    %mul3A_46 = arith.muli %arg1, %mul3A_45 : i32
    "tpu.region"() ({
      %run_scoped3A_47 = tpu.sem_alloc : memref<!tpu.dma_semaphore, #tpu.memory_space<semaphore_mem>>
      %dma_start3A_48 = arith.constant 0 : i32
      %dma_start3A_49 = tpu.memref_slice %arg5[%arg0, %mul3A_46, %dma_start3A_48] : memref<2x10240x128xf32, #tpu.memory_space<hbm>> -> memref<1x640x128xf32, #tpu.memory_space<hbm>>
      %dma_start3A_50 = tpu.memref_squeeze %dma_start3A_49 : memref<1x640x128xf32, #tpu.memory_space<hbm>> -> memref<640x128xf32, #tpu.memory_space<hbm>>
      %dma_start3A_51 = arith.constant 0 : i32
      %dma_start3A_52 = tpu.memref_slice %arg6[%mul3A_44, %dma_start3A_51] : memref<10240x128xf32, #tpu.memory_space<vmem_shared>> -> memref<640x128xf32, #tpu.memory_space<vmem_shared>>
      tpu.enqueue_dma source(%dma_start3A_52 : memref<640x128xf32, #tpu.memory_space<vmem_shared>>) target(%dma_start3A_50 : memref<640x128xf32, #tpu.memory_space<hbm>>) target_semaphore(%run_scoped3A_47 : memref<!tpu.dma_semaphore, #tpu.memory_space<semaphore_mem>>)
      %dma_wait3A = arith.constant 0 : i32
      %dma_wait3A_53 = tpu.memref_slice %arg5[%arg0, %mul3A_46, %dma_wait3A] : memref<2x10240x128xf32, #tpu.memory_space<hbm>> -> memref<1x640x128xf32, #tpu.memory_space<hbm>>
      %dma_wait3A_54 = tpu.memref_squeeze %dma_wait3A_53 : memref<1x640x128xf32, #tpu.memory_space<hbm>> -> memref<640x128xf32, #tpu.memory_space<hbm>>
      %dma_wait3A_55 = arith.constant 0 : i32
      %dma_wait3A_56 = tpu.memref_slice %arg6[%mul3A_44, %dma_wait3A_55] : memref<10240x128xf32, #tpu.memory_space<vmem_shared>> -> memref<640x128xf32, #tpu.memory_space<vmem_shared>>
      tpu.wait_dma2 semaphore(%run_scoped3A_47 : memref<!tpu.dma_semaphore, #tpu.memory_space<semaphore_mem>>) src(%dma_wait3A_56 : memref<640x128xf32, #tpu.memory_space<vmem_shared>>) dst(%dma_wait3A_54 : memref<640x128xf32, #tpu.memory_space<hbm>>)
      tpu.yield
    }) : () -> ()
    return
  }
}

module attributes {stable_mosaic.version = 14 : i64} {
  func.func @_tc_pre_body(%arg0: i32, %arg1: memref<2000x128xf32, #tpu.memory_space<vmem>>, %arg2: memref<128x128xf32, #tpu.memory_space<vmem>>, %arg3: memref<1x128xf32, #tpu.memory_space<vmem>>, %arg4: memref<2000x128xf32, #tpu.memory_space<vmem>>) attributes {dimension_semantics = [#tpu.dimension_semantics<arbitrary>], iteration_bounds = array<i64: 5>, scalar_prefetch = 0 : i64, scratch_operands = 0 : i64, tpu.core_type = #tpu.core_type<tc>, window_params = [{transform_indices = @transform_0, window_bounds = array<i64: 2000, 128>}, {pipeline_mode = #tpu.pipeline_mode<synchronous>, transform_indices = @transform_1, window_bounds = array<i64: 128, 128>}, {pipeline_mode = #tpu.pipeline_mode<synchronous>, transform_indices = @transform_2, window_bounds = array<i64: 1, 128>}, {transform_indices = @transform_3, window_bounds = array<i64: 2000, 128>}]} {
    %get3A = arith.constant 0 : index
    %get3A_0 = arith.constant 0 : index
    %get3A_1 = vector.load %arg1[%get3A, %get3A_0] : memref<2000x128xf32, #tpu.memory_space<vmem>>, vector<2000x128xf32>
    %get3A_2 = arith.constant 0 : index
    %get3A_3 = arith.constant 0 : index
    %get3A_4 = vector.load %arg2[%get3A_2, %get3A_3] : memref<128x128xf32, #tpu.memory_space<vmem>>, vector<128x128xf32>
    %dot_general3A = arith.constant dense<0.000000e+00> : vector<2000x128xf32>
    %dot_general3A_5 = tpu.matmul %get3A_1, %get3A_4, %dot_general3A {dimension_numbers = #tpu.dot_dimension_numbers<[1], [0], [0], [1], [0, 0, 1, 1], [], []>, precision = #tpu.contract_precision<fp32>, transpose_lhs_hint = false} : vector<2000x128xf32>, vector<128x128xf32>, vector<2000x128xf32> -> vector<2000x128xf32>
    %get3A_6 = arith.constant 0 : index
    %get3A_7 = arith.constant 0 : index
    %get3A_8 = vector.load %arg3[%get3A_6, %get3A_7] : memref<1x128xf32, #tpu.memory_space<vmem>>, vector<1x128xf32>
    %add3A = vector.broadcast %get3A_8 : vector<1x128xf32> to vector<2000x128xf32>
    %add3A_9 = arith.addf %dot_general3A_5, %add3A : vector<2000x128xf32>
    %swap3A = arith.constant 0 : index
    %swap3A_10 = arith.constant 0 : index
    %swap3A_11 = vector.load %arg4[%swap3A, %swap3A_10] : memref<2000x128xf32, #tpu.memory_space<vmem>>, vector<2000x128xf32>
    tpu.vector_store %arg4[%swap3A, %swap3A_10], %add3A_9 {strides = array<i32>} : memref<2000x128xf32, #tpu.memory_space<vmem>>, vector<2000x128xf32>,
    return
  }
  func.func @transform_0(%arg0: i32) -> (i32, i32) {
    %c0_i32 = arith.constant 0 : i32
    %c0_i32_0 = arith.constant 0 : i32
    return %arg0, %c0_i32 : i32, i32
  }
  func.func @transform_1(%arg0: i32) -> (i32, i32) {
    %c0_i32 = arith.constant 0 : i32
    %c0_i32_0 = arith.constant 0 : i32
    %c0_i32_1 = arith.constant 0 : i32
    return %c0_i32, %c0_i32_0 : i32, i32
  }
  func.func @transform_2(%arg0: i32) -> (i32, i32) {
    %c0_i32 = arith.constant 0 : i32
    %c0_i32_0 = arith.constant 0 : i32
    %c0_i32_1 = arith.constant 0 : i32
    return %c0_i32, %c0_i32_0 : i32, i32
  }
  func.func @transform_3(%arg0: i32) -> (i32, i32) {
    %c0_i32 = arith.constant 0 : i32
    %c0_i32_0 = arith.constant 0 : i32
    return %arg0, %c0_i32 : i32, i32
  }
}

module attributes {stable_mosaic.version = 14 : i64} {
  func.func @_tc_post_body(%arg0: i32, %arg1: memref<2x2000x128xf32, #tpu.memory_space<vmem>>, %arg2: memref<2x2000x8xf32, #tpu.memory_space<vmem>>, %arg3: memref<2000x128xf32, #tpu.memory_space<vmem>>, %arg4: memref<128x128xf32, #tpu.memory_space<vmem>>, %arg5: memref<2000x128xf32, #tpu.memory_space<vmem>>) attributes {dimension_semantics = [#tpu.dimension_semantics<arbitrary>], iteration_bounds = array<i64: 5>, scalar_prefetch = 0 : i64, scratch_operands = 0 : i64, tpu.core_type = #tpu.core_type<tc>, window_params = [{transform_indices = @transform_0, window_bounds = array<i64: 2, 2000, 128>}, {transform_indices = @transform_1, window_bounds = array<i64: 2, 2000, 8>}, {transform_indices = @transform_2, window_bounds = array<i64: 2000, 128>}, {pipeline_mode = #tpu.pipeline_mode<synchronous>, transform_indices = @transform_3, window_bounds = array<i64: 128, 128>}, {transform_indices = @transform_4, window_bounds = array<i64: 2000, 128>}]} {
    %get3A = arith.constant 0 : index
    %get3A_0 = arith.constant 0 : index
    %get3A_1 = arith.constant 0 : index
    %get3A_2 = vector.load %arg2[%get3A, %get3A_0, %get3A_1] : memref<2x2000x8xf32, #tpu.memory_space<vmem>>, vector<1x2000x1xf32>
    %get3A_3 = vector.shape_cast %get3A_2 : vector<1x2000x1xf32> to vector<2000xf32>
    %get3A_4 = arith.constant 1 : index
    %get3A_5 = arith.constant 0 : index
    %get3A_6 = arith.constant 0 : index
    %get3A_7 = vector.load %arg2[%get3A_4, %get3A_5, %get3A_6] : memref<2x2000x8xf32, #tpu.memory_space<vmem>>, vector<1x2000x1xf32>
    %get3A_8 = vector.shape_cast %get3A_7 : vector<1x2000x1xf32> to vector<2000xf32>
    %add3A = arith.addf %get3A_3, %get3A_8 : vector<2000xf32>
    %max3A = arith.constant 1.000000e+00 : f32
    %max3A_9 = vector.broadcast %max3A : f32 to vector<2000xf32>
    %max3A_10 = arith.maximumf %add3A, %max3A_9 : vector<2000xf32>
    %div3A = arith.constant 1.000000e+00 : f32
    %div3A_11 = vector.broadcast %div3A : f32 to vector<2000xf32>
    %div3A_12 = arith.divf %div3A_11, %max3A_10 : vector<2000xf32>
    %get3A_13 = arith.constant 0 : index
    %get3A_14 = arith.constant 0 : index
    %get3A_15 = arith.constant 0 : index
    %get3A_16 = vector.load %arg1[%get3A_13, %get3A_14, %get3A_15] : memref<2x2000x128xf32, #tpu.memory_space<vmem>>, vector<1x2000x128xf32>
    %get3A_17 = vector.shape_cast %get3A_16 : vector<1x2000x128xf32> to vector<2000x128xf32>
    %get3A_18 = arith.constant 1 : index
    %get3A_19 = arith.constant 0 : index
    %get3A_20 = arith.constant 0 : index
    %get3A_21 = vector.load %arg1[%get3A_18, %get3A_19, %get3A_20] : memref<2x2000x128xf32, #tpu.memory_space<vmem>>, vector<1x2000x128xf32>
    %get3A_22 = vector.shape_cast %get3A_21 : vector<1x2000x128xf32> to vector<2000x128xf32>
    %add3A_23 = arith.addf %get3A_17, %get3A_22 : vector<2000x128xf32>
    %get3A_24 = arith.constant 0 : index
    %get3A_25 = arith.constant 0 : index
    %get3A_26 = vector.load %arg4[%get3A_24, %get3A_25] : memref<128x128xf32, #tpu.memory_space<vmem>>, vector<128x128xf32>
    %dot_general3A = arith.constant dense<0.000000e+00> : vector<2000x128xf32>
    %dot_general3A_27 = tpu.matmul %add3A_23, %get3A_26, %dot_general3A {dimension_numbers = #tpu.dot_dimension_numbers<[1], [0], [0], [1], [0, 0, 1, 1], [], []>, precision = #tpu.contract_precision<fp32>, transpose_lhs_hint = false} : vector<2000x128xf32>, vector<128x128xf32>, vector<2000x128xf32> -> vector<2000x128xf32>
    %broadcast_in_dim3A = vector.shape_cast %div3A_12 : vector<2000xf32> to vector<2000x1xf32>
    %mul3A = vector.broadcast %broadcast_in_dim3A : vector<2000x1xf32> to vector<2000x128xf32>
    %mul3A_28 = arith.mulf %dot_general3A_27, %mul3A : vector<2000x128xf32>
    %get3A_29 = arith.constant 0 : index
    %get3A_30 = arith.constant 0 : index
    %get3A_31 = vector.load %arg3[%get3A_29, %get3A_30] : memref<2000x128xf32, #tpu.memory_space<vmem>>, vector<2000x128xf32>
    %add3A_32 = arith.addf %mul3A_28, %get3A_31 : vector<2000x128xf32>
    %max3A_33 = arith.constant 0.000000e+00 : f32
    %max3A_34 = vector.broadcast %max3A_33 : f32 to vector<2000x128xf32>
    %max3A_35 = arith.maximumf %add3A_32, %max3A_34 : vector<2000x128xf32>
    %swap3A = arith.constant 0 : index
    %swap3A_36 = arith.constant 0 : index
    %swap3A_37 = vector.load %arg5[%swap3A, %swap3A_36] : memref<2000x128xf32, #tpu.memory_space<vmem>>, vector<2000x128xf32>
    tpu.vector_store %arg5[%swap3A, %swap3A_36], %max3A_35 {strides = array<i32>} : memref<2000x128xf32, #tpu.memory_space<vmem>>, vector<2000x128xf32>,
    return
  }
  func.func @transform_0(%arg0: i32) -> (i32, i32, i32) {
    %c0_i32 = arith.constant 0 : i32
    %c0_i32_0 = arith.constant 0 : i32
    %c0_i32_1 = arith.constant 0 : i32
    return %c0_i32, %arg0, %c0_i32_0 : i32, i32, i32
  }
  func.func @transform_1(%arg0: i32) -> (i32, i32, i32) {
    %c0_i32 = arith.constant 0 : i32
    %c0_i32_0 = arith.constant 0 : i32
    %c0_i32_1 = arith.constant 0 : i32
    return %c0_i32, %arg0, %c0_i32_0 : i32, i32, i32
  }
  func.func @transform_2(%arg0: i32) -> (i32, i32) {
    %c0_i32 = arith.constant 0 : i32
    %c0_i32_0 = arith.constant 0 : i32
    return %arg0, %c0_i32 : i32, i32
  }
  func.func @transform_3(%arg0: i32) -> (i32, i32) {
    %c0_i32 = arith.constant 0 : i32
    %c0_i32_0 = arith.constant 0 : i32
    %c0_i32_1 = arith.constant 0 : i32
    return %c0_i32, %c0_i32_0 : i32, i32
  }
  func.func @transform_4(%arg0: i32) -> (i32, i32) {
    %c0_i32 = arith.constant 0 : i32
    %c0_i32_0 = arith.constant 0 : i32
    return %arg0, %c0_i32 : i32, i32
  }
}

module attributes {stable_mosaic.version = 14 : i64} {
  func.func @_tc_pre_body(%arg0: i32, %arg1: memref<2000x128xf32, #tpu.memory_space<vmem>>, %arg2: memref<128x40xf32, #tpu.memory_space<vmem>>, %arg3: memref<1x40xf32, #tpu.memory_space<vmem>>, %arg4: memref<2000x40xf32, #tpu.memory_space<vmem>>) attributes {dimension_semantics = [#tpu.dimension_semantics<arbitrary>], iteration_bounds = array<i64: 5>, scalar_prefetch = 0 : i64, scratch_operands = 0 : i64, tpu.core_type = #tpu.core_type<tc>, window_params = [{transform_indices = @transform_0, window_bounds = array<i64: 2000, 128>}, {pipeline_mode = #tpu.pipeline_mode<synchronous>, transform_indices = @transform_1, window_bounds = array<i64: 128, 40>}, {pipeline_mode = #tpu.pipeline_mode<synchronous>, transform_indices = @transform_2, window_bounds = array<i64: 1, 40>}, {transform_indices = @transform_3, window_bounds = array<i64: 2000, 40>}]} {
    %get3A = arith.constant 0 : index
    %get3A_0 = arith.constant 0 : index
    %get3A_1 = vector.load %arg1[%get3A, %get3A_0] : memref<2000x128xf32, #tpu.memory_space<vmem>>, vector<2000x128xf32>
    %get3A_2 = arith.constant 0 : index
    %get3A_3 = arith.constant 0 : index
    %get3A_4 = vector.load %arg2[%get3A_2, %get3A_3] : memref<128x40xf32, #tpu.memory_space<vmem>>, vector<128x40xf32>
    %dot_general3A = arith.constant dense<0.000000e+00> : vector<2000x40xf32>
    %dot_general3A_5 = tpu.matmul %get3A_1, %get3A_4, %dot_general3A {dimension_numbers = #tpu.dot_dimension_numbers<[1], [0], [0], [1], [0, 0, 1, 1], [], []>, precision = #tpu.contract_precision<fp32>, transpose_lhs_hint = false} : vector<2000x128xf32>, vector<128x40xf32>, vector<2000x40xf32> -> vector<2000x40xf32>
    %get3A_6 = arith.constant 0 : index
    %get3A_7 = arith.constant 0 : index
    %get3A_8 = vector.load %arg3[%get3A_6, %get3A_7] : memref<1x40xf32, #tpu.memory_space<vmem>>, vector<1x40xf32>
    %add3A = vector.broadcast %get3A_8 : vector<1x40xf32> to vector<2000x40xf32>
    %add3A_9 = arith.addf %dot_general3A_5, %add3A : vector<2000x40xf32>
    %swap3A = arith.constant 0 : index
    %swap3A_10 = arith.constant 0 : index
    %swap3A_11 = vector.load %arg4[%swap3A, %swap3A_10] : memref<2000x40xf32, #tpu.memory_space<vmem>>, vector<2000x40xf32>
    tpu.vector_store %arg4[%swap3A, %swap3A_10], %add3A_9 {strides = array<i32>} : memref<2000x40xf32, #tpu.memory_space<vmem>>, vector<2000x40xf32>,
    return
  }
  func.func @transform_0(%arg0: i32) -> (i32, i32) {
    %c0_i32 = arith.constant 0 : i32
    %c0_i32_0 = arith.constant 0 : i32
    return %arg0, %c0_i32 : i32, i32
  }
  func.func @transform_1(%arg0: i32) -> (i32, i32) {
    %c0_i32 = arith.constant 0 : i32
    %c0_i32_0 = arith.constant 0 : i32
    %c0_i32_1 = arith.constant 0 : i32
    return %c0_i32, %c0_i32_0 : i32, i32
  }
  func.func @transform_2(%arg0: i32) -> (i32, i32) {
    %c0_i32 = arith.constant 0 : i32
    %c0_i32_0 = arith.constant 0 : i32
    %c0_i32_1 = arith.constant 0 : i32
    return %c0_i32, %c0_i32_0 : i32, i32
  }
  func.func @transform_3(%arg0: i32) -> (i32, i32) {
    %c0_i32 = arith.constant 0 : i32
    %c0_i32_0 = arith.constant 0 : i32
    return %arg0, %c0_i32 : i32, i32
  }
}

module attributes {stable_mosaic.version = 14 : i64} {
  func.func @_tc_post_body(%arg0: i32, %arg1: memref<2x2000x128xf32, #tpu.memory_space<vmem>>, %arg2: memref<2x2000x8xf32, #tpu.memory_space<vmem>>, %arg3: memref<2000x40xf32, #tpu.memory_space<vmem>>, %arg4: memref<128x40xf32, #tpu.memory_space<vmem>>, %arg5: memref<2000x40xf32, #tpu.memory_space<vmem>>) attributes {dimension_semantics = [#tpu.dimension_semantics<arbitrary>], iteration_bounds = array<i64: 5>, scalar_prefetch = 0 : i64, scratch_operands = 0 : i64, tpu.core_type = #tpu.core_type<tc>, window_params = [{transform_indices = @transform_0, window_bounds = array<i64: 2, 2000, 128>}, {transform_indices = @transform_1, window_bounds = array<i64: 2, 2000, 8>}, {transform_indices = @transform_2, window_bounds = array<i64: 2000, 40>}, {pipeline_mode = #tpu.pipeline_mode<synchronous>, transform_indices = @transform_3, window_bounds = array<i64: 128, 40>}, {transform_indices = @transform_4, window_bounds = array<i64: 2000, 40>}]} {
    %get3A = arith.constant 0 : index
    %get3A_0 = arith.constant 0 : index
    %get3A_1 = arith.constant 0 : index
    %get3A_2 = vector.load %arg2[%get3A, %get3A_0, %get3A_1] : memref<2x2000x8xf32, #tpu.memory_space<vmem>>, vector<1x2000x1xf32>
    %get3A_3 = vector.shape_cast %get3A_2 : vector<1x2000x1xf32> to vector<2000xf32>
    %get3A_4 = arith.constant 1 : index
    %get3A_5 = arith.constant 0 : index
    %get3A_6 = arith.constant 0 : index
    %get3A_7 = vector.load %arg2[%get3A_4, %get3A_5, %get3A_6] : memref<2x2000x8xf32, #tpu.memory_space<vmem>>, vector<1x2000x1xf32>
    %get3A_8 = vector.shape_cast %get3A_7 : vector<1x2000x1xf32> to vector<2000xf32>
    %add3A = arith.addf %get3A_3, %get3A_8 : vector<2000xf32>
    %max3A = arith.constant 1.000000e+00 : f32
    %max3A_9 = vector.broadcast %max3A : f32 to vector<2000xf32>
    %max3A_10 = arith.maximumf %add3A, %max3A_9 : vector<2000xf32>
    %div3A = arith.constant 1.000000e+00 : f32
    %div3A_11 = vector.broadcast %div3A : f32 to vector<2000xf32>
    %div3A_12 = arith.divf %div3A_11, %max3A_10 : vector<2000xf32>
    %get3A_13 = arith.constant 0 : index
    %get3A_14 = arith.constant 0 : index
    %get3A_15 = arith.constant 0 : index
    %get3A_16 = vector.load %arg1[%get3A_13, %get3A_14, %get3A_15] : memref<2x2000x128xf32, #tpu.memory_space<vmem>>, vector<1x2000x128xf32>
    %get3A_17 = vector.shape_cast %get3A_16 : vector<1x2000x128xf32> to vector<2000x128xf32>
    %get3A_18 = arith.constant 1 : index
    %get3A_19 = arith.constant 0 : index
    %get3A_20 = arith.constant 0 : index
    %get3A_21 = vector.load %arg1[%get3A_18, %get3A_19, %get3A_20] : memref<2x2000x128xf32, #tpu.memory_space<vmem>>, vector<1x2000x128xf32>
    %get3A_22 = vector.shape_cast %get3A_21 : vector<1x2000x128xf32> to vector<2000x128xf32>
    %add3A_23 = arith.addf %get3A_17, %get3A_22 : vector<2000x128xf32>
    %get3A_24 = arith.constant 0 : index
    %get3A_25 = arith.constant 0 : index
    %get3A_26 = vector.load %arg4[%get3A_24, %get3A_25] : memref<128x40xf32, #tpu.memory_space<vmem>>, vector<128x40xf32>
    %dot_general3A = arith.constant dense<0.000000e+00> : vector<2000x40xf32>
    %dot_general3A_27 = tpu.matmul %add3A_23, %get3A_26, %dot_general3A {dimension_numbers = #tpu.dot_dimension_numbers<[1], [0], [0], [1], [0, 0, 1, 1], [], []>, precision = #tpu.contract_precision<fp32>, transpose_lhs_hint = false} : vector<2000x128xf32>, vector<128x40xf32>, vector<2000x40xf32> -> vector<2000x40xf32>
    %broadcast_in_dim3A = vector.shape_cast %div3A_12 : vector<2000xf32> to vector<2000x1xf32>
    %mul3A = vector.broadcast %broadcast_in_dim3A : vector<2000x1xf32> to vector<2000x40xf32>
    %mul3A_28 = arith.mulf %dot_general3A_27, %mul3A : vector<2000x40xf32>
    %get3A_29 = arith.constant 0 : index
    %get3A_30 = arith.constant 0 : index
    %get3A_31 = vector.load %arg3[%get3A_29, %get3A_30] : memref<2000x40xf32, #tpu.memory_space<vmem>>, vector<2000x40xf32>
    %add3A_32 = arith.addf %mul3A_28, %get3A_31 : vector<2000x40xf32>
    %swap3A = arith.constant 0 : index
    %swap3A_33 = arith.constant 0 : index
    %swap3A_34 = vector.load %arg5[%swap3A, %swap3A_33] : memref<2000x40xf32, #tpu.memory_space<vmem>>, vector<2000x40xf32>
    tpu.vector_store %arg5[%swap3A, %swap3A_33], %add3A_32 {strides = array<i32>} : memref<2000x40xf32, #tpu.memory_space<vmem>>, vector<2000x40xf32>,
    return
  }
  func.func @transform_0(%arg0: i32) -> (i32, i32, i32) {
    %c0_i32 = arith.constant 0 : i32
    %c0_i32_0 = arith.constant 0 : i32
    %c0_i32_1 = arith.constant 0 : i32
    return %c0_i32, %arg0, %c0_i32_0 : i32, i32, i32
  }
  func.func @transform_1(%arg0: i32) -> (i32, i32, i32) {
    %c0_i32 = arith.constant 0 : i32
    %c0_i32_0 = arith.constant 0 : i32
    %c0_i32_1 = arith.constant 0 : i32
    return %c0_i32, %arg0, %c0_i32_0 : i32, i32, i32
  }
  func.func @transform_2(%arg0: i32) -> (i32, i32) {
    %c0_i32 = arith.constant 0 : i32
    %c0_i32_0 = arith.constant 0 : i32
    return %arg0, %c0_i32 : i32, i32
  }
  func.func @transform_3(%arg0: i32) -> (i32, i32) {
    %c0_i32 = arith.constant 0 : i32
    %c0_i32_0 = arith.constant 0 : i32
    %c0_i32_1 = arith.constant 0 : i32
    return %c0_i32, %c0_i32_0 : i32, i32
  }
  func.func @transform_4(%arg0: i32) -> (i32, i32) {
    %c0_i32 = arith.constant 0 : i32
    %c0_i32_0 = arith.constant 0 : i32
    return %arg0, %c0_i32 : i32, i32
  }
}

</mosaic_0001>

<sc_bundles>
// kernel: kernel.12.cloned.1.call-start
scs
__scs_entry_jumppad:
0x0: {  	(pc) =	sbr.rel $0x88, $3  }
0x1: {  	(tag) =	ssettag $0x0;
	lr =	simm.s32 $0x1  }
0x2: {  	[smem:$0x3F96] =	sst lr;
	_ =	strace $0xD0000000  }
0x3: {  	_ = 	snop  }
0x4: {  	_ = 	snop  }
0x5: {  	_ = 	snop  }
0x6: {  	_ = 	snop  }
0x7: {  	_ = 	snop  }
__scs_overlays_trampoline_lowered:
0x8: {  	[smem:$0x3FA5] =	sst s0  }
0x9: {  	[smem:$0x3FA6] =	sst s1  }
0xa: {  	[smem:$0x3FA7] =	sst s2  }
0xb: {  	[smem:$0x3FA8] =	sst s3  }
0xc: {  	[smem:$0x3FA9] =	sst s4  }
0xd: {  	[smem:$0x3FAA] =	sst s5  }
0xe: {  	[smem:$0x3FAB] =	sst s6  }
0xf: {  	[smem:$0x3FAC] =	sst s7  }
0x10: {  	[smem:$0x3FAD] =	sst s8  }
0x11: {  	[smem:$0x3FAE] =	sst s9;
	s0 =	simm.s32 @!p0 $0x0  }
0x12: {  	s1 =	sld [smem:$0x3F94];
	s0 =	simm.s32 @p0 $0x1  }
0x13: {  	[smem:$0x3FAF] =	sst s0;
	s0 =	simm.s32 @!p1 $0x0  }
0x14: {  	s2 =	sld [smem:$0x3F93];
	s0 =	simm.s32 @p1 $0x1  }
0x15: {  	[smem:$0x3FB0] =	sst s0;
	s0 =	simm.s32 @!p2 $0x0  }
0x16: {  	s3 =	sld [smem:$0x3FDB];
	s0 =	simm.s32 @p2 $0x1  }
0x17: {  	s4 =	simm.s32 $0x1BF5;
	[smem:$0x3FB2] =	sst s0  }
0x18: {  	s0 =	sld [smem:$0x3F95];
	_ =	swait.ge [sflag:s4], $0x0  }
0x19: {  	s7 =	sld [smem:$0x3F96]  }
0x1a: {  	s8 =	sadd.s32 $0xFFFFE003, lr  }
0x1b: {  	s9 =	sadd.s32 $0xFFFFFEF7, lr;
	s5 =	simm.s32 $0xFFFFFFFF;
	p2 =	slt.u32 s8, $0xFFFFF086  }
0x1c: {  	p1 =	slt.u32 s9, $0xF7A;
	s5 =	simm.s32 @!p2 $0x0  }
0x1d: {  	s5 =	simm.s32 @p1 $0x1;
	p0 =	seq.s32 s7, s2  }
0x1e: {  	s7 =	smul.u32 @!p0 $0xF7A, s2;
	p2 =	seq.s32 @!p0 s5, $0x0  }
0x1f: {  	s9 =	smul.u32 $0xF7A, s1;
	s8 =	simm.s32 @!p0 $0x1BF5;
	p2 =	por !p2, p0  }
0x20: {  	[sflag:s8] =	ssyncset.s32 @!p0 $0xFFFFF086;
	s6 =	sadd.s32 @!p0 s3, s7;
	s7 =	simm.s32 @!p0 $0x108  }
0x21: {  	s3 =	sadd.s32 s3, s9;
	s6 =	sadd.s32 @!p0 $0x88, s6;
	s7 =	simm.s32 @p2 $0x1082  }
0x22: {  	[simem:s7], [sflag:s8] =	dma.local @!p0 [hbm:s6], $0xF7A  }
0x23: {  	s9 =	sor.u32 $0xD0000000, s2;
	s6 =	simm.s32 $0x108;
	_ =	swait.ge @!p0 [sflag:s8], $0x0  }
0x24: {  	s3 =	sadd.s32 $0x88, s3;
	s6 =	simm.s32 @!p1 $0x1082;
	[sflag:s4] =	ssyncset.s32 $0xFFFFF086  }
0x25: {  	[simem:s6], [sflag:s4] =	dma.local [hbm:s3], $0xF7A  }
0x26: {  	[smem:$0x3F96] =	sst s1;
	(tag) =	ssettag s2;
	_ =	strace s9  }
0x27: {  	s1 =	sld [smem:$0x3FA6]  }
0x28: {  	s2 =	sld [smem:$0x3FA7]  }
0x29: {  	s4 =	sld [smem:$0x3FA9]  }
0x2a: {  	p0 =	seq.s32 s5, $0x0;
	s5 =	sld [smem:$0x3FAA]  }
0x2b: {  	s6 =	sld [smem:$0x3FAB]  }
0x2c: {  	s7 =	sld [smem:$0x3FAC]  }
0x2d: {  	s3 =	simm.s32 $0x108;
	s8 =	sld [smem:$0x3FAD]  }
0x2e: {  	s3 =	simm.s32 @!p0 $0x1082;
	s9 =	sld [smem:$0x3FAE]  }
0x2f: {  	lr =	sadd.s32 s0, s3;
	s0 =	sld [smem:$0x3FA5]  }
0x30: {  	s3 =	sld [smem:$0x3FA8]  }
0x31: {  	[smem:$0x3FB1] =	sst s10  }
0x32: {  	s10 =	sld [smem:$0x3FAF];
	_ =	sdelay $0x3  }
0x33: {  	p0 =	seq.s32 s10, $0x1;
	s10 =	sld [smem:$0x3FB1];
	_ =	sdelay $0x3  }
0x34: {  	[smem:$0x3FB1] =	sst s10  }
0x35: {  	s10 =	sld [smem:$0x3FB0];
	_ =	sdelay $0x3  }
0x36: {  	p1 =	seq.s32 s10, $0x1;
	s10 =	sld [smem:$0x3FB1];
	_ =	sdelay $0x3  }
0x37: {  	[smem:$0x3FB1] =	sst s10  }
0x38: {  	s10 =	sld [smem:$0x3FB2]  }
0x39: {  	_ = 	snop;
	(pc) =	sbr.ind lr, $3  }
0x3a: {  	_ = 	snop  }
0x3b: {  	_ = 	snop  }
0x3c: {  	p2 =	seq.s32 s10, $0x1;
	s10 =	sld [smem:$0x3FB1]  }
0x3d: {  	_ =	shalt  }
0x3e: {  	_ =	shalt  }
0x3f: {  	_ =	shalt  }
0x40: {  	_ =	shalt  }
0x41: {  	_ =	shalt  }
0x42: {  	_ =	shalt  }
0x43: {  	_ =	shalt  }
0x44: {  	_ =	shalt  }
0x45: {  	_ =	shalt  }
0x46: {  	_ =	shalt  }
0x47: {  	_ =	shalt  }
0x48: {  	_ =	shalt  }
0x49: {  	_ =	shalt  }
0x4a: {  	_ =	shalt  }
0x4b: {  	_ =	shalt  }
0x4c: {  	_ =	shalt  }
0x4d: {  	_ =	shalt  }
0x4e: {  	_ =	shalt  }
0x4f: {  	_ =	shalt  }
0x50: {  	_ =	shalt  }
0x51: {  	_ =	shalt  }
0x52: {  	_ =	shalt  }
0x53: {  	_ =	shalt  }
0x54: {  	_ =	shalt  }
0x55: {  	_ =	shalt  }
0x56: {  	_ =	shalt  }
0x57: {  	_ =	shalt  }
0x58: {  	_ =	shalt  }
0x59: {  	_ =	shalt  }
0x5a: {  	_ =	shalt  }
0x5b: {  	_ =	shalt  }
0x5c: {  	_ =	shalt  }
0x5d: {  	_ =	shalt  }
0x5e: {  	_ =	shalt  }
0x5f: {  	_ =	shalt  }
0x60: {  	_ =	shalt  }
0x61: {  	_ =	shalt  }
0x62: {  	_ =	shalt  }
0x63: {  	_ =	shalt  }
0x64: {  	_ =	shalt  }
0x65: {  	_ =	shalt  }
0x66: {  	_ =	shalt  }
0x67: {  	_ =	shalt  }
0x68: {  	_ =	shalt  }
0x69: {  	_ =	shalt  }
0x6a: {  	_ =	shalt  }
0x6b: {  	_ =	shalt  }
0x6c: {  	_ =	shalt  }
0x6d: {  	_ =	shalt  }
0x6e: {  	_ =	shalt  }
0x6f: {  	_ =	shalt  }
0x70: {  	_ =	shalt  }
0x71: {  	_ =	shalt  }
0x72: {  	_ =	shalt  }
0x73: {  	_ =	shalt  }
0x74: {  	_ =	shalt  }
0x75: {  	_ =	shalt  }
0x76: {  	_ =	shalt  }
0x77: {  	_ =	shalt  }
0x78: {  	_ =	shalt  }
0x79: {  	_ =	shalt  }
0x7a: {  	_ =	shalt  }
0x7b: {  	_ =	shalt  }
0x7c: {  	_ =	shalt  }
0x7d: {  	_ =	shalt  }
0x7e: {  	_ =	shalt  }
0x7f: {  	_ =	shalt  }
0x80: {  	_ =	shalt  }
0x81: {  	_ =	shalt  }
0x82: {  	_ =	shalt  }
0x83: {  	_ =	shalt  }
0x84: {  	_ =	shalt  }
0x85: {  	_ =	shalt  }
0x86: {  	_ =	shalt  }
0x87: {  	_ =	shalt  }
.Lfunc_end0:
.L_simem_size_0:
called_computation_lowered:
.L_overlay_start_0:
0x88: {  	s2 =	sld [smem:$0x3FD9]  }
0x89: {  	s3 =	sld [smem:$0x3FFE];
	_ =	sdelay $0x1  }
0x8a: {  	s1 =	srdreg.scid  }
0x8b: {  	s0 =	sand.u32 $0x1, s1  }
0x8c: {  	s17 =	sshll.u32 s0, $0xA;
	s2 =	sadd.s32 s3, s2  }
0x8d: {  	s2 =	sadd.s32 s2, s17  }
0x8e: {  	[smem:$0x3FBD] =	sst s2  }
0x8f: {  	_ = 	snop  }
0x90: {  	s18 =	sld [smem:$0x3FD0];
	(tm) =	ssettm $0x1  }
0x91: {  	s19 =	sld [smem:$0x3FFB];
	_ =	sdelay $0x3  }
0x92: {  	_ =	strace s19  }
0x93: {  	s2 =	sld [smem:$0x3FFC];
	_ =	sdelay $0x3  }
0x94: {  	_ =	strace s2  }
0x95: {  	s2 =	sld [smem:$0x3FFD];
	_ =	sdelay $0x3  }
0x96: {  	_ =	strace s2  }
0x97: {  	_ =	strace $0x8FFFFFFF  }
0x98: {  	s20 =	sld [smem:$0x3FDB];
	_ =	sdelay $0x1  }
0x99: {  	s4 =	simm.s32 $_scs_section_size  }
0x9a: {  	s5 =	simm.s32 $_size__tile_overlayer_lowered;
	s6 =	simm.s32 $_tile_overlayer_lowered  }
0x9b: {  	s7 =	simm.s32 $0x1BFF;
	s21 =	sshll.u32 s6, $0x1;
	s4 =	sadd.s32 s4, s20  }
0x9c: {  	s22 =	simm.s32 $0x0;
	s5 =	sshll.u32 s5, $0x1;
	s6 =	sadd.s32 s21, s4  }
0x9d: {  	[timem:s22], [sflag:s7] =	dma.local [hbm:s6], s5  }
0x9e: {  	_ =	swait.ge [sflag:s7], s5  }
0x9f: {  	s5 =	ssub.s32 $0x0, s5;
	[sflag:s7] =	ssyncset.done $0x0  }
0xa0: {  	[sflag:s7] =	ssyncadd.s32 s5;
	_ =	sdelay $0x1  }
0xa1: {  	s23 =	simm.s32 $0x1B8B  }
0xa2: {  	_ =	swait.ge [sflag:s23], $0x1  }
0xa3: {  	[sflag:s23] =	ssyncset.done $0x0  }
0xa4: {  	[sflag:s23] =	ssyncadd.s32 $0xFFFFFFFF  }
0xa5: {  	s5 =	sld [smem:$0x0]  }
0xa6: {  	s6 =	sand.u32 $0xFFFFFFFE, s1  }
0xa7: {  	p0 =	sne.s32 s1, s6  }
0xa8: {  	s6 =	sshll.u32 @p0 s6, $0xE  }
0xa9: {  	s6 =	sadd.s32 @p0 $0x11B8D, s6;
	s7 =	sshll.u32 @p0 s5, $0x11  }
0xaa: {  	s6 =	sor.u32 @p0 s7, s6  }
0xab: {  	[sflag:s6] =	ssyncadd.remote.s32 @p0 $0x1;
	_ =	sdelay $0x1  }
0xac: {  	s6 =	simm.s32 @p0 $0x1B8D  }
0xad: {  	_ =	swait.eq @p0 [sflag:s6], $0x1  }
0xae: {  	[sflag:s6] =	ssyncadd.s32 @p0 $0xFFFFFFFF  }
0xaf: {  	s7 =	sshll.u32 @!p0 s1, $0xE  }
0xb0: {  	s7 =	sor.u32 @!p0 $0x4000, s7;
	s6 =	simm.s32 @!p0 $0x1B8D  }
0xb1: {  	s5 =	sshll.u32 @!p0 s5, $0x11;
	s7 =	sadd.s32 @!p0 $0x11B8D, s7;
	_ =	swait.eq @!p0 [sflag:s6], $0x1  }
0xb2: {  	s5 =	sor.u32 @!p0 s5, s7;
	[sflag:s6] =	ssyncadd.s32 @!p0 $0xFFFFFFFF  }
0xb3: {  	s25 =	simm.s32 $0x1B8E;
	s24 =	sld [smem:$0x3FFE];
	[sflag:s5] =	ssyncadd.remote.s32 @!p0 $0x1  }
0xb4: {  	s26 =	simm.s32 $execute0_lowered;
	[smem:$0x3FD2] =	sst s25  }
0xb5: {  	s6 =	sshll.u32 s26, $0x1;
	_ =	strace $0x80000049;
	[dreg:$0x1] =	wrdreg $0xFFFFFFFF  }
0xb6: {  	s28 =	simm.s32 $_size_execute0_lowered;
	s4 =	sadd.s32 s4, s6;
	[dreg:$0x0] =	wrdreg $0x0  }
0xb7: {  	s6 =	sshll.u32 s28, $0x1;
	[dreg:$0x2] =	wrdreg s4  }
0xb8: {  	[dreg:$0x3] =	wrdreg s6  }
0xb9: {  	[dreg:$0x4] =	wrdreg $0xC0  }
0xba: {  	_ =	task [dreg:s22], $0x5FFFF  }
0xbb: {  	[dreg:$0x1] =	wrdreg $0xFFFFFFFF  }
0xbc: {  	[dreg:$0x0] =	wrdreg $0x60  }
0xbd: {  	[dreg:$0x2] =	wrdreg s24  }
0xbe: {  	[dreg:$0x3] =	wrdreg s18  }
0xbf: {  	[dreg:$0x4] =	wrdreg $0x0  }
0xc0: {  	[dreg:$0x5] =	wrdreg $0x9  }
0xc1: {  	_ =	task.clear_ibuf [dreg:s22], $0x6FFFF;
	_ =	strace $0x90000049  }
0xc2: {  	s29 =	simm.s32 $0x9;
	_ =	strace $0x8000004B  }
0xc3: {  	_ =	swait.ge [sflag:s29], $0x1  }
0xc4: {  	[sflag:s29] =	ssyncadd.s32 $0xFFFFFFFF  }
0xc5: {  	_ =	strace $0x9000004B  }
0xc6: {  	_ =	sfence  }
0xc7: {  	s30 =	sld [smem:$0x0];
	_ =	sdelay $0x2  }
0xc8: {  	s31 =	sshll.u32 s1, $0xD;
	s1 =	sshrl.u32 s1, $0x2  }
0xc9: {  	s4 =	sand.u32 $0x4000, s31;
	s1 =	sadd.s32 s1, s30  }
0xca: {  	s0 =	sor.u32 s4, s0;
	s1 =	sshll.u32 s1, $0x11  }
0xcb: {  	s0 =	sor.u32 s1, s0  }
0xcc: {  	s0 =	sadd.s32 $0x8F2B, s0  }
0xcd: {  	[sflag:s0] =	ssyncadd.remote.s32 $0x1  }
0xce: {  	_ =	sfence.sel $0xFFFF  }
0xcf: {  	[dreg:$0x0] =	wrdreg $0xFFFFFFFF;
	(pc) =	sbr.abs _section_cstart, $3  }
0xd0: {  	[dreg:$0x1] =	wrdreg $0xFFFFFFFF  }
0xd1: {  	_ =	task.clear_ibuf [dreg:s22], $0x2FFFF;
	_ =	strace $0x9FFFFFFF  }
0xd2: {  	(tm) =	ssettm $0x7FFFFFFF  }
0xd3: {  	_ =	shalt  }
tec
execute0_lowered:
.L_overlay_start_1:
0x0: {  	(tag) =	ssettag $0x1  }
0x1: {  	s6 =	rddreg [dreg:$0x0]  }
0x2: {  	s2 =	rddreg [dreg:$0x1]  }
0x3: {  	s0 =	srdreg.scid;
	s3 =	rddreg [dreg:$0x2]  }
0x4: {  	s4 =	simm.s32 $0x0;
	s5 =	sand.u32 $0x1, s0;
	s0 =	stileid.u32  }
0x5: {  	s13 =	simm.s32 $0x14000;
	s14 =	simm.s32 $0x64;
	s8 =	smul.u32 $0x14000, s0  }
0x6: {  	s15 =	simm.s32 $0x2;
	s16 =	simm.s32 $0x0;
	s9 =	smul.u32 $0x140000, s5  }
0x7: {  	[smem:$0x7FF] =	sst s4;
	s1 =	sshll.u32 s5, $0x4;
	s29 =	smul.u32 $0x50000, s0  }
0x8: {  	s5 =	ssub.s32 $0x2, s5;
	s31 =	sshll.u32 s0, $0x6;
	s1 =	sor.u32 s0, s1  }
0x9: {  	s30 =	sshrl.u32 s5, $0x1;
	s7 =	smul.u32 $0x680, s1;
	s1 =	rddreg [dreg:$0x3]  }
0xa: {  	_ =	strace $0x8000004A;
	s10 =	sshrl.u32 s8, $0x3;
	s8 =	sadd.s32 s8, s9  }
0xb: {  	s9 =	sshrl.u32 s29, $0x2;
	s11 =	ssub.s32 s5, s30;
	s10 =	sadd.s32 s10, s6  }
0xc: {  	s8 =	sshrl.u32 s8, $0x3;
	s12 =	sadd.s32 s9, s3;
	s9 =	smax.u32 s11, $0x1  }
0xd: {  	s11 =	simm.s32 $0x3;
	s7 =	sadd.s32 s7, s6;
	s8 =	sadd.s32 s8, s6  }
0xe: {  	s5 =	sadd.s32 $0x1C000, s10;
	s6 =	sor.u32 $0x1C03, s31;
	s10 =	sshrl.u32 s12, $0x3  }
0xf: {  	s12 =	simm.s32 $0x17400;
	s7 =	sadd.s32 $0x94000, s7;
	s8 =	sadd.s32 $0xA1000, s8  }
.LBB2_1:
0x10: {  	[spmem:s10], [sflag:s6] =	dma.local [hbm:s5], $0x2800  }
0x11: {  	_ =	swait.ge [sflag:s11], $0x2800  }
0x12: {  	[sflag:s11] =	ssyncset.done $0x0  }
0x13: {  	[sflag:s11] =	ssyncadd.s32 $0xFFFFD800  }
0x14: {  	[tilespmem:s12], [sflag:$0x3] =	stream.linear.gather [hbm4b:s2+s4], $0x3200, $0x38;
	[tilespmem:$0x1A800] =	vst v63  }
0x15: {  	_ =	swait.ge [sflag:s11], $0x3200  }
0x16: {  	[sflag:s11] =	ssyncset.done $0x0  }
0x17: {  	[sflag:s11] =	ssyncadd.s32 $0xFFFFCE00  }
0x18: {  	[tilespmem:s13], [sflag:$0x3] =	stream.linear.gather [hbm4b:s7+s4], $0x3200, $0x38;
	[tilespmem:$0x1A800] =	vst v63  }
0x19: {  	_ =	swait.ge [sflag:s11], $0x3200  }
0x1a: {  	[sflag:s11] =	ssyncset.done $0x0  }
0x1b: {  	s17 =	sand.u32 $0x1, s4;
	s18 =	simm.s32 $0x1;
	[sflag:s11] =	ssyncadd.s32 $0xFFFFCE00  }
0x1c: {  	s19 =	simm.s32 $0x2;
	p0 =	seq.s32 s17, $0x1;
	[bflag:$0x0] =	sbarrier.arrive $0xFFFF  }
0x1d: {  	[spmem:s3] =	stream.indirect.scatter.add.f32 [tilespmem:s12], [sflag:$0x1], $0x80, s13, s14, $0xb8;
	[tilespmem:$0x1A800] =	vst v63  }
0x1e: {  	s17 =	simm.s32 $0x14080;
	s18 =	simm.s32 @!p0 $0x2;
	s19 =	simm.s32 @!p0 $0x1  }
0x1f: {  	[spmem:s3] =	stream.indirect.scatter.add.f32 [tilespmem:s12], [sflag:s18], $0x80, s17, s14, $0xb8;
	[tilespmem:$0x1A800] =	vst v63  }
0x20: {  	s18 =	simm.s32 $0x1;
	_ =	swait.ge [sflag:s19], $0x3200  }
.LBB2_2:
0x21: {  	s20 =	sand.u32 $0x1, s18  }
0x22: {  	[sflag:s19] =	ssyncset.done $0x0;
	s17 =	sadd.s32 $0x80, s17;
	p1 =	sne.s32 s18, $0x62  }
0x23: {  	p0 =	seq.s32 s20, $0x1;
	[sflag:s19] =	ssyncadd.s32 $0xFFFFCE00;
	s19 =	simm.s32 $0x1  }
.Ltmp0:
0x24: {  	s18 =	sadd.s32 $0x1, s18;
	s19 =	simm.s32 @!p0 $0x2;
	(pc) =	sbr.rel @p1 .LBB2_2-.Ltmp0, $4  }
0x25: {  	[spmem:s3] =	stream.indirect.scatter.add.f32 [tilespmem:s12], [sflag:s19], $0x80, s17, s14, $0xb8;
	[tilespmem:$0x1A800] =	vst v63  }
0x26: {  	s19 =	simm.s32 $0x2  }
0x27: {  	s19 =	simm.s32 @!p0 $0x1  }
0x28: {  	_ =	swait.ge [sflag:s19], $0x3200  }
0x29: {  	[sflag:s19] =	ssyncset.done $0x0  }
0x2a: {  	[sflag:s19] =	ssyncadd.s32 $0xFFFFCE00  }
0x2b: {  	_ =	swait.ge [sflag:s15], $0x3200  }
0x2c: {  	s16 =	sadd.s32 $0x1, s16;
	[sflag:s15] =	ssyncset.done $0x0  }
0x2d: {  	p0 =	sne.s32 s16, s9;
	[sflag:s15] =	ssyncadd.s32 $0xFFFFCE00  }
.Ltmp1:
0x2e: {  	[bflag:$0x0] =	sbarrier.arrive $0xFFFF;
	(pc) =	sbr.rel @p0 .LBB2_1-.Ltmp1, $4  }
0x2f: {  	[hbm:s8], [sflag:s6] =	dma.local [spmem:s10], $0x2800  }
0x30: {  	_ =	swait.ge [sflag:s11], $0x2800  }
0x31: {  	[sflag:s11] =	ssyncset.done $0x0  }
0x32: {  	[sflag:s11] =	ssyncadd.s32 $0xFFFFD800  }
0x33: {  	_ =	sfence.sel $0x180000  }
0x34: {  	[bflag:$0x0] =	sbarrier.arrive $0xFFFF  }
0x35: {  	p0 =	sne.s32 s0, $0x0;
	_ =	strace $0x9000004A  }
0x36: {  	s0 =	sadd.s32 @!p0 $0x100000, s1;
	[bflag:$0x2] =	sbarrier.arrive $0xFFFF  }
0x37: {  	[sflag:s0] =	ssyncadd.tile.s32 @!p0 $0x1;
	_ =	shalt  }
.Lfunc_end2:
_tile_overlayer_lowered:
.L_overlay_start_2:
0x38: {  	(tag) =	ssettag $0x2  }
0x39: {  	s0 =	rddreg [dreg:$0x0];
	s2 =	stileid.u32  }
0x3a: {  	s1 =	rddreg [dreg:$0x1];
	p0 =	sne.s32 s2, $0x0  }
0x3b: {  	s3 =	rddreg [dreg:$0x2];
	[bflag:$0x3] =	sbarrier.arrive $0xFFFF;
	s2 =	simm.s32 @!p0 $0x1C03  }
0x3c: {  	[timem:s3], [sflag:s2] =	dma.local @!p0 [hbm:s0], s1  }
0x3d: {  	s0 =	simm.s32 @!p0 $0x3  }
0x3e: {  	_ =	swait.ge @!p0 [sflag:s0], s1  }
0x3f: {  	s1 =	ssub.s32 @!p0 $0x0, s1;
	[sflag:s0] =	ssyncset.done @!p0 $0x0  }
0x40: {  	[sflag:s0] =	ssyncadd.s32 @!p0 s1  }
0x41: {  	[bflag:$0x3] =	sbarrier.arrive $0xFFFF  }
0x42: {  	_ =	shalt  }

// kernel: kernel.15.cloned.1.call-start
scs
__scs_entry_jumppad:
0x0: {  	(pc) =	sbr.rel $0x88, $3  }
0x1: {  	(tag) =	ssettag $0x0;
	lr =	simm.s32 $0x1  }
0x2: {  	[smem:$0x3F96] =	sst lr;
	_ =	strace $0xD0000000  }
0x3: {  	_ = 	snop  }
0x4: {  	_ = 	snop  }
0x5: {  	_ = 	snop  }
0x6: {  	_ = 	snop  }
0x7: {  	_ = 	snop  }
__scs_overlays_trampoline_lowered:
0x8: {  	[smem:$0x3FA5] =	sst s0  }
0x9: {  	[smem:$0x3FA6] =	sst s1  }
0xa: {  	[smem:$0x3FA7] =	sst s2  }
0xb: {  	[smem:$0x3FA8] =	sst s3  }
0xc: {  	[smem:$0x3FA9] =	sst s4  }
0xd: {  	[smem:$0x3FAA] =	sst s5  }
0xe: {  	[smem:$0x3FAB] =	sst s6  }
0xf: {  	[smem:$0x3FAC] =	sst s7  }
0x10: {  	[smem:$0x3FAD] =	sst s8  }
0x11: {  	[smem:$0x3FAE] =	sst s9;
	s0 =	simm.s32 @!p0 $0x0  }
0x12: {  	s1 =	sld [smem:$0x3F94];
	s0 =	simm.s32 @p0 $0x1  }
0x13: {  	[smem:$0x3FAF] =	sst s0;
	s0 =	simm.s32 @!p1 $0x0  }
0x14: {  	s2 =	sld [smem:$0x3F93];
	s0 =	simm.s32 @p1 $0x1  }
0x15: {  	[smem:$0x3FB0] =	sst s0;
	s0 =	simm.s32 @!p2 $0x0  }
0x16: {  	s3 =	sld [smem:$0x3FDB];
	s0 =	simm.s32 @p2 $0x1  }
0x17: {  	s4 =	simm.s32 $0x1BF5;
	[smem:$0x3FB2] =	sst s0  }
0x18: {  	s0 =	sld [smem:$0x3F95];
	_ =	swait.ge [sflag:s4], $0x0  }
0x19: {  	s7 =	sld [smem:$0x3F96]  }
0x1a: {  	s8 =	sadd.s32 $0xFFFFE003, lr  }
0x1b: {  	s9 =	sadd.s32 $0xFFFFFEF7, lr;
	s5 =	simm.s32 $0xFFFFFFFF;
	p2 =	slt.u32 s8, $0xFFFFF086  }
0x1c: {  	p1 =	slt.u32 s9, $0xF7A;
	s5 =	simm.s32 @!p2 $0x0  }
0x1d: {  	s5 =	simm.s32 @p1 $0x1;
	p0 =	seq.s32 s7, s2  }
0x1e: {  	s7 =	smul.u32 @!p0 $0xF7A, s2;
	p2 =	seq.s32 @!p0 s5, $0x0  }
0x1f: {  	s9 =	smul.u32 $0xF7A, s1;
	s8 =	simm.s32 @!p0 $0x1BF5;
	p2 =	por !p2, p0  }
0x20: {  	[sflag:s8] =	ssyncset.s32 @!p0 $0xFFFFF086;
	s6 =	sadd.s32 @!p0 s3, s7;
	s7 =	simm.s32 @!p0 $0x108  }
0x21: {  	s3 =	sadd.s32 s3, s9;
	s6 =	sadd.s32 @!p0 $0x88, s6;
	s7 =	simm.s32 @p2 $0x1082  }
0x22: {  	[simem:s7], [sflag:s8] =	dma.local @!p0 [hbm:s6], $0xF7A  }
0x23: {  	s9 =	sor.u32 $0xD0000000, s2;
	s6 =	simm.s32 $0x108;
	_ =	swait.ge @!p0 [sflag:s8], $0x0  }
0x24: {  	s3 =	sadd.s32 $0x88, s3;
	s6 =	simm.s32 @!p1 $0x1082;
	[sflag:s4] =	ssyncset.s32 $0xFFFFF086  }
0x25: {  	[simem:s6], [sflag:s4] =	dma.local [hbm:s3], $0xF7A  }
0x26: {  	[smem:$0x3F96] =	sst s1;
	(tag) =	ssettag s2;
	_ =	strace s9  }
0x27: {  	s1 =	sld [smem:$0x3FA6]  }
0x28: {  	s2 =	sld [smem:$0x3FA7]  }
0x29: {  	s4 =	sld [smem:$0x3FA9]  }
0x2a: {  	p0 =	seq.s32 s5, $0x0;
	s5 =	sld [smem:$0x3FAA]  }
0x2b: {  	s6 =	sld [smem:$0x3FAB]  }
0x2c: {  	s7 =	sld [smem:$0x3FAC]  }
0x2d: {  	s3 =	simm.s32 $0x108;
	s8 =	sld [smem:$0x3FAD]  }
0x2e: {  	s3 =	simm.s32 @!p0 $0x1082;
	s9 =	sld [smem:$0x3FAE]  }
0x2f: {  	lr =	sadd.s32 s0, s3;
	s0 =	sld [smem:$0x3FA5]  }
0x30: {  	s3 =	sld [smem:$0x3FA8]  }
0x31: {  	[smem:$0x3FB1] =	sst s10  }
0x32: {  	s10 =	sld [smem:$0x3FAF];
	_ =	sdelay $0x3  }
0x33: {  	p0 =	seq.s32 s10, $0x1;
	s10 =	sld [smem:$0x3FB1];
	_ =	sdelay $0x3  }
0x34: {  	[smem:$0x3FB1] =	sst s10  }
0x35: {  	s10 =	sld [smem:$0x3FB0];
	_ =	sdelay $0x3  }
0x36: {  	p1 =	seq.s32 s10, $0x1;
	s10 =	sld [smem:$0x3FB1];
	_ =	sdelay $0x3  }
0x37: {  	[smem:$0x3FB1] =	sst s10  }
0x38: {  	s10 =	sld [smem:$0x3FB2]  }
0x39: {  	_ = 	snop;
	(pc) =	sbr.ind lr, $3  }
0x3a: {  	_ = 	snop  }
0x3b: {  	_ = 	snop  }
0x3c: {  	p2 =	seq.s32 s10, $0x1;
	s10 =	sld [smem:$0x3FB1]  }
0x3d: {  	_ =	shalt  }
0x3e: {  	_ =	shalt  }
0x3f: {  	_ =	shalt  }
0x40: {  	_ =	shalt  }
0x41: {  	_ =	shalt  }
0x42: {  	_ =	shalt  }
0x43: {  	_ =	shalt  }
0x44: {  	_ =	shalt  }
0x45: {  	_ =	shalt  }
0x46: {  	_ =	shalt  }
0x47: {  	_ =	shalt  }
0x48: {  	_ =	shalt  }
0x49: {  	_ =	shalt  }
0x4a: {  	_ =	shalt  }
0x4b: {  	_ =	shalt  }
0x4c: {  	_ =	shalt  }
0x4d: {  	_ =	shalt  }
0x4e: {  	_ =	shalt  }
0x4f: {  	_ =	shalt  }
0x50: {  	_ =	shalt  }
0x51: {  	_ =	shalt  }
0x52: {  	_ =	shalt  }
0x53: {  	_ =	shalt  }
0x54: {  	_ =	shalt  }
0x55: {  	_ =	shalt  }
0x56: {  	_ =	shalt  }
0x57: {  	_ =	shalt  }
0x58: {  	_ =	shalt  }
0x59: {  	_ =	shalt  }
0x5a: {  	_ =	shalt  }
0x5b: {  	_ =	shalt  }
0x5c: {  	_ =	shalt  }
0x5d: {  	_ =	shalt  }
0x5e: {  	_ =	shalt  }
0x5f: {  	_ =	shalt  }
0x60: {  	_ =	shalt  }
0x61: {  	_ =	shalt  }
0x62: {  	_ =	shalt  }
0x63: {  	_ =	shalt  }
0x64: {  	_ =	shalt  }
0x65: {  	_ =	shalt  }
0x66: {  	_ =	shalt  }
0x67: {  	_ =	shalt  }
0x68: {  	_ =	shalt  }
0x69: {  	_ =	shalt  }
0x6a: {  	_ =	shalt  }
0x6b: {  	_ =	shalt  }
0x6c: {  	_ =	shalt  }
0x6d: {  	_ =	shalt  }
0x6e: {  	_ =	shalt  }
0x6f: {  	_ =	shalt  }
0x70: {  	_ =	shalt  }
0x71: {  	_ =	shalt  }
0x72: {  	_ =	shalt  }
0x73: {  	_ =	shalt  }
0x74: {  	_ =	shalt  }
0x75: {  	_ =	shalt  }
0x76: {  	_ =	shalt  }
0x77: {  	_ =	shalt  }
0x78: {  	_ =	shalt  }
0x79: {  	_ =	shalt  }
0x7a: {  	_ =	shalt  }
0x7b: {  	_ =	shalt  }
0x7c: {  	_ =	shalt  }
0x7d: {  	_ =	shalt  }
0x7e: {  	_ =	shalt  }
0x7f: {  	_ =	shalt  }
0x80: {  	_ =	shalt  }
0x81: {  	_ =	shalt  }
0x82: {  	_ =	shalt  }
0x83: {  	_ =	shalt  }
0x84: {  	_ =	shalt  }
0x85: {  	_ =	shalt  }
0x86: {  	_ =	shalt  }
0x87: {  	_ =	shalt  }
.Lfunc_end0:
.L_simem_size_0:
called_computation.1_lowered:
.L_overlay_start_0:
0x88: {  	s2 =	sld [smem:$0x3FD9]  }
0x89: {  	s3 =	sld [smem:$0x3FFE];
	_ =	sdelay $0x1  }
0x8a: {  	s1 =	srdreg.scid  }
0x8b: {  	s0 =	sand.u32 $0x1, s1  }
0x8c: {  	s17 =	sshll.u32 s0, $0xA;
	s2 =	sadd.s32 s3, s2  }
0x8d: {  	s2 =	sadd.s32 s2, s17  }
0x8e: {  	[smem:$0x3FBD] =	sst s2  }
0x8f: {  	_ = 	snop  }
0x90: {  	s2 =	sld [smem:$0x3FC9];
	(tm) =	ssettm $0x1  }
0x91: {  	s18 =	sld [smem:$0x3FFB];
	_ =	sdelay $0x3  }
0x92: {  	_ =	strace s18  }
0x93: {  	s3 =	sld [smem:$0x3FFC];
	_ =	sdelay $0x3  }
0x94: {  	_ =	strace s3  }
0x95: {  	s3 =	sld [smem:$0x3FFD];
	_ =	sdelay $0x3  }
0x96: {  	_ =	strace s3  }
0x97: {  	_ =	strace $0x8FFFFFFF  }
0x98: {  	s19 =	sld [smem:$0x3FDB];
	_ =	sdelay $0x1  }
0x99: {  	s4 =	simm.s32 $_scs_section_size  }
0x9a: {  	s5 =	simm.s32 $_size__tile_overlayer_lowered;
	s6 =	simm.s32 $_tile_overlayer_lowered  }
0x9b: {  	s22 =	simm.s32 $0x1BFF;
	s21 =	sshll.u32 s6, $0x1;
	s3 =	sadd.s32 s4, s19  }
0x9c: {  	s7 =	simm.s32 $0x0;
	s20 =	sshll.u32 s5, $0x1;
	s5 =	sadd.s32 s21, s3  }
0x9d: {  	[timem:s7], [sflag:s22] =	dma.local [hbm:s5], s20  }
0x9e: {  	_ =	swait.ge [sflag:s22], s20  }
0x9f: {  	s4 =	ssub.s32 $0x0, s20;
	[sflag:s22] =	ssyncset.done $0x0  }
0xa0: {  	[sflag:s22] =	ssyncadd.s32 s4;
	_ =	sdelay $0x1  }
0xa1: {  	s23 =	simm.s32 $0x1B8B  }
0xa2: {  	_ =	swait.ge [sflag:s23], $0x1  }
0xa3: {  	[sflag:s23] =	ssyncset.done $0x0  }
0xa4: {  	s25 =	simm.s32 $0x1B8E;
	s24 =	sld [smem:$0x3FFE];
	[sflag:s23] =	ssyncadd.s32 $0xFFFFFFFF  }
0xa5: {  	s26 =	simm.s32 $execute0_lowered;
	[smem:$0x3FD2] =	sst s25  }
0xa6: {  	s5 =	sshll.u32 s26, $0x1;
	_ =	strace $0x80000046;
	[dreg:$0x1] =	wrdreg $0xFFFFFFFF  }
0xa7: {  	s28 =	simm.s32 $_size_execute0_lowered;
	s3 =	sadd.s32 s3, s5;
	[dreg:$0x0] =	wrdreg $0x0  }
0xa8: {  	s5 =	sshll.u32 s28, $0x1;
	[dreg:$0x2] =	wrdreg s3  }
0xa9: {  	[dreg:$0x3] =	wrdreg s5  }
0xaa: {  	[dreg:$0x4] =	wrdreg $0xC0  }
0xab: {  	_ =	task [dreg:s7], $0x5FFFF  }
0xac: {  	[dreg:$0x1] =	wrdreg $0xFFFFFFFF  }
0xad: {  	[dreg:$0x0] =	wrdreg $0x60  }
0xae: {  	[dreg:$0x2] =	wrdreg s24  }
0xaf: {  	[dreg:$0x3] =	wrdreg s2  }
0xb0: {  	[dreg:$0x4] =	wrdreg $0x0  }
0xb1: {  	[dreg:$0x5] =	wrdreg $0xA  }
0xb2: {  	_ =	task.clear_ibuf [dreg:s7], $0x6FFFF;
	_ =	strace $0x90000046  }
0xb3: {  	s29 =	simm.s32 $0xA;
	_ =	strace $0x80000048  }
0xb4: {  	_ =	swait.ge [sflag:s29], $0x1  }
0xb5: {  	[sflag:s29] =	ssyncadd.s32 $0xFFFFFFFF  }
0xb6: {  	_ =	strace $0x90000048  }
0xb7: {  	_ =	sfence  }
0xb8: {  	s30 =	sld [smem:$0x0];
	_ =	sdelay $0x2  }
0xb9: {  	s31 =	sshll.u32 s1, $0xD;
	s1 =	sshrl.u32 s1, $0x2  }
0xba: {  	s3 =	sand.u32 $0x4000, s31;
	s1 =	sadd.s32 s1, s30  }
0xbb: {  	s0 =	sor.u32 s3, s0;
	s1 =	sshll.u32 s1, $0x11  }
0xbc: {  	s0 =	sor.u32 s1, s0  }
0xbd: {  	s0 =	sadd.s32 $0x8F2B, s0  }
0xbe: {  	[sflag:s0] =	ssyncadd.remote.s32 $0x1  }
0xbf: {  	_ =	sfence.sel $0xFFFF  }
0xc0: {  	[dreg:$0x0] =	wrdreg $0xFFFFFFFF;
	(pc) =	sbr.abs _section_cstart, $3  }
0xc1: {  	[dreg:$0x1] =	wrdreg $0xFFFFFFFF  }
0xc2: {  	_ =	task.clear_ibuf [dreg:s7], $0x2FFFF;
	_ =	strace $0x9FFFFFFF  }
0xc3: {  	(tm) =	ssettm $0x7FFFFFFF  }
tec
execute0_lowered:
.L_overlay_start_1:
0x0: {  	(tag) =	ssettag $0x1  }
0x1: {  	s5 =	rddreg [dreg:$0x0]  }
0x2: {  	s2 =	rddreg [dreg:$0x1]  }
0x3: {  	s3 =	rddreg [dreg:$0x2]  }
0x4: {  	s0 =	rddreg [dreg:$0x3]  }
0x5: {  	s1 =	stileid.u32;
	s4 =	simm.s32 $0x0;
	s7 =	srdreg.scid  }
0x6: {  	s16 =	simm.s32 $0x14200;
	s17 =	simm.s32 $0x14100;
	s18 =	simm.s32 $0x4  }
0x7: {  	s19 =	simm.s32 $0x17600;
	s20 =	simm.s32 $0x1;
	s21 =	simm.s32 $0x14080  }
0x8: {  	s22 =	simm.s32 $0x2;
	s23 =	simm.s32 $0x14180;
	s6 =	smul.u32 $0x14000, s1  }
0x9: {  	[smem:$0x7FF] =	sst s4;
	s7 =	sand.u32 $0x1, s7;
	s24 =	smul.u32 $0x50000, s1  }
0xa: {  	s11 =	sadd.s32 $0x3000, s5;
	s28 =	smul.u32 $0x6400, s1;
	s30 =	sshll.u32 s1, $0x6  }
0xb: {  	_ =	strace $0x80000047;
	s9 =	smul.u32 $0x140000, s7;
	s10 =	sshll.u32 s7, $0x4  }
0xc: {  	s12 =	ssub.s32 $0x2, s7;
	s7 =	smul.u32 $0x64000, s7;
	s8 =	sshrl.u32 s6, $0x3  }
0xd: {  	s10 =	sor.u32 s1, s10;
	s25 =	sshrl.u32 s12, $0x1;
	s26 =	sshrl.u32 s24, $0x2  }
0xe: {  	s24 =	simm.s32 $0x3;
	s8 =	sadd.s32 s8, s5;
	s6 =	sadd.s32 s6, s9  }
0xf: {  	s10 =	smul.u32 $0x6400, s10;
	s12 =	ssub.s32 s12, s25;
	s14 =	sadd.s32 s26, s3  }
0x10: {  	s9 =	sadd.s32 s28, s7;
	s7 =	sor.u32 $0x1C05, s30;
	s6 =	sshrl.u32 s6, $0x3  }
0x11: {  	s25 =	simm.s32 $0x0;
	s15 =	sor.u32 $0x200, s9;
	s13 =	sadd.s32 s6, s5  }
0x12: {  	s5 =	sadd.s32 $0x1C000, s8;
	s29 =	sshrl.u32 s10, $0x3;
	s10 =	smax.u32 s12, $0x1  }
0x13: {  	s31 =	sshrl.u32 s15, $0x3;
	s12 =	sshrl.u32 s14, $0x3;
	s14 =	simm.s32 $0x14000  }
0x14: {  	s15 =	simm.s32 $0x64;
	s6 =	sadd.s32 s11, s29;
	s9 =	sadd.s32 $0x44000, s13  }
0x15: {  	s11 =	sadd.s32 s31, s11;
	s13 =	simm.s32 $0x5;
	s8 =	sadd.s32 $0x20, s6  }
.LBB2_1:
0x16: {  	[spmem:s12], [sflag:s7] =	dma.local [hbm:s5], $0x2800  }
0x17: {  	_ =	swait.ge [sflag:s13], $0x2800  }
0x18: {  	[sflag:s13] =	ssyncset.done $0x0  }
0x19: {  	[sflag:s13] =	ssyncadd.s32 $0xFFFFD800  }
0x1a: {  	[bflag:$0x0] =	sbarrier.arrive $0xFFFF  }
0x1b: {  	[tilespmem:s14], [sflag:$0x5] =	stream.linear.gather [hbm4b:s6+s4], $0x100, $0x38;
	[tilespmem:$0x1AA00] =	vst v63  }
0x1c: {  	_ =	swait.ge [sflag:s13], $0x100  }
0x1d: {  	[sflag:s13] =	ssyncset.done $0x0  }
0x1e: {  	[sflag:s13] =	ssyncadd.s32 $0xFFFFFF00  }
0x1f: {  	[tilespmem:s16], [sflag:$0x1] =	stream.indirect.gather [hbm4b:s2+s15], $0x80, s14, s15, $0xb8;
	[tilespmem:$0x1AA00] =	vst v63  }
0x20: {  	s26 =	smov.u32 s11;
	s28 =	simm.s32 $0x0  }
0x21: {  	[tilespmem:s17], [sflag:$0x4] =	stream.linear.gather [hbm4b:s8+s4], $0x100, $0x38;
	[tilespmem:$0x1AA00] =	vst v63  }
.LBB2_2:
0x22: {  	s29 =	sand.u32 $0x1, s28  }
0x23: {  	p0 =	seq.s32 s29, $0x1  }
0x24: {  	s29 =	simm.s32 @!p0 $0x4  }
0x25: {  	_ =	swait.ge @!p0 [sflag:s29], $0x100  }
0x26: {  	s30 =	simm.s32 @!p0 $0x14100;
	[sflag:s29] =	ssyncset.done @!p0 $0x0  }
0x27: {  	s31 =	simm.s32 @!p0 $0x17600;
	[sflag:s29] =	ssyncadd.s32 @!p0 $0xFFFFFF00;
	s29 =	simm.s32 @!p0 $0x64  }
0x28: {  	[tilespmem:s31], [sflag:$0x2] =	stream.indirect.gather @!p0 [hbm4b:s2+s29], $0x80, s30, s29, $0xb8;
	[tilespmem:$0x1AA00] =	vst v63  }
0x29: {  	s30 =	simm.s32 @!p0 $0x1  }
0x2a: {  	_ =	swait.ge @!p0 [sflag:s30], $0x3200  }
0x2b: {  	[sflag:s30] =	ssyncset.done @!p0 $0x0  }
0x2c: {  	s31 =	simm.s32 @!p0 $0x14200;
	[sflag:s30] =	ssyncadd.s32 @!p0 $0xFFFFCE00;
	s30 =	simm.s32 @!p0 $0x14080  }
0x2d: {  	[spmem:s3] =	stream.indirect.scatter.add.f32 @!p0 [tilespmem:s31], [sflag:$0x5], $0x80, s30, s29, $0xb8;
	[tilespmem:$0x1AA00] =	vst v63  }
0x2e: {  	s29 =	simm.s32 @!p0 $0x5  }
0x2f: {  	_ =	swait.ge @!p0 [sflag:s29], $0x3200  }
0x30: {  	[sflag:s29] =	ssyncset.done @!p0 $0x0  }
0x31: {  	s30 =	simm.s32 @!p0 $0x14000;
	[sflag:s29] =	ssyncadd.s32 @!p0 $0xFFFFCE00;
	s29 =	simm.s32 @!p0 $0x0  }
0x32: {  	[tilespmem:s30], [sflag:$0x3] =	stream.linear.gather @!p0 [hbm4b:s26+s29], $0x100, $0x38;
	[tilespmem:$0x1AA00] =	vst v63  }
0x33: {  	s29 =	sand.u32 @!p0 $0x1, s28  }
0x34: {  	p1 =	seq.s32 @!p0 s29, $0x0  }
0x35: {  	p0 =	por p0, !p1  }
0x36: {  	_ =	swait.ge @p0 [sflag:s24], $0x100  }
0x37: {  	[sflag:s24] =	ssyncset.done @p0 $0x0  }
0x38: {  	[sflag:s24] =	ssyncadd.s32 @p0 $0xFFFFFF00  }
0x39: {  	[tilespmem:s16], [sflag:$0x1] =	stream.indirect.gather @p0 [hbm4b:s2+s15], $0x80, s14, s15, $0xb8;
	[tilespmem:$0x1AA00] =	vst v63  }
0x3a: {  	_ =	swait.ge @p0 [sflag:s22], $0x3200  }
0x3b: {  	[sflag:s22] =	ssyncset.done @p0 $0x0  }
0x3c: {  	[sflag:s22] =	ssyncadd.s32 @p0 $0xFFFFCE00  }
0x3d: {  	[spmem:s3] =	stream.indirect.scatter.add.f32 @p0 [tilespmem:s19], [sflag:$0x5], $0x80, s23, s15, $0xb8;
	[tilespmem:$0x1AA00] =	vst v63  }
0x3e: {  	_ =	swait.ge @p0 [sflag:s13], $0x3200  }
0x3f: {  	[sflag:s13] =	ssyncset.done @p0 $0x0  }
0x40: {  	s28 =	sadd.s32 $0x1, s28;
	[sflag:s13] =	ssyncadd.s32 @p0 $0xFFFFCE00  }
0x41: {  	[tilespmem:s17], [sflag:$0x4] =	stream.linear.gather @p0 [hbm4b:s26+s4], $0x100, $0x38;
	[tilespmem:$0x1AA00] =	vst v63  }
0x42: {  	p0 =	sne.s32 s28, $0x62  }
.Ltmp0:
0x43: {  	_ = 	snop;
	(pc) =	sbr.rel @p0 .LBB2_2-.Ltmp0, $2  }
0x44: {  	_ =	sdelay $0x2  }
0x45: {  	s26 =	sadd.s32 $0x20, s26  }
0x46: {  	_ =	swait.ge [sflag:s18], $0x100  }
0x47: {  	[sflag:s18] =	ssyncset.done $0x0  }
0x48: {  	[sflag:s18] =	ssyncadd.s32 $0xFFFFFF00  }
0x49: {  	[tilespmem:s19], [sflag:$0x2] =	stream.indirect.gather [hbm4b:s2+s15], $0x80, s17, s15, $0xb8;
	[tilespmem:$0x1AA00] =	vst v63  }
0x4a: {  	_ =	swait.ge [sflag:s20], $0x3200  }
0x4b: {  	[sflag:s20] =	ssyncset.done $0x0  }
0x4c: {  	[sflag:s20] =	ssyncadd.s32 $0xFFFFCE00  }
0x4d: {  	[spmem:s3] =	stream.indirect.scatter.add.f32 [tilespmem:s16], [sflag:$0x5], $0x80, s21, s15, $0xb8;
	[tilespmem:$0x1AA00] =	vst v63  }
0x4e: {  	_ =	swait.ge [sflag:s13], $0x3200  }
0x4f: {  	[sflag:s13] =	ssyncset.done $0x0  }
0x50: {  	[sflag:s13] =	ssyncadd.s32 $0xFFFFCE00  }
0x51: {  	_ =	swait.ge [sflag:s22], $0x3200  }
0x52: {  	[sflag:s22] =	ssyncset.done $0x0  }
0x53: {  	[sflag:s22] =	ssyncadd.s32 $0xFFFFCE00  }
0x54: {  	[spmem:s3] =	stream.indirect.scatter.add.f32 [tilespmem:s19], [sflag:$0x5], $0x80, s23, s15, $0xb8;
	[tilespmem:$0x1AA00] =	vst v63  }
0x55: {  	_ =	swait.ge [sflag:s13], $0x3200  }
0x56: {  	s25 =	sadd.s32 $0x1, s25;
	[sflag:s13] =	ssyncset.done $0x0  }
0x57: {  	p0 =	sne.s32 s25, s10;
	[sflag:s13] =	ssyncadd.s32 $0xFFFFCE00  }
.Ltmp1:
0x58: {  	[bflag:$0x0] =	sbarrier.arrive $0xFFFF;
	(pc) =	sbr.rel @p0 .LBB2_1-.Ltmp1, $4  }
0x59: {  	[hbm:s9], [sflag:s7] =	dma.local [spmem:s12], $0x2800  }
0x5a: {  	_ =	swait.ge [sflag:s13], $0x2800  }
0x5b: {  	[sflag:s13] =	ssyncset.done $0x0  }
0x5c: {  	[sflag:s13] =	ssyncadd.s32 $0xFFFFD800  }
0x5d: {  	_ =	sfence.sel $0x180000  }
0x5e: {  	[bflag:$0x0] =	sbarrier.arrive $0xFFFF  }
0x5f: {  	p0 =	sne.s32 s1, $0x0;
	_ =	strace $0x90000047  }
0x60: {  	s0 =	sadd.s32 @!p0 $0x100000, s0;
	[bflag:$0x2] =	sbarrier.arrive $0xFFFF  }
0x61: {  	[sflag:s0] =	ssyncadd.tile.s32 @!p0 $0x1;
	_ =	shalt  }
.Lfunc_end2:
_tile_overlayer_lowered:
.L_overlay_start_2:
0x62: {  	(tag) =	ssettag $0x2  }
0x63: {  	s0 =	rddreg [dreg:$0x0];
	s2 =	stileid.u32  }
0x64: {  	s1 =	rddreg [dreg:$0x1];
	p0 =	sne.s32 s2, $0x0  }
0x65: {  	s3 =	rddreg [dreg:$0x2];
	[bflag:$0x3] =	sbarrier.arrive $0xFFFF;
	s2 =	simm.s32 @!p0 $0x1C05  }
0x66: {  	[timem:s3], [sflag:s2] =	dma.local @!p0 [hbm:s0], s1  }
0x67: {  	s0 =	simm.s32 @!p0 $0x5  }
0x68: {  	_ =	swait.ge @!p0 [sflag:s0], s1  }
0x69: {  	s1 =	ssub.s32 @!p0 $0x0, s1;
	[sflag:s0] =	ssyncset.done @!p0 $0x0  }
0x6a: {  	[sflag:s0] =	ssyncadd.s32 @!p0 s1  }
0x6b: {  	[bflag:$0x3] =	sbarrier.arrive $0xFFFF  }
0x6c: {  	_ =	shalt  }

// kernel: kernel.18.cloned.1.call-start
scs
__scs_entry_jumppad:
0x0: {  	(pc) =	sbr.rel $0x88, $3  }
0x1: {  	(tag) =	ssettag $0x0;
	lr =	simm.s32 $0x1  }
0x2: {  	[smem:$0x3F96] =	sst lr;
	_ =	strace $0xD0000000  }
0x3: {  	_ = 	snop  }
0x4: {  	_ = 	snop  }
0x5: {  	_ = 	snop  }
0x6: {  	_ = 	snop  }
0x7: {  	_ = 	snop  }
__scs_overlays_trampoline_lowered:
0x8: {  	[smem:$0x3FA5] =	sst s0  }
0x9: {  	[smem:$0x3FA6] =	sst s1  }
0xa: {  	[smem:$0x3FA7] =	sst s2  }
0xb: {  	[smem:$0x3FA8] =	sst s3  }
0xc: {  	[smem:$0x3FA9] =	sst s4  }
0xd: {  	[smem:$0x3FAA] =	sst s5  }
0xe: {  	[smem:$0x3FAB] =	sst s6  }
0xf: {  	[smem:$0x3FAC] =	sst s7  }
0x10: {  	[smem:$0x3FAD] =	sst s8  }
0x11: {  	[smem:$0x3FAE] =	sst s9;
	s0 =	simm.s32 @!p0 $0x0  }
0x12: {  	s1 =	sld [smem:$0x3F94];
	s0 =	simm.s32 @p0 $0x1  }
0x13: {  	[smem:$0x3FAF] =	sst s0;
	s0 =	simm.s32 @!p1 $0x0  }
0x14: {  	s2 =	sld [smem:$0x3F93];
	s0 =	simm.s32 @p1 $0x1  }
0x15: {  	[smem:$0x3FB0] =	sst s0;
	s0 =	simm.s32 @!p2 $0x0  }
0x16: {  	s3 =	sld [smem:$0x3FDB];
	s0 =	simm.s32 @p2 $0x1  }
0x17: {  	s4 =	simm.s32 $0x1BF5;
	[smem:$0x3FB2] =	sst s0  }
0x18: {  	s0 =	sld [smem:$0x3F95];
	_ =	swait.ge [sflag:s4], $0x0  }
0x19: {  	s7 =	sld [smem:$0x3F96]  }
0x1a: {  	s8 =	sadd.s32 $0xFFFFE003, lr  }
0x1b: {  	s9 =	sadd.s32 $0xFFFFFEF7, lr;
	s5 =	simm.s32 $0xFFFFFFFF;
	p2 =	slt.u32 s8, $0xFFFFF086  }
0x1c: {  	p1 =	slt.u32 s9, $0xF7A;
	s5 =	simm.s32 @!p2 $0x0  }
0x1d: {  	s5 =	simm.s32 @p1 $0x1;
	p0 =	seq.s32 s7, s2  }
0x1e: {  	s7 =	smul.u32 @!p0 $0xF7A, s2;
	p2 =	seq.s32 @!p0 s5, $0x0  }
0x1f: {  	s9 =	smul.u32 $0xF7A, s1;
	s8 =	simm.s32 @!p0 $0x1BF5;
	p2 =	por !p2, p0  }
0x20: {  	[sflag:s8] =	ssyncset.s32 @!p0 $0xFFFFF086;
	s6 =	sadd.s32 @!p0 s3, s7;
	s7 =	simm.s32 @!p0 $0x108  }
0x21: {  	s3 =	sadd.s32 s3, s9;
	s6 =	sadd.s32 @!p0 $0x88, s6;
	s7 =	simm.s32 @p2 $0x1082  }
0x22: {  	[simem:s7], [sflag:s8] =	dma.local @!p0 [hbm:s6], $0xF7A  }
0x23: {  	s9 =	sor.u32 $0xD0000000, s2;
	s6 =	simm.s32 $0x108;
	_ =	swait.ge @!p0 [sflag:s8], $0x0  }
0x24: {  	s3 =	sadd.s32 $0x88, s3;
	s6 =	simm.s32 @!p1 $0x1082;
	[sflag:s4] =	ssyncset.s32 $0xFFFFF086  }
0x25: {  	[simem:s6], [sflag:s4] =	dma.local [hbm:s3], $0xF7A  }
0x26: {  	[smem:$0x3F96] =	sst s1;
	(tag) =	ssettag s2;
	_ =	strace s9  }
0x27: {  	s1 =	sld [smem:$0x3FA6]  }
0x28: {  	s2 =	sld [smem:$0x3FA7]  }
0x29: {  	s4 =	sld [smem:$0x3FA9]  }
0x2a: {  	p0 =	seq.s32 s5, $0x0;
	s5 =	sld [smem:$0x3FAA]  }
0x2b: {  	s6 =	sld [smem:$0x3FAB]  }
0x2c: {  	s7 =	sld [smem:$0x3FAC]  }
0x2d: {  	s3 =	simm.s32 $0x108;
	s8 =	sld [smem:$0x3FAD]  }
0x2e: {  	s3 =	simm.s32 @!p0 $0x1082;
	s9 =	sld [smem:$0x3FAE]  }
0x2f: {  	lr =	sadd.s32 s0, s3;
	s0 =	sld [smem:$0x3FA5]  }
0x30: {  	s3 =	sld [smem:$0x3FA8]  }
0x31: {  	[smem:$0x3FB1] =	sst s10  }
0x32: {  	s10 =	sld [smem:$0x3FAF];
	_ =	sdelay $0x3  }
0x33: {  	p0 =	seq.s32 s10, $0x1;
	s10 =	sld [smem:$0x3FB1];
	_ =	sdelay $0x3  }
0x34: {  	[smem:$0x3FB1] =	sst s10  }
0x35: {  	s10 =	sld [smem:$0x3FB0];
	_ =	sdelay $0x3  }
0x36: {  	p1 =	seq.s32 s10, $0x1;
	s10 =	sld [smem:$0x3FB1];
	_ =	sdelay $0x3  }
0x37: {  	[smem:$0x3FB1] =	sst s10  }
0x38: {  	s10 =	sld [smem:$0x3FB2]  }
0x39: {  	_ = 	snop;
	(pc) =	sbr.ind lr, $3  }
0x3a: {  	_ = 	snop  }
0x3b: {  	_ = 	snop  }
0x3c: {  	p2 =	seq.s32 s10, $0x1;
	s10 =	sld [smem:$0x3FB1]  }
0x3d: {  	_ =	shalt  }
0x3e: {  	_ =	shalt  }
0x3f: {  	_ =	shalt  }
0x40: {  	_ =	shalt  }
0x41: {  	_ =	shalt  }
0x42: {  	_ =	shalt  }
0x43: {  	_ =	shalt  }
0x44: {  	_ =	shalt  }
0x45: {  	_ =	shalt  }
0x46: {  	_ =	shalt  }
0x47: {  	_ =	shalt  }
0x48: {  	_ =	shalt  }
0x49: {  	_ =	shalt  }
0x4a: {  	_ =	shalt  }
0x4b: {  	_ =	shalt  }
0x4c: {  	_ =	shalt  }
0x4d: {  	_ =	shalt  }
0x4e: {  	_ =	shalt  }
0x4f: {  	_ =	shalt  }
0x50: {  	_ =	shalt  }
0x51: {  	_ =	shalt  }
0x52: {  	_ =	shalt  }
0x53: {  	_ =	shalt  }
0x54: {  	_ =	shalt  }
0x55: {  	_ =	shalt  }
0x56: {  	_ =	shalt  }
0x57: {  	_ =	shalt  }
0x58: {  	_ =	shalt  }
0x59: {  	_ =	shalt  }
0x5a: {  	_ =	shalt  }
0x5b: {  	_ =	shalt  }
0x5c: {  	_ =	shalt  }
0x5d: {  	_ =	shalt  }
0x5e: {  	_ =	shalt  }
0x5f: {  	_ =	shalt  }
0x60: {  	_ =	shalt  }
0x61: {  	_ =	shalt  }
0x62: {  	_ =	shalt  }
0x63: {  	_ =	shalt  }
0x64: {  	_ =	shalt  }
0x65: {  	_ =	shalt  }
0x66: {  	_ =	shalt  }
0x67: {  	_ =	shalt  }
0x68: {  	_ =	shalt  }
0x69: {  	_ =	shalt  }
0x6a: {  	_ =	shalt  }
0x6b: {  	_ =	shalt  }
0x6c: {  	_ =	shalt  }
0x6d: {  	_ =	shalt  }
0x6e: {  	_ =	shalt  }
0x6f: {  	_ =	shalt  }
0x70: {  	_ =	shalt  }
0x71: {  	_ =	shalt  }
0x72: {  	_ =	shalt  }
0x73: {  	_ =	shalt  }
0x74: {  	_ =	shalt  }
0x75: {  	_ =	shalt  }
0x76: {  	_ =	shalt  }
0x77: {  	_ =	shalt  }
0x78: {  	_ =	shalt  }
0x79: {  	_ =	shalt  }
0x7a: {  	_ =	shalt  }
0x7b: {  	_ =	shalt  }
0x7c: {  	_ =	shalt  }
0x7d: {  	_ =	shalt  }
0x7e: {  	_ =	shalt  }
0x7f: {  	_ =	shalt  }
0x80: {  	_ =	shalt  }
0x81: {  	_ =	shalt  }
0x82: {  	_ =	shalt  }
0x83: {  	_ =	shalt  }
0x84: {  	_ =	shalt  }
0x85: {  	_ =	shalt  }
0x86: {  	_ =	shalt  }
0x87: {  	_ =	shalt  }
.Lfunc_end0:
.L_simem_size_0:
called_computation.2_lowered:
.L_overlay_start_0:
0x88: {  	s2 =	sld [smem:$0x3FD9]  }
0x89: {  	s3 =	sld [smem:$0x3FFE];
	_ =	sdelay $0x1  }
0x8a: {  	s1 =	srdreg.scid  }
0x8b: {  	s0 =	sand.u32 $0x1, s1  }
0x8c: {  	s16 =	sshll.u32 s0, $0xA;
	s2 =	sadd.s32 s3, s2  }
0x8d: {  	s2 =	sadd.s32 s2, s16  }
0x8e: {  	[smem:$0x3FBD] =	sst s2  }
0x8f: {  	_ = 	snop  }
0x90: {  	(tm) =	ssettm $0x1  }
0x91: {  	s17 =	sld [smem:$0x3FFB];
	_ =	sdelay $0x3  }
0x92: {  	_ =	strace s17  }
0x93: {  	s2 =	sld [smem:$0x3FFC];
	_ =	sdelay $0x3  }
0x94: {  	_ =	strace s2  }
0x95: {  	s2 =	sld [smem:$0x3FFD];
	_ =	sdelay $0x3  }
0x96: {  	_ =	strace s2  }
0x97: {  	_ =	strace $0x8FFFFFFF  }
0x98: {  	s18 =	sld [smem:$0x3FDB];
	_ =	sdelay $0x1  }
0x99: {  	s19 =	simm.s32 $_scs_section_size  }
0x9a: {  	s4 =	simm.s32 $_size__tile_overlayer_lowered;
	s5 =	simm.s32 $_tile_overlayer_lowered  }
0x9b: {  	s22 =	simm.s32 $0x1BFF;
	s21 =	sshll.u32 s5, $0x1;
	s2 =	sadd.s32 s19, s18  }
0x9c: {  	s6 =	simm.s32 $0x0;
	s20 =	sshll.u32 s4, $0x1;
	s4 =	sadd.s32 s21, s2  }
0x9d: {  	[timem:s6], [sflag:s22] =	dma.local [hbm:s4], s20  }
0x9e: {  	_ =	swait.ge [sflag:s22], s20  }
0x9f: {  	s3 =	ssub.s32 $0x0, s20;
	[sflag:s22] =	ssyncset.done $0x0  }
0xa0: {  	[sflag:s22] =	ssyncadd.s32 s3;
	_ =	sdelay $0x1  }
0xa1: {  	s23 =	simm.s32 $0x1B8B  }
0xa2: {  	_ =	swait.ge [sflag:s23], $0x1  }
0xa3: {  	[sflag:s23] =	ssyncset.done $0x0  }
0xa4: {  	s25 =	simm.s32 $0x1B8E;
	s24 =	sld [smem:$0x3FFE];
	[sflag:s23] =	ssyncadd.s32 $0xFFFFFFFF  }
0xa5: {  	s26 =	simm.s32 $execute0_lowered;
	[smem:$0x3FD2] =	sst s25  }
0xa6: {  	s4 =	sshll.u32 s26, $0x1;
	_ =	strace $0x8000004C;
	[dreg:$0x1] =	wrdreg $0xFFFFFFFF  }
0xa7: {  	s28 =	simm.s32 $_size_execute0_lowered;
	s2 =	sadd.s32 s2, s4;
	[dreg:$0x0] =	wrdreg $0x0  }
0xa8: {  	s4 =	sshll.u32 s28, $0x1;
	[dreg:$0x2] =	wrdreg s2  }
0xa9: {  	[dreg:$0x3] =	wrdreg s4  }
0xaa: {  	[dreg:$0x4] =	wrdreg $0xC0  }
0xab: {  	_ =	task [dreg:s6], $0x5FFFF  }
0xac: {  	[dreg:$0x1] =	wrdreg $0xFFFFFFFF  }
0xad: {  	[dreg:$0x0] =	wrdreg $0x60  }
0xae: {  	[dreg:$0x2] =	wrdreg s24  }
0xaf: {  	[dreg:$0x3] =	wrdreg $0x0  }
0xb0: {  	[dreg:$0x4] =	wrdreg $0x9  }
0xb1: {  	_ =	task.clear_ibuf [dreg:s6], $0x5FFFF;
	_ =	strace $0x9000004C  }
0xb2: {  	s29 =	simm.s32 $0x9;
	_ =	strace $0x8000004E  }
0xb3: {  	_ =	swait.ge [sflag:s29], $0x1  }
0xb4: {  	[sflag:s29] =	ssyncadd.s32 $0xFFFFFFFF  }
0xb5: {  	_ =	strace $0x9000004E  }
0xb6: {  	_ =	sfence  }
0xb7: {  	s30 =	sld [smem:$0x0];
	_ =	sdelay $0x2  }
0xb8: {  	s31 =	sshll.u32 s1, $0xD;
	s1 =	sshrl.u32 s1, $0x2  }
0xb9: {  	s3 =	sand.u32 $0x4000, s31;
	s1 =	sadd.s32 s1, s30  }
0xba: {  	s0 =	sor.u32 s3, s0;
	s1 =	sshll.u32 s1, $0x11  }
0xbb: {  	s0 =	sor.u32 s1, s0  }
0xbc: {  	s0 =	sadd.s32 $0x8F2B, s0  }
0xbd: {  	[sflag:s0] =	ssyncadd.remote.s32 $0x1  }
0xbe: {  	_ =	sfence.sel $0xFFFF  }
0xbf: {  	[dreg:$0x0] =	wrdreg $0xFFFFFFFF;
	(pc) =	sbr.abs _section_cstart, $3  }
0xc0: {  	[dreg:$0x1] =	wrdreg $0xFFFFFFFF  }
0xc1: {  	_ =	task.clear_ibuf [dreg:s6], $0x2FFFF;
	_ =	strace $0x9FFFFFFF  }
0xc2: {  	(tm) =	ssettm $0x7FFFFFFF  }
0xc3: {  	_ =	shalt  }
tec
execute0_lowered:
.L_overlay_start_1:
0x0: {  	(tag) =	ssettag $0x1  }
0x1: {  	s5 =	rddreg [dreg:$0x0]  }
0x2: {  	s2 =	rddreg [dreg:$0x1]  }
0x3: {  	s0 =	rddreg [dreg:$0x2];
	s3 =	simm.s32 $0x0  }
0x4: {  	s1 =	stileid.u32;
	s4 =	srdreg.scid;
	s16 =	simm.s32 $0x14200  }
0x5: {  	s17 =	simm.s32 $0x14100;
	s18 =	simm.s32 $0x4;
	s19 =	simm.s32 $0x17600  }
0x6: {  	s20 =	simm.s32 $0x1;
	s21 =	simm.s32 $0x14080;
	s22 =	simm.s32 $0x2  }
0x7: {  	s23 =	simm.s32 $0x14180;
	[smem:$0x7FF] =	sst s3;
	s6 =	smul.u32 $0x14000, s1  }
0x8: {  	s7 =	sand.u32 $0x1, s4;
	s11 =	sadd.s32 $0x3000, s5;
	s24 =	smul.u32 $0x50000, s1  }
0x9: {  	s4 =	sadd.s32 $0x44000, s5;
	s28 =	smul.u32 $0x6400, s1;
	s30 =	sshll.u32 s1, $0x6  }
0xa: {  	_ =	strace $0x8000004D;
	s9 =	smul.u32 $0x140000, s7;
	s10 =	sshll.u32 s7, $0x4  }
0xb: {  	s12 =	ssub.s32 $0x2, s7;
	s7 =	smul.u32 $0x64000, s7;
	s8 =	sshrl.u32 s6, $0x3  }
0xc: {  	s10 =	sor.u32 s1, s10;
	s25 =	sshrl.u32 s12, $0x1;
	s26 =	sshrl.u32 s24, $0x2  }
0xd: {  	s24 =	simm.s32 $0x3;
	s8 =	sadd.s32 s8, s5;
	s6 =	sadd.s32 s6, s9  }
0xe: {  	s10 =	smul.u32 $0x6400, s10;
	s12 =	ssub.s32 s12, s25;
	s14 =	sadd.s32 s26, s2  }
0xf: {  	s9 =	sadd.s32 s28, s7;
	s7 =	sor.u32 $0x1C05, s30;
	s6 =	sshrl.u32 s6, $0x3  }
0x10: {  	s25 =	simm.s32 $0x0;
	s15 =	sor.u32 $0x200, s9;
	s13 =	sadd.s32 s6, s5  }
0x11: {  	s5 =	sadd.s32 $0x1C000, s8;
	s29 =	sshrl.u32 s10, $0x3;
	s10 =	smax.u32 s12, $0x1  }
0x12: {  	s31 =	sshrl.u32 s15, $0x3;
	s12 =	sshrl.u32 s14, $0x3;
	s14 =	simm.s32 $0x14000  }
0x13: {  	s15 =	simm.s32 $0x64;
	s6 =	sadd.s32 s11, s29;
	s9 =	sadd.s32 $0xF1000, s13  }
0x14: {  	s11 =	sadd.s32 s31, s11;
	s13 =	simm.s32 $0x5;
	s8 =	sadd.s32 $0x20, s6  }
.LBB2_1:
0x15: {  	[spmem:s12], [sflag:s7] =	dma.local [hbm:s5], $0x2800  }
0x16: {  	_ =	swait.ge [sflag:s13], $0x2800  }
0x17: {  	[sflag:s13] =	ssyncset.done $0x0  }
0x18: {  	[sflag:s13] =	ssyncadd.s32 $0xFFFFD800  }
0x19: {  	[bflag:$0x0] =	sbarrier.arrive $0xFFFF  }
0x1a: {  	[tilespmem:s14], [sflag:$0x5] =	stream.linear.gather [hbm4b:s6+s3], $0x100, $0x38;
	[tilespmem:$0x1AA00] =	vst v63  }
0x1b: {  	_ =	swait.ge [sflag:s13], $0x100  }
0x1c: {  	[sflag:s13] =	ssyncset.done $0x0  }
0x1d: {  	[sflag:s13] =	ssyncadd.s32 $0xFFFFFF00  }
0x1e: {  	[tilespmem:s16], [sflag:$0x1] =	stream.indirect.gather [hbm4b:s4+s15], $0x80, s14, s15, $0xb8;
	[tilespmem:$0x1AA00] =	vst v63  }
0x1f: {  	s26 =	smov.u32 s11;
	s28 =	simm.s32 $0x0  }
0x20: {  	[tilespmem:s17], [sflag:$0x4] =	stream.linear.gather [hbm4b:s8+s3], $0x100, $0x38;
	[tilespmem:$0x1AA00] =	vst v63  }
.LBB2_2:
0x21: {  	s29 =	sand.u32 $0x1, s28  }
0x22: {  	p0 =	seq.s32 s29, $0x1  }
0x23: {  	s29 =	simm.s32 @!p0 $0x4  }
0x24: {  	_ =	swait.ge @!p0 [sflag:s29], $0x100  }
0x25: {  	s30 =	simm.s32 @!p0 $0x14100;
	[sflag:s29] =	ssyncset.done @!p0 $0x0  }
0x26: {  	s31 =	simm.s32 @!p0 $0x17600;
	[sflag:s29] =	ssyncadd.s32 @!p0 $0xFFFFFF00;
	s29 =	simm.s32 @!p0 $0x64  }
0x27: {  	[tilespmem:s31], [sflag:$0x2] =	stream.indirect.gather @!p0 [hbm4b:s4+s29], $0x80, s30, s29, $0xb8;
	[tilespmem:$0x1AA00] =	vst v63  }
0x28: {  	s30 =	simm.s32 @!p0 $0x1  }
0x29: {  	_ =	swait.ge @!p0 [sflag:s30], $0x3200  }
0x2a: {  	[sflag:s30] =	ssyncset.done @!p0 $0x0  }
0x2b: {  	s31 =	simm.s32 @!p0 $0x14200;
	[sflag:s30] =	ssyncadd.s32 @!p0 $0xFFFFCE00;
	s30 =	simm.s32 @!p0 $0x14080  }
0x2c: {  	[spmem:s2] =	stream.indirect.scatter.add.f32 @!p0 [tilespmem:s31], [sflag:$0x5], $0x80, s30, s29, $0xb8;
	[tilespmem:$0x1AA00] =	vst v63  }
0x2d: {  	s29 =	simm.s32 @!p0 $0x5  }
0x2e: {  	_ =	swait.ge @!p0 [sflag:s29], $0x3200  }
0x2f: {  	[sflag:s29] =	ssyncset.done @!p0 $0x0  }
0x30: {  	s30 =	simm.s32 @!p0 $0x14000;
	[sflag:s29] =	ssyncadd.s32 @!p0 $0xFFFFCE00;
	s29 =	simm.s32 @!p0 $0x0  }
0x31: {  	[tilespmem:s30], [sflag:$0x3] =	stream.linear.gather @!p0 [hbm4b:s26+s29], $0x100, $0x38;
	[tilespmem:$0x1AA00] =	vst v63  }
0x32: {  	s29 =	sand.u32 @!p0 $0x1, s28  }
0x33: {  	p1 =	seq.s32 @!p0 s29, $0x0  }
0x34: {  	p0 =	por p0, !p1  }
0x35: {  	_ =	swait.ge @p0 [sflag:s24], $0x100  }
0x36: {  	[sflag:s24] =	ssyncset.done @p0 $0x0  }
0x37: {  	[sflag:s24] =	ssyncadd.s32 @p0 $0xFFFFFF00  }
0x38: {  	[tilespmem:s16], [sflag:$0x1] =	stream.indirect.gather @p0 [hbm4b:s4+s15], $0x80, s14, s15, $0xb8;
	[tilespmem:$0x1AA00] =	vst v63  }
0x39: {  	_ =	swait.ge @p0 [sflag:s22], $0x3200  }
0x3a: {  	[sflag:s22] =	ssyncset.done @p0 $0x0  }
0x3b: {  	[sflag:s22] =	ssyncadd.s32 @p0 $0xFFFFCE00  }
0x3c: {  	[spmem:s2] =	stream.indirect.scatter.add.f32 @p0 [tilespmem:s19], [sflag:$0x5], $0x80, s23, s15, $0xb8;
	[tilespmem:$0x1AA00] =	vst v63  }
0x3d: {  	_ =	swait.ge @p0 [sflag:s13], $0x3200  }
0x3e: {  	[sflag:s13] =	ssyncset.done @p0 $0x0  }
0x3f: {  	s28 =	sadd.s32 $0x1, s28;
	[sflag:s13] =	ssyncadd.s32 @p0 $0xFFFFCE00  }
0x40: {  	[tilespmem:s17], [sflag:$0x4] =	stream.linear.gather @p0 [hbm4b:s26+s3], $0x100, $0x38;
	[tilespmem:$0x1AA00] =	vst v63  }
0x41: {  	p0 =	sne.s32 s28, $0x62  }
.Ltmp0:
0x42: {  	_ = 	snop;
	(pc) =	sbr.rel @p0 .LBB2_2-.Ltmp0, $2  }
0x43: {  	_ =	sdelay $0x2  }
0x44: {  	s26 =	sadd.s32 $0x20, s26  }
0x45: {  	_ =	swait.ge [sflag:s18], $0x100  }
0x46: {  	[sflag:s18] =	ssyncset.done $0x0  }
0x47: {  	[sflag:s18] =	ssyncadd.s32 $0xFFFFFF00  }
0x48: {  	[tilespmem:s19], [sflag:$0x2] =	stream.indirect.gather [hbm4b:s4+s15], $0x80, s17, s15, $0xb8;
	[tilespmem:$0x1AA00] =	vst v63  }
0x49: {  	_ =	swait.ge [sflag:s20], $0x3200  }
0x4a: {  	[sflag:s20] =	ssyncset.done $0x0  }
0x4b: {  	[sflag:s20] =	ssyncadd.s32 $0xFFFFCE00  }
0x4c: {  	[spmem:s2] =	stream.indirect.scatter.add.f32 [tilespmem:s16], [sflag:$0x5], $0x80, s21, s15, $0xb8;
	[tilespmem:$0x1AA00] =	vst v63  }
0x4d: {  	_ =	swait.ge [sflag:s13], $0x3200  }
0x4e: {  	[sflag:s13] =	ssyncset.done $0x0  }
0x4f: {  	[sflag:s13] =	ssyncadd.s32 $0xFFFFCE00  }
0x50: {  	_ =	swait.ge [sflag:s22], $0x3200  }
0x51: {  	[sflag:s22] =	ssyncset.done $0x0  }
0x52: {  	[sflag:s22] =	ssyncadd.s32 $0xFFFFCE00  }
0x53: {  	[spmem:s2] =	stream.indirect.scatter.add.f32 [tilespmem:s19], [sflag:$0x5], $0x80, s23, s15, $0xb8;
	[tilespmem:$0x1AA00] =	vst v63  }
0x54: {  	_ =	swait.ge [sflag:s13], $0x3200  }
0x55: {  	s25 =	sadd.s32 $0x1, s25;
	[sflag:s13] =	ssyncset.done $0x0  }
0x56: {  	p0 =	sne.s32 s25, s10;
	[sflag:s13] =	ssyncadd.s32 $0xFFFFCE00  }
.Ltmp1:
0x57: {  	[bflag:$0x0] =	sbarrier.arrive $0xFFFF;
	(pc) =	sbr.rel @p0 .LBB2_1-.Ltmp1, $4  }
0x58: {  	[hbm:s9], [sflag:s7] =	dma.local [spmem:s12], $0x2800  }
0x59: {  	_ =	swait.ge [sflag:s13], $0x2800  }
0x5a: {  	[sflag:s13] =	ssyncset.done $0x0  }
0x5b: {  	[sflag:s13] =	ssyncadd.s32 $0xFFFFD800  }
0x5c: {  	_ =	sfence.sel $0x180000  }
0x5d: {  	[bflag:$0x0] =	sbarrier.arrive $0xFFFF  }
0x5e: {  	p0 =	sne.s32 s1, $0x0;
	_ =	strace $0x9000004D  }
0x5f: {  	s0 =	sadd.s32 @!p0 $0x100000, s0;
	[bflag:$0x2] =	sbarrier.arrive $0xFFFF  }
0x60: {  	[sflag:s0] =	ssyncadd.tile.s32 @!p0 $0x1;
	_ =	shalt  }
.Lfunc_end2:
_tile_overlayer_lowered:
.L_overlay_start_2:
0x61: {  	(tag) =	ssettag $0x2  }
0x62: {  	s0 =	rddreg [dreg:$0x0];
	s2 =	stileid.u32  }
0x63: {  	s1 =	rddreg [dreg:$0x1];
	p0 =	sne.s32 s2, $0x0  }
0x64: {  	s3 =	rddreg [dreg:$0x2];
	[bflag:$0x3] =	sbarrier.arrive $0xFFFF;
	s2 =	simm.s32 @!p0 $0x1C05  }
0x65: {  	[timem:s3], [sflag:s2] =	dma.local @!p0 [hbm:s0], s1  }
0x66: {  	s0 =	simm.s32 @!p0 $0x5  }
0x67: {  	_ =	swait.ge @!p0 [sflag:s0], s1  }
0x68: {  	s1 =	ssub.s32 @!p0 $0x0, s1;
	[sflag:s0] =	ssyncset.done @!p0 $0x0  }
0x69: {  	[sflag:s0] =	ssyncadd.s32 @!p0 s1  }
0x6a: {  	[bflag:$0x3] =	sbarrier.arrive $0xFFFF  }
0x6b: {  	_ =	shalt  }

// kernel: kernel.21.cloned.1.call-start
scs
__scs_entry_jumppad:
0x0: {  	(pc) =	sbr.rel $0x88, $3  }
0x1: {  	(tag) =	ssettag $0x0;
	lr =	simm.s32 $0x1  }
0x2: {  	[smem:$0x3F96] =	sst lr;
	_ =	strace $0xD0000000  }
0x3: {  	_ = 	snop  }
0x4: {  	_ = 	snop  }
0x5: {  	_ = 	snop  }
0x6: {  	_ = 	snop  }
0x7: {  	_ = 	snop  }
__scs_overlays_trampoline_lowered:
0x8: {  	[smem:$0x3FA5] =	sst s0  }
0x9: {  	[smem:$0x3FA6] =	sst s1  }
0xa: {  	[smem:$0x3FA7] =	sst s2  }
0xb: {  	[smem:$0x3FA8] =	sst s3  }
0xc: {  	[smem:$0x3FA9] =	sst s4  }
0xd: {  	[smem:$0x3FAA] =	sst s5  }
0xe: {  	[smem:$0x3FAB] =	sst s6  }
0xf: {  	[smem:$0x3FAC] =	sst s7  }
0x10: {  	[smem:$0x3FAD] =	sst s8  }
0x11: {  	[smem:$0x3FAE] =	sst s9;
	s0 =	simm.s32 @!p0 $0x0  }
0x12: {  	s1 =	sld [smem:$0x3F94];
	s0 =	simm.s32 @p0 $0x1  }
0x13: {  	[smem:$0x3FAF] =	sst s0;
	s0 =	simm.s32 @!p1 $0x0  }
0x14: {  	s2 =	sld [smem:$0x3F93];
	s0 =	simm.s32 @p1 $0x1  }
0x15: {  	[smem:$0x3FB0] =	sst s0;
	s0 =	simm.s32 @!p2 $0x0  }
0x16: {  	s3 =	sld [smem:$0x3FDB];
	s0 =	simm.s32 @p2 $0x1  }
0x17: {  	s4 =	simm.s32 $0x1BF5;
	[smem:$0x3FB2] =	sst s0  }
0x18: {  	s0 =	sld [smem:$0x3F95];
	_ =	swait.ge [sflag:s4], $0x0  }
0x19: {  	s7 =	sld [smem:$0x3F96]  }
0x1a: {  	s8 =	sadd.s32 $0xFFFFE003, lr  }
0x1b: {  	s9 =	sadd.s32 $0xFFFFFEF7, lr;
	s5 =	simm.s32 $0xFFFFFFFF;
	p2 =	slt.u32 s8, $0xFFFFF086  }
0x1c: {  	p1 =	slt.u32 s9, $0xF7A;
	s5 =	simm.s32 @!p2 $0x0  }
0x1d: {  	s5 =	simm.s32 @p1 $0x1;
	p0 =	seq.s32 s7, s2  }
0x1e: {  	s7 =	smul.u32 @!p0 $0xF7A, s2;
	p2 =	seq.s32 @!p0 s5, $0x0  }
0x1f: {  	s9 =	smul.u32 $0xF7A, s1;
	s8 =	simm.s32 @!p0 $0x1BF5;
	p2 =	por !p2, p0  }
0x20: {  	[sflag:s8] =	ssyncset.s32 @!p0 $0xFFFFF086;
	s6 =	sadd.s32 @!p0 s3, s7;
	s7 =	simm.s32 @!p0 $0x108  }
0x21: {  	s3 =	sadd.s32 s3, s9;
	s6 =	sadd.s32 @!p0 $0x88, s6;
	s7 =	simm.s32 @p2 $0x1082  }
0x22: {  	[simem:s7], [sflag:s8] =	dma.local @!p0 [hbm:s6], $0xF7A  }
0x23: {  	s9 =	sor.u32 $0xD0000000, s2;
	s6 =	simm.s32 $0x108;
	_ =	swait.ge @!p0 [sflag:s8], $0x0  }
0x24: {  	s3 =	sadd.s32 $0x88, s3;
	s6 =	simm.s32 @!p1 $0x1082;
	[sflag:s4] =	ssyncset.s32 $0xFFFFF086  }
0x25: {  	[simem:s6], [sflag:s4] =	dma.local [hbm:s3], $0xF7A  }
0x26: {  	[smem:$0x3F96] =	sst s1;
	(tag) =	ssettag s2;
	_ =	strace s9  }
0x27: {  	s1 =	sld [smem:$0x3FA6]  }
0x28: {  	s2 =	sld [smem:$0x3FA7]  }
0x29: {  	s4 =	sld [smem:$0x3FA9]  }
0x2a: {  	p0 =	seq.s32 s5, $0x0;
	s5 =	sld [smem:$0x3FAA]  }
0x2b: {  	s6 =	sld [smem:$0x3FAB]  }
0x2c: {  	s7 =	sld [smem:$0x3FAC]  }
0x2d: {  	s3 =	simm.s32 $0x108;
	s8 =	sld [smem:$0x3FAD]  }
0x2e: {  	s3 =	simm.s32 @!p0 $0x1082;
	s9 =	sld [smem:$0x3FAE]  }
0x2f: {  	lr =	sadd.s32 s0, s3;
	s0 =	sld [smem:$0x3FA5]  }
0x30: {  	s3 =	sld [smem:$0x3FA8]  }
0x31: {  	[smem:$0x3FB1] =	sst s10  }
0x32: {  	s10 =	sld [smem:$0x3FAF];
	_ =	sdelay $0x3  }
0x33: {  	p0 =	seq.s32 s10, $0x1;
	s10 =	sld [smem:$0x3FB1];
	_ =	sdelay $0x3  }
0x34: {  	[smem:$0x3FB1] =	sst s10  }
0x35: {  	s10 =	sld [smem:$0x3FB0];
	_ =	sdelay $0x3  }
0x36: {  	p1 =	seq.s32 s10, $0x1;
	s10 =	sld [smem:$0x3FB1];
	_ =	sdelay $0x3  }
0x37: {  	[smem:$0x3FB1] =	sst s10  }
0x38: {  	s10 =	sld [smem:$0x3FB2]  }
0x39: {  	_ = 	snop;
	(pc) =	sbr.ind lr, $3  }
0x3a: {  	_ = 	snop  }
0x3b: {  	_ = 	snop  }
0x3c: {  	p2 =	seq.s32 s10, $0x1;
	s10 =	sld [smem:$0x3FB1]  }
0x3d: {  	_ =	shalt  }
0x3e: {  	_ =	shalt  }
0x3f: {  	_ =	shalt  }
0x40: {  	_ =	shalt  }
0x41: {  	_ =	shalt  }
0x42: {  	_ =	shalt  }
0x43: {  	_ =	shalt  }
0x44: {  	_ =	shalt  }
0x45: {  	_ =	shalt  }
0x46: {  	_ =	shalt  }
0x47: {  	_ =	shalt  }
0x48: {  	_ =	shalt  }
0x49: {  	_ =	shalt  }
0x4a: {  	_ =	shalt  }
0x4b: {  	_ =	shalt  }
0x4c: {  	_ =	shalt  }
0x4d: {  	_ =	shalt  }
0x4e: {  	_ =	shalt  }
0x4f: {  	_ =	shalt  }
0x50: {  	_ =	shalt  }
0x51: {  	_ =	shalt  }
0x52: {  	_ =	shalt  }
0x53: {  	_ =	shalt  }
0x54: {  	_ =	shalt  }
0x55: {  	_ =	shalt  }
0x56: {  	_ =	shalt  }
0x57: {  	_ =	shalt  }
0x58: {  	_ =	shalt  }
0x59: {  	_ =	shalt  }
0x5a: {  	_ =	shalt  }
0x5b: {  	_ =	shalt  }
0x5c: {  	_ =	shalt  }
0x5d: {  	_ =	shalt  }
0x5e: {  	_ =	shalt  }
0x5f: {  	_ =	shalt  }
0x60: {  	_ =	shalt  }
0x61: {  	_ =	shalt  }
0x62: {  	_ =	shalt  }
0x63: {  	_ =	shalt  }
0x64: {  	_ =	shalt  }
0x65: {  	_ =	shalt  }
0x66: {  	_ =	shalt  }
0x67: {  	_ =	shalt  }
0x68: {  	_ =	shalt  }
0x69: {  	_ =	shalt  }
0x6a: {  	_ =	shalt  }
0x6b: {  	_ =	shalt  }
0x6c: {  	_ =	shalt  }
0x6d: {  	_ =	shalt  }
0x6e: {  	_ =	shalt  }
0x6f: {  	_ =	shalt  }
0x70: {  	_ =	shalt  }
0x71: {  	_ =	shalt  }
0x72: {  	_ =	shalt  }
0x73: {  	_ =	shalt  }
0x74: {  	_ =	shalt  }
0x75: {  	_ =	shalt  }
0x76: {  	_ =	shalt  }
0x77: {  	_ =	shalt  }
0x78: {  	_ =	shalt  }
0x79: {  	_ =	shalt  }
0x7a: {  	_ =	shalt  }
0x7b: {  	_ =	shalt  }
0x7c: {  	_ =	shalt  }
0x7d: {  	_ =	shalt  }
0x7e: {  	_ =	shalt  }
0x7f: {  	_ =	shalt  }
0x80: {  	_ =	shalt  }
0x81: {  	_ =	shalt  }
0x82: {  	_ =	shalt  }
0x83: {  	_ =	shalt  }
0x84: {  	_ =	shalt  }
0x85: {  	_ =	shalt  }
0x86: {  	_ =	shalt  }
0x87: {  	_ =	shalt  }
.Lfunc_end0:
.L_simem_size_0:
called_computation.3_lowered:
.L_overlay_start_0:
0x88: {  	s2 =	sld [smem:$0x3FD9]  }
0x89: {  	s3 =	sld [smem:$0x3FFE];
	_ =	sdelay $0x1  }
0x8a: {  	s1 =	srdreg.scid  }
0x8b: {  	s0 =	sand.u32 $0x1, s1  }
0x8c: {  	s16 =	sshll.u32 s0, $0xA;
	s2 =	sadd.s32 s3, s2  }
0x8d: {  	s2 =	sadd.s32 s2, s16  }
0x8e: {  	[smem:$0x3FBD] =	sst s2  }
0x8f: {  	_ = 	snop  }
0x90: {  	(tm) =	ssettm $0x1  }
0x91: {  	s17 =	sld [smem:$0x3FFB];
	_ =	sdelay $0x3  }
0x92: {  	_ =	strace s17  }
0x93: {  	s2 =	sld [smem:$0x3FFC];
	_ =	sdelay $0x3  }
0x94: {  	_ =	strace s2  }
0x95: {  	s2 =	sld [smem:$0x3FFD];
	_ =	sdelay $0x3  }
0x96: {  	_ =	strace s2  }
0x97: {  	_ =	strace $0x8FFFFFFF  }
0x98: {  	s18 =	sld [smem:$0x3FDB];
	_ =	sdelay $0x1  }
0x99: {  	s19 =	simm.s32 $_scs_section_size  }
0x9a: {  	s4 =	simm.s32 $_size__tile_overlayer_lowered;
	s5 =	simm.s32 $_tile_overlayer_lowered  }
0x9b: {  	s22 =	simm.s32 $0x1BFF;
	s21 =	sshll.u32 s5, $0x1;
	s2 =	sadd.s32 s19, s18  }
0x9c: {  	s6 =	simm.s32 $0x0;
	s20 =	sshll.u32 s4, $0x1;
	s4 =	sadd.s32 s21, s2  }
0x9d: {  	[timem:s6], [sflag:s22] =	dma.local [hbm:s4], s20  }
0x9e: {  	_ =	swait.ge [sflag:s22], s20  }
0x9f: {  	s3 =	ssub.s32 $0x0, s20;
	[sflag:s22] =	ssyncset.done $0x0  }
0xa0: {  	[sflag:s22] =	ssyncadd.s32 s3;
	_ =	sdelay $0x1  }
0xa1: {  	s23 =	simm.s32 $0x1B8B  }
0xa2: {  	_ =	swait.ge [sflag:s23], $0x1  }
0xa3: {  	[sflag:s23] =	ssyncset.done $0x0  }
0xa4: {  	s25 =	simm.s32 $0x1B8E;
	s24 =	sld [smem:$0x3FFE];
	[sflag:s23] =	ssyncadd.s32 $0xFFFFFFFF  }
0xa5: {  	s26 =	simm.s32 $execute0_lowered;
	[smem:$0x3FD2] =	sst s25  }
0xa6: {  	s4 =	sshll.u32 s26, $0x1;
	_ =	strace $0x8000004F;
	[dreg:$0x1] =	wrdreg $0xFFFFFFFF  }
0xa7: {  	s28 =	simm.s32 $_size_execute0_lowered;
	s2 =	sadd.s32 s2, s4;
	[dreg:$0x0] =	wrdreg $0x0  }
0xa8: {  	s4 =	sshll.u32 s28, $0x1;
	[dreg:$0x2] =	wrdreg s2  }
0xa9: {  	[dreg:$0x3] =	wrdreg s4  }
0xaa: {  	[dreg:$0x4] =	wrdreg $0xC0  }
0xab: {  	_ =	task [dreg:s6], $0x5FFFF  }
0xac: {  	[dreg:$0x1] =	wrdreg $0xFFFFFFFF  }
0xad: {  	[dreg:$0x0] =	wrdreg $0x60  }
0xae: {  	[dreg:$0x2] =	wrdreg s24  }
0xaf: {  	[dreg:$0x3] =	wrdreg $0x0  }
0xb0: {  	[dreg:$0x4] =	wrdreg $0x9  }
0xb1: {  	_ =	task.clear_ibuf [dreg:s6], $0x5FFFF;
	_ =	strace $0x9000004F  }
0xb2: {  	s29 =	simm.s32 $0x9;
	_ =	strace $0x80000051  }
0xb3: {  	_ =	swait.ge [sflag:s29], $0x1  }
0xb4: {  	[sflag:s29] =	ssyncadd.s32 $0xFFFFFFFF  }
0xb5: {  	_ =	strace $0x90000051  }
0xb6: {  	_ =	sfence  }
0xb7: {  	s30 =	sld [smem:$0x0];
	_ =	sdelay $0x2  }
0xb8: {  	s31 =	sshll.u32 s1, $0xD;
	s1 =	sshrl.u32 s1, $0x2  }
0xb9: {  	s3 =	sand.u32 $0x4000, s31;
	s1 =	sadd.s32 s1, s30  }
0xba: {  	s0 =	sor.u32 s3, s0;
	s1 =	sshll.u32 s1, $0x11  }
0xbb: {  	s0 =	sor.u32 s1, s0  }
0xbc: {  	s0 =	sadd.s32 $0x8F2B, s0  }
0xbd: {  	[sflag:s0] =	ssyncadd.remote.s32 $0x1  }
0xbe: {  	_ =	sfence.sel $0xFFFF  }
0xbf: {  	[dreg:$0x0] =	wrdreg $0xFFFFFFFF;
	(pc) =	sbr.abs _section_cstart, $3  }
0xc0: {  	[dreg:$0x1] =	wrdreg $0xFFFFFFFF  }
0xc1: {  	_ =	task.clear_ibuf [dreg:s6], $0x2FFFF;
	_ =	strace $0x9FFFFFFF  }
0xc2: {  	(tm) =	ssettm $0x7FFFFFFF  }
0xc3: {  	_ =	shalt  }
tec
execute0_lowered:
.L_overlay_start_1:
0x0: {  	(tag) =	ssettag $0x1  }
0x1: {  	s5 =	rddreg [dreg:$0x0]  }
0x2: {  	s2 =	rddreg [dreg:$0x1]  }
0x3: {  	s0 =	rddreg [dreg:$0x2];
	s3 =	simm.s32 $0x0  }
0x4: {  	s1 =	stileid.u32;
	s4 =	srdreg.scid;
	s16 =	simm.s32 $0x14200  }
0x5: {  	s17 =	simm.s32 $0x14100;
	s18 =	simm.s32 $0x4;
	s19 =	simm.s32 $0x17600  }
0x6: {  	s20 =	simm.s32 $0x1;
	s21 =	simm.s32 $0x14080;
	s22 =	simm.s32 $0x2  }
0x7: {  	s23 =	simm.s32 $0x14180;
	[smem:$0x7FF] =	sst s3;
	s6 =	smul.u32 $0x14000, s1  }
0x8: {  	s7 =	sand.u32 $0x1, s4;
	s11 =	sadd.s32 $0x3000, s5;
	s24 =	smul.u32 $0x50000, s1  }
0x9: {  	s4 =	sadd.s32 $0x44000, s5;
	s28 =	smul.u32 $0x6400, s1;
	s30 =	sshll.u32 s1, $0x6  }
0xa: {  	_ =	strace $0x80000050;
	s9 =	smul.u32 $0x140000, s7;
	s10 =	sshll.u32 s7, $0x4  }
0xb: {  	s12 =	ssub.s32 $0x2, s7;
	s7 =	smul.u32 $0x64000, s7;
	s8 =	sshrl.u32 s6, $0x3  }
0xc: {  	s10 =	sor.u32 s1, s10;
	s25 =	sshrl.u32 s12, $0x1;
	s26 =	sshrl.u32 s24, $0x2  }
0xd: {  	s24 =	simm.s32 $0x3;
	s8 =	sadd.s32 s8, s5;
	s6 =	sadd.s32 s6, s9  }
0xe: {  	s10 =	smul.u32 $0x6400, s10;
	s12 =	ssub.s32 s12, s25;
	s14 =	sadd.s32 s26, s2  }
0xf: {  	s9 =	sadd.s32 s28, s7;
	s7 =	sor.u32 $0x1C05, s30;
	s6 =	sshrl.u32 s6, $0x3  }
0x10: {  	s25 =	simm.s32 $0x0;
	s15 =	sor.u32 $0x200, s9;
	s13 =	sadd.s32 s6, s5  }
0x11: {  	s5 =	sadd.s32 $0x1C000, s8;
	s29 =	sshrl.u32 s10, $0x3;
	s10 =	smax.u32 s12, $0x1  }
0x12: {  	s31 =	sshrl.u32 s15, $0x3;
	s12 =	sshrl.u32 s14, $0x3;
	s14 =	simm.s32 $0x14000  }
0x13: {  	s15 =	simm.s32 $0x64;
	s6 =	sadd.s32 s11, s29;
	s9 =	sadd.s32 $0xF1000, s13  }
0x14: {  	s11 =	sadd.s32 s31, s11;
	s13 =	simm.s32 $0x5;
	s8 =	sadd.s32 $0x20, s6  }
.LBB2_1:
0x15: {  	[spmem:s12], [sflag:s7] =	dma.local [hbm:s5], $0x2800  }
0x16: {  	_ =	swait.ge [sflag:s13], $0x2800  }
0x17: {  	[sflag:s13] =	ssyncset.done $0x0  }
0x18: {  	[sflag:s13] =	ssyncadd.s32 $0xFFFFD800  }
0x19: {  	[bflag:$0x0] =	sbarrier.arrive $0xFFFF  }
0x1a: {  	[tilespmem:s14], [sflag:$0x5] =	stream.linear.gather [hbm4b:s6+s3], $0x100, $0x38;
	[tilespmem:$0x1AA00] =	vst v63  }
0x1b: {  	_ =	swait.ge [sflag:s13], $0x100  }
0x1c: {  	[sflag:s13] =	ssyncset.done $0x0  }
0x1d: {  	[sflag:s13] =	ssyncadd.s32 $0xFFFFFF00  }
0x1e: {  	[tilespmem:s16], [sflag:$0x1] =	stream.indirect.gather [hbm4b:s4+s15], $0x80, s14, s15, $0xb8;
	[tilespmem:$0x1AA00] =	vst v63  }
0x1f: {  	s26 =	smov.u32 s11;
	s28 =	simm.s32 $0x0  }
0x20: {  	[tilespmem:s17], [sflag:$0x4] =	stream.linear.gather [hbm4b:s8+s3], $0x100, $0x38;
	[tilespmem:$0x1AA00] =	vst v63  }
.LBB2_2:
0x21: {  	s29 =	sand.u32 $0x1, s28  }
0x22: {  	p0 =	seq.s32 s29, $0x1  }
0x23: {  	s29 =	simm.s32 @!p0 $0x4  }
0x24: {  	_ =	swait.ge @!p0 [sflag:s29], $0x100  }
0x25: {  	s30 =	simm.s32 @!p0 $0x14100;
	[sflag:s29] =	ssyncset.done @!p0 $0x0  }
0x26: {  	s31 =	simm.s32 @!p0 $0x17600;
	[sflag:s29] =	ssyncadd.s32 @!p0 $0xFFFFFF00;
	s29 =	simm.s32 @!p0 $0x64  }
0x27: {  	[tilespmem:s31], [sflag:$0x2] =	stream.indirect.gather @!p0 [hbm4b:s4+s29], $0x80, s30, s29, $0xb8;
	[tilespmem:$0x1AA00] =	vst v63  }
0x28: {  	s30 =	simm.s32 @!p0 $0x1  }
0x29: {  	_ =	swait.ge @!p0 [sflag:s30], $0x3200  }
0x2a: {  	[sflag:s30] =	ssyncset.done @!p0 $0x0  }
0x2b: {  	s31 =	simm.s32 @!p0 $0x14200;
	[sflag:s30] =	ssyncadd.s32 @!p0 $0xFFFFCE00;
	s30 =	simm.s32 @!p0 $0x14080  }
0x2c: {  	[spmem:s2] =	stream.indirect.scatter.add.f32 @!p0 [tilespmem:s31], [sflag:$0x5], $0x80, s30, s29, $0xb8;
	[tilespmem:$0x1AA00] =	vst v63  }
0x2d: {  	s29 =	simm.s32 @!p0 $0x5  }
0x2e: {  	_ =	swait.ge @!p0 [sflag:s29], $0x3200  }
0x2f: {  	[sflag:s29] =	ssyncset.done @!p0 $0x0  }
0x30: {  	s30 =	simm.s32 @!p0 $0x14000;
	[sflag:s29] =	ssyncadd.s32 @!p0 $0xFFFFCE00;
	s29 =	simm.s32 @!p0 $0x0  }
0x31: {  	[tilespmem:s30], [sflag:$0x3] =	stream.linear.gather @!p0 [hbm4b:s26+s29], $0x100, $0x38;
	[tilespmem:$0x1AA00] =	vst v63  }
0x32: {  	s29 =	sand.u32 @!p0 $0x1, s28  }
0x33: {  	p1 =	seq.s32 @!p0 s29, $0x0  }
0x34: {  	p0 =	por p0, !p1  }
0x35: {  	_ =	swait.ge @p0 [sflag:s24], $0x100  }
0x36: {  	[sflag:s24] =	ssyncset.done @p0 $0x0  }
0x37: {  	[sflag:s24] =	ssyncadd.s32 @p0 $0xFFFFFF00  }
0x38: {  	[tilespmem:s16], [sflag:$0x1] =	stream.indirect.gather @p0 [hbm4b:s4+s15], $0x80, s14, s15, $0xb8;
	[tilespmem:$0x1AA00] =	vst v63  }
0x39: {  	_ =	swait.ge @p0 [sflag:s22], $0x3200  }
0x3a: {  	[sflag:s22] =	ssyncset.done @p0 $0x0  }
0x3b: {  	[sflag:s22] =	ssyncadd.s32 @p0 $0xFFFFCE00  }
0x3c: {  	[spmem:s2] =	stream.indirect.scatter.add.f32 @p0 [tilespmem:s19], [sflag:$0x5], $0x80, s23, s15, $0xb8;
	[tilespmem:$0x1AA00] =	vst v63  }
0x3d: {  	_ =	swait.ge @p0 [sflag:s13], $0x3200  }
0x3e: {  	[sflag:s13] =	ssyncset.done @p0 $0x0  }
0x3f: {  	s28 =	sadd.s32 $0x1, s28;
	[sflag:s13] =	ssyncadd.s32 @p0 $0xFFFFCE00  }
0x40: {  	[tilespmem:s17], [sflag:$0x4] =	stream.linear.gather @p0 [hbm4b:s26+s3], $0x100, $0x38;
	[tilespmem:$0x1AA00] =	vst v63  }
0x41: {  	p0 =	sne.s32 s28, $0x62  }
.Ltmp0:
0x42: {  	_ = 	snop;
	(pc) =	sbr.rel @p0 .LBB2_2-.Ltmp0, $2  }
0x43: {  	_ =	sdelay $0x2  }
0x44: {  	s26 =	sadd.s32 $0x20, s26  }
0x45: {  	_ =	swait.ge [sflag:s18], $0x100  }
0x46: {  	[sflag:s18] =	ssyncset.done $0x0  }
0x47: {  	[sflag:s18] =	ssyncadd.s32 $0xFFFFFF00  }
0x48: {  	[tilespmem:s19], [sflag:$0x2] =	stream.indirect.gather [hbm4b:s4+s15], $0x80, s17, s15, $0xb8;
	[tilespmem:$0x1AA00] =	vst v63  }
0x49: {  	_ =	swait.ge [sflag:s20], $0x3200  }
0x4a: {  	[sflag:s20] =	ssyncset.done $0x0  }
0x4b: {  	[sflag:s20] =	ssyncadd.s32 $0xFFFFCE00  }
0x4c: {  	[spmem:s2] =	stream.indirect.scatter.add.f32 [tilespmem:s16], [sflag:$0x5], $0x80, s21, s15, $0xb8;
	[tilespmem:$0x1AA00] =	vst v63  }
0x4d: {  	_ =	swait.ge [sflag:s13], $0x3200  }
0x4e: {  	[sflag:s13] =	ssyncset.done $0x0  }
0x4f: {  	[sflag:s13] =	ssyncadd.s32 $0xFFFFCE00  }
0x50: {  	_ =	swait.ge [sflag:s22], $0x3200  }
0x51: {  	[sflag:s22] =	ssyncset.done $0x0  }
0x52: {  	[sflag:s22] =	ssyncadd.s32 $0xFFFFCE00  }
0x53: {  	[spmem:s2] =	stream.indirect.scatter.add.f32 [tilespmem:s19], [sflag:$0x5], $0x80, s23, s15, $0xb8;
	[tilespmem:$0x1AA00] =	vst v63  }
0x54: {  	_ =	swait.ge [sflag:s13], $0x3200  }
0x55: {  	s25 =	sadd.s32 $0x1, s25;
	[sflag:s13] =	ssyncset.done $0x0  }
0x56: {  	p0 =	sne.s32 s25, s10;
	[sflag:s13] =	ssyncadd.s32 $0xFFFFCE00  }
.Ltmp1:
0x57: {  	[bflag:$0x0] =	sbarrier.arrive $0xFFFF;
	(pc) =	sbr.rel @p0 .LBB2_1-.Ltmp1, $4  }
0x58: {  	[hbm:s9], [sflag:s7] =	dma.local [spmem:s12], $0x2800  }
0x59: {  	_ =	swait.ge [sflag:s13], $0x2800  }
0x5a: {  	[sflag:s13] =	ssyncset.done $0x0  }
0x5b: {  	[sflag:s13] =	ssyncadd.s32 $0xFFFFD800  }
0x5c: {  	_ =	sfence.sel $0x180000  }
0x5d: {  	[bflag:$0x0] =	sbarrier.arrive $0xFFFF  }
0x5e: {  	p0 =	sne.s32 s1, $0x0;
	_ =	strace $0x90000050  }
0x5f: {  	s0 =	sadd.s32 @!p0 $0x100000, s0;
	[bflag:$0x2] =	sbarrier.arrive $0xFFFF  }
0x60: {  	[sflag:s0] =	ssyncadd.tile.s32 @!p0 $0x1;
	_ =	shalt  }
.Lfunc_end2:
_tile_overlayer_lowered:
.L_overlay_start_2:
0x61: {  	(tag) =	ssettag $0x2  }
0x62: {  	s0 =	rddreg [dreg:$0x0];
	s2 =	stileid.u32  }
0x63: {  	s1 =	rddreg [dreg:$0x1];
	p0 =	sne.s32 s2, $0x0  }
0x64: {  	s3 =	rddreg [dreg:$0x2];
	[bflag:$0x3] =	sbarrier.arrive $0xFFFF;
	s2 =	simm.s32 @!p0 $0x1C05  }
0x65: {  	[timem:s3], [sflag:s2] =	dma.local @!p0 [hbm:s0], s1  }
0x66: {  	s0 =	simm.s32 @!p0 $0x5  }
0x67: {  	_ =	swait.ge @!p0 [sflag:s0], s1  }
0x68: {  	s1 =	ssub.s32 @!p0 $0x0, s1;
	[sflag:s0] =	ssyncset.done @!p0 $0x0  }
0x69: {  	[sflag:s0] =	ssyncadd.s32 @!p0 s1  }
0x6a: {  	[bflag:$0x3] =	sbarrier.arrive $0xFFFF  }
0x6b: {  	_ =	shalt  }

</sc_bundles>
